<compile_context>
chip_gen: v7x
topology: tpu7x:2x2x1
jax: 0.10.2.dev20260603
libtpu: 0.0.44.dev20260713+nightly
codegen_flags: <defaults>
</compile_context>

<pallas_src>
import functools
import jax
import jax.numpy as jnp
from jax import lax
from jax.experimental import pallas as pl
from jax.experimental.pallas import tpu as pltpu
from jax.experimental.pallas import tpu_sc as plsc

_N = 10000
_E = 320000
_FIN, _DIM, _C = 128, 16, 64
_NC, _NS, _L = 2, 16, 16
_NW = _NC * _NS
_CHUNK = 128
_TOTC = _E // _CHUNK
_CPW = _TOTC // _NW
_XTRA = _TOTC - _CPW * _NW
_CMAX = _CPW + 1
_NROWS = 10240
_RPT = _NROWS // _NS
_HR = 640
_HSL = _HR * _L // _NS
_PN = _N // 8
_PR = _NROWS // 8


def _mesh():
    return plsc.VectorSubcoreMesh(
        core_axis_name="c", subcore_axis_name="s",
        num_cores=_NC, num_subcores=_NS)


def _worker_chunks(wid):
    first_x = _NW - _XTRA
    base = _CPW * wid + lax.max(wid - first_x, 0)
    n = jnp.where(wid >= first_x, _CMAX, _CPW)
    return base, n



@functools.partial(
    pl.kernel,
    out_type=(jax.ShapeDtypeStruct((_NC, _HR * _L, _L), jnp.float32),
              jax.ShapeDtypeStruct((_NC, _HR * _L, _C), jnp.float32)),
    mesh=_mesh(),
    scratch_types=[
        pltpu.VMEM((_E // _NW // _L, _L), jnp.int32),
        pltpu.VMEM((_HR * _L,), jnp.float32),
        pltpu.VMEM((_NS, _HSL), jnp.float32),
        pltpu.VMEM((_HSL, _L), jnp.float32),
        pltpu.VMEM_SHARED((_NS, _HR * _L), jnp.float32),
    ],
    compiler_params=pltpu.CompilerParams(
        needs_layout_passes=False, use_tc_tiling_on_sc=False),
)
def _sc_deg(edge16_hbm, out16_hbm, out64_hbm, idx_v, hist_v, tmp_v, rep_v,
            stage_sh):
    cid = lax.axis_index("c")
    sid = lax.axis_index("s")
    wid = sid * _NC + cid
    epw = _E // _NW
    zero16 = jnp.zeros((_L,), jnp.float32)

    def zbody(i, _):
        hist_v[pl.ds(i * _L, _L)] = zero16
        return 0
    lax.fori_loop(0, _HR, zbody, 0)

    pltpu.sync_copy(edge16_hbm.at[1, pl.ds(wid * (epw // _L), epw // _L)],
                    idx_v)
    ones16 = jnp.ones((_L,), jnp.float32)

    def body(i, _):
        ii = idx_v[i]
        plsc.addupdate_scatter(hist_v, [ii], ones16)
        return 0
    lax.fori_loop(0, epw // _L, body, 0)

    pltpu.sync_copy(hist_v, stage_sh.at[sid])
    plsc.subcore_barrier()
    pltpu.sync_copy(stage_sh.at[:, pl.ds(sid * _HSL, _HSL)], tmp_v)

    def rbody(k, _):
        acc = tmp_v[0, pl.ds(k * _L, _L)]
        for t in range(1, _NS):
            acc = acc + tmp_v[t, pl.ds(k * _L, _L)]
        tmp_v[0, pl.ds(k * _L, _L)] = acc
        return 0
    lax.fori_loop(0, _HSL // _L, rbody, 0)

    lane = lax.iota(jnp.int32, _L)

    def bbody(k, _):
        v = tmp_v[0, pl.ds(k * _L, _L)]
        row = k * _L + lane
        for j in range(_L):
            col = jnp.full((_L,), j, jnp.int32)
            plsc.store_scatter(rep_v, [row, col], v)
        return 0
    lax.fori_loop(0, _HSL // _L, bbody, 0)
    pltpu.sync_copy(rep_v, out16_hbm.at[cid, pl.ds(sid * _HSL, _HSL)])
    for j in range(_C // _L):
        pltpu.sync_copy(
            rep_v,
            out64_hbm.at[cid, pl.ds(sid * _HSL, _HSL), pl.ds(j * _L, _L)])



def _make_agg(F, nbuf):
    @functools.partial(
        pl.kernel,
        out_type=jax.ShapeDtypeStruct((_NC, _NROWS, F), jnp.float32),
        mesh=_mesh(),
        scratch_types=[
            pltpu.VMEM((_CMAX, _CHUNK), jnp.int32),
            pltpu.VMEM((_CMAX, _CHUNK), jnp.int32),
            pltpu.VMEM((nbuf, _CHUNK, F), jnp.float32),
            pltpu.VMEM_SHARED((_NROWS, F), jnp.float32),
            pltpu.SemaphoreType.DMA,
            pltpu.SemaphoreType.DMA,
        ],
        compiler_params=pltpu.CompilerParams(
            needs_layout_passes=False, use_tc_tiling_on_sc=False),
    )
    def agg(edge3_hbm, tab_hbm, out_hbm, srcv, dstv, rows, acc_sh,
            gsem, ssem):
        cid = lax.axis_index("c")
        sid = lax.axis_index("s")
        wid = sid * _NC + cid
        base, nsc = _worker_chunks(wid)
        zero16 = jnp.zeros((_L,), jnp.float32)

        def zbody(i, _):
            for k in range(F // _L):
                rows[0, i, pl.ds(k * _L, _L)] = zero16
            return 0
        lax.fori_loop(0, 128, zbody, 0)

        def zcopy(j, _):
            pltpu.sync_copy(
                rows.at[0, pl.ds(0, 128)],
                acc_sh.at[pl.ds(sid * _RPT + j * 128, 128)])
            return 0
        lax.fori_loop(0, _RPT // 128, zcopy, 0)

        pltpu.sync_copy(edge3_hbm.at[0, pl.ds(base, _CMAX)], srcv)
        pltpu.sync_copy(edge3_hbm.at[1, pl.ds(base, _CMAX)], dstv)
        plsc.subcore_barrier()

        def g_idx(c):
            return srcv.at[c]

        def s_idx(c):
            return dstv.at[c]

        for b in range(nbuf):
            pltpu.async_copy(tab_hbm.at[g_idx(b)], rows.at[b], gsem)

        def body(c, _):
            b = lax.rem(c, nbuf)
            pltpu.make_async_copy(tab_hbm.at[g_idx(c)], rows.at[b],
                                  gsem).wait()
            pltpu.async_copy(rows.at[b], acc_sh.at[s_idx(c)], ssem,
                             add=True)

            @pl.when(c >= 1)
            def _refill():
                p = c - 1
                pb = lax.rem(p, nbuf)
                pltpu.make_async_copy(rows.at[pb], acc_sh.at[s_idx(p)],
                                      ssem).wait()

                @pl.when(p + nbuf < nsc)
                def _issue():
                    pltpu.async_copy(tab_hbm.at[g_idx(p + nbuf)],
                                     rows.at[pb], gsem)
            return 0
        lax.fori_loop(0, nsc, body, 0)

        pltpu.make_async_copy(rows.at[lax.rem(nsc - 1, nbuf)],
                              acc_sh.at[s_idx(nsc - 1)], ssem).wait()
        plsc.subcore_barrier()
        pltpu.sync_copy(acc_sh.at[pl.ds(sid * _RPT, _RPT)],
                        out_hbm.at[cid, pl.ds(sid * _RPT, _RPT)])
    return agg


_sc_agg16 = _make_agg(_DIM, 8)
_sc_agg64 = _make_agg(_C, 6)



def _tc_mm1(x_ref, w_ref, o_ref):
    o_ref[...] = jnp.dot(x_ref[...], w_ref[...],
                         preferred_element_type=jnp.float32)


def _tc_prep(deg_ref, h_ref, hs_ref, dinv_ref):
    dsum = deg_ref[0, pl.ds(0, _PN), :] + deg_ref[1, pl.ds(0, _PN), :] + 1.0
    dinv = lax.rsqrt(dsum)
    dinv_ref[...] = dinv
    hs_ref[...] = h_ref[...] * dinv


def _tc_mid(a_ref, hs_ref, dinv_ref, w_ref, b_ref, gs_ref):
    dinv = dinv_ref[...]
    a = a_ref[0, pl.ds(0, _PN), :] + a_ref[1, pl.ds(0, _PN), :]
    pre = (a + hs_ref[...]) * dinv + b_ref[...]
    h1s = jnp.maximum(pre, 0.0) * dinv
    gs_ref[...] = jnp.dot(h1s, w_ref[...], preferred_element_type=jnp.float32)


def _tc_final(a_ref, gs_ref, deg_ref, b_ref, logp_ref, out_ref):
    dsum = deg_ref[0, pl.ds(0, _PN), :] + deg_ref[1, pl.ds(0, _PN), :] + 1.0
    dinv = lax.rsqrt(dsum)
    a = a_ref[0, pl.ds(0, _PN), :] + a_ref[1, pl.ds(0, _PN), :]
    out = (a + gs_ref[...]) * dinv + b_ref[...]
    for j in range(8):
        blk = out[:, j * _C:(j + 1) * _C]
        m = jnp.max(blk, axis=1, keepdims=True)
        lse = jnp.log(jnp.sum(jnp.exp(blk - m), axis=1, keepdims=True)) + m
        out_ref[:, j * _C:(j + 1) * _C] = blk
        logp_ref[:, j * _C:(j + 1) * _C] = blk - lse


@jax.jit
def _run(x, edge_index, W1, b1, W2, b2):
    edge3 = edge_index.reshape(2, _TOTC, _CHUNK)
    edge16 = edge_index.reshape(2, _E // _L, _L)
    eye8 = jnp.eye(8, dtype=jnp.float32)
    W1b = jnp.kron(eye8, W1)
    W2b = jnp.kron(eye8, W2)
    b1t = jnp.tile(b1, 8).reshape(1, 8 * _DIM)
    b2t = jnp.tile(b2, 8).reshape(1, 8 * _C)

    deg16, deg64 = _sc_deg(edge16)
    deg16_p = deg16.reshape(_NC, _PR, 8 * _DIM)
    deg64_p = deg64.reshape(_NC, _PR, 8 * _C)

    h_p = pl.pallas_call(
        _tc_mm1,
        out_shape=jax.ShapeDtypeStruct((_PN, 8 * _DIM), jnp.float32),
    )(x.reshape(_PN, 8 * _FIN), W1b)

    hs_p, dinv_p = pl.pallas_call(
        _tc_prep,
        out_shape=(jax.ShapeDtypeStruct((_PN, 8 * _DIM), jnp.float32),
                   jax.ShapeDtypeStruct((_PN, 8 * _DIM), jnp.float32)),
    )(deg16_p, h_p)

    a1 = _sc_agg16(edge3, hs_p.reshape(_N, _DIM))
    gs_p = pl.pallas_call(
        _tc_mid,
        out_shape=jax.ShapeDtypeStruct((_PN, 8 * _C), jnp.float32),
    )(a1.reshape(_NC, _PR, 8 * _DIM), hs_p, dinv_p, W2b, b1t)

    a2 = _sc_agg64(edge3, gs_p.reshape(_N, _C))
    logp_p, out_p = pl.pallas_call(
        _tc_final,
        out_shape=(jax.ShapeDtypeStruct((_PN, 8 * _C), jnp.float32),
                   jax.ShapeDtypeStruct((_PN, 8 * _C), jnp.float32)),
    )(a2.reshape(_NC, _PR, 8 * _C), gs_p, deg64_p, b2t)
    return logp_p.reshape(_N, _C), out_p.reshape(_N, _C)


def kernel(x, edge_index, W1, b1, W2, b2):
    return _run(x, edge_index, W1, b1, W2, b2)

# --- scband reference (transcript-rebuilt; emitter-appended) ---
"""Pipeline reference for scband-gcn-2370821947943 (READ-ONLY COPY).

The authoritative reference and input builder live on the scoring server;
editing this copy changes nothing except your own understanding.
"""

import jax, jax.numpy as jnp
import numpy as np

N, E, F_IN, DIM, C = 10000, 320000, 128, 16, 64


def gcn_conv(x, edge_index, W, b):
    n = x.shape[0]
    loop = jnp.arange(n, dtype=edge_index.dtype)
    src = jnp.concatenate([edge_index[0], loop])
    dst = jnp.concatenate([edge_index[1], loop])
    h = x @ W
    deg = jnp.zeros((n,), dtype=h.dtype).at[dst].add(1.0)
    dinv = jnp.where(deg > 0, deg ** -0.5, 0.0)
    norm = dinv[src] * dinv[dst]
    out = jnp.zeros((n, W.shape[1]), dtype=h.dtype).at[dst].add(h[src] * norm[:, None])
    return out + b


def setup_inputs(seed: int = 0) -> dict:
    key = jax.random.key(seed)
    ks = jax.random.split(key, 6)
    x = jax.random.normal(ks[0], (N, F_IN), dtype=jnp.float32)
    edge_index = jax.random.randint(ks[1], (2, E), 0, N, dtype=jnp.int32)
    W1 = jax.random.normal(ks[2], (F_IN, DIM), dtype=jnp.float32) * (1.0 / np.sqrt(F_IN))
    b1 = jnp.zeros((DIM,), dtype=jnp.float32)
    W2 = jax.random.normal(ks[3], (DIM, C), dtype=jnp.float32) * (1.0 / np.sqrt(DIM))
    b2 = jnp.zeros((C,), dtype=jnp.float32)
    return {"x": x, "edge_index": edge_index, "W1": W1, "b1": b1, "W2": W2, "b2": b2}


def reference(x, edge_index, W1, b1, W2, b2):
    h = jax.nn.relu(gcn_conv(x, edge_index, W1, b1))
    # dropout in eval mode: identity
    out = gcn_conv(h, edge_index, W2, b2)
    return (jax.nn.log_softmax(out, axis=1), out)

if __name__ == "__main__":
    import jax
    _d = setup_inputs()
    print(jax.jit(kernel)(*tuple(_d.values())))

</pallas_src>

<mosaic_0001>
#map = affine_map<(d0, d1) -> (0, 0, 0)>
module attributes {stable_mosaic.version = 14 : i64} {
  func.func @_sc_deg(%arg0: i32, %arg1: i32, %arg2: memref<2x20000x16xi32, #tpu.memory_space<hbm>>, %arg3: memref<2x10240x16xf32, #tpu.memory_space<hbm>>, %arg4: memref<2x10240x64xf32, #tpu.memory_space<hbm>>, %arg5: memref<625x16xi32, #tpu.memory_space<vmem>>, %arg6: memref<10240xf32, #tpu.memory_space<vmem>>, %arg7: memref<16x640xf32, #tpu.memory_space<vmem>>, %arg8: memref<640x16xf32, #tpu.memory_space<vmem>>, %arg9: memref<16x10240xf32, #tpu.memory_space<vmem_shared>>) attributes {dimension_semantics = [#tpu.dimension_semantics<core_parallel>, #tpu.dimension_semantics<subcore_parallel>], iteration_bounds = array<i64: 2, 16>, scalar_prefetch = 0 : i64, scratch_operands = 5 : i64, tpu.core_type = #tpu.core_type<sc_vector_subcore>, window_params = [{transform_indices = #map}, {transform_indices = #map}, {transform_indices = #map}]} {
    %mul3A = arith.constant 2 : i32
    %mul3A_0 = arith.muli %arg1, %mul3A : i32
    %add3A = arith.addi %mul3A_0, %arg0 : i32
    %broadcast_in_dim3A = arith.constant 0.000000e+00 : f32
    %broadcast_in_dim3A_1 = vector.broadcast %broadcast_in_dim3A : f32 to vector<16xf32>
    %scan3A = arith.constant 0 : i32
    %scan3A_2 = arith.constant 0 : i32
    %scan3A_3 = arith.constant 640 : i32
    %scan3A_4 = arith.addi %scan3A_2, %scan3A_3 : i32
    %scan3A_5 = arith.constant 1 : i32
    %scan3A_6 = scf.for %scan3A_45 = %scan3A_2 to %scan3A_4 step %scan3A_5 iter_args(%scan3A_46 = %scan3A) -> (i32)  : i32 {
      %mul3A_47 = arith.constant 16 : i32
      %mul3A_48 = arith.muli %scan3A_45, %mul3A_47 : i32
      %swap3A = arith.index_cast %mul3A_48 : i32 to index
      %swap3A_49 = tpu.vector_load %arg6[%swap3A] {strides = array<i32>} : memref<10240xf32, #tpu.memory_space<vmem>>, vector<16xf32>,
      tpu.vector_store %arg6[%swap3A], %broadcast_in_dim3A_1 {strides = array<i32>} : memref<10240xf32, #tpu.memory_space<vmem>>, vector<16xf32>,
      %scan3A_50 = arith.constant 0 : i32
      scf.yield %scan3A_50 : i32
    }
    %scan3A_7 = arith.constant 640 : i32
    %mul3A_8 = arith.constant 625 : i32
    %mul3A_9 = arith.muli %add3A, %mul3A_8 : i32
    %run_scoped3A = arith.constant 1 : i32
    "tpu.region"() ({
      %run_scoped3A_45 = tpu.sem_alloc : memref<!tpu.dma_semaphore, #tpu.memory_space<semaphore_mem>>
      %dma_start3A = arith.constant 0 : i32
      %dma_start3A_46 = tpu.memref_slice %arg2[%run_scoped3A, %mul3A_9, %dma_start3A] : memref<2x20000x16xi32, #tpu.memory_space<hbm>> -> memref<1x625x16xi32, #tpu.memory_space<hbm>>
      %dma_start3A_47 = tpu.memref_squeeze %dma_start3A_46 : memref<1x625x16xi32, #tpu.memory_space<hbm>> -> memref<625x16xi32, #tpu.memory_space<hbm>>
      %dma_start3A_48 = arith.constant 0 : i32
      %dma_start3A_49 = tpu.memref_slice %arg2[%run_scoped3A, %mul3A_9, %dma_start3A_48] : memref<2x20000x16xi32, #tpu.memory_space<hbm>> -> memref<1x625x16xi32, #tpu.memory_space<hbm>>
      %dma_start3A_50 = tpu.memref_squeeze %dma_start3A_49 : memref<1x625x16xi32, #tpu.memory_space<hbm>> -> memref<625x16xi32, #tpu.memory_space<hbm>>
      tpu.enqueue_dma source(%dma_start3A_50 : memref<625x16xi32, #tpu.memory_space<hbm>>) target(%arg5 : memref<625x16xi32, #tpu.memory_space<vmem>>) target_semaphore(%run_scoped3A_45 : memref<!tpu.dma_semaphore, #tpu.memory_space<semaphore_mem>>)
      %dma_wait3A = arith.constant 0 : i32
      %dma_wait3A_51 = tpu.memref_slice %arg2[%run_scoped3A, %mul3A_9, %dma_wait3A] : memref<2x20000x16xi32, #tpu.memory_space<hbm>> -> memref<1x625x16xi32, #tpu.memory_space<hbm>>
      %dma_wait3A_52 = tpu.memref_squeeze %dma_wait3A_51 : memref<1x625x16xi32, #tpu.memory_space<hbm>> -> memref<625x16xi32, #tpu.memory_space<hbm>>
      %dma_wait3A_53 = arith.constant 0 : i32
      %dma_wait3A_54 = tpu.memref_slice %arg2[%run_scoped3A, %mul3A_9, %dma_wait3A_53] : memref<2x20000x16xi32, #tpu.memory_space<hbm>> -> memref<1x625x16xi32, #tpu.memory_space<hbm>>
      %dma_wait3A_55 = tpu.memref_squeeze %dma_wait3A_54 : memref<1x625x16xi32, #tpu.memory_space<hbm>> -> memref<625x16xi32, #tpu.memory_space<hbm>>
      tpu.wait_dma2 semaphore(%run_scoped3A_45 : memref<!tpu.dma_semaphore, #tpu.memory_space<semaphore_mem>>) src(%dma_wait3A_55 : memref<625x16xi32, #tpu.memory_space<hbm>>) dst(%arg5 : memref<625x16xi32, #tpu.memory_space<vmem>>)
      tpu.yield
    }) : () -> ()
    %broadcast_in_dim3A_10 = arith.constant 1.000000e+00 : f32
    %broadcast_in_dim3A_11 = vector.broadcast %broadcast_in_dim3A_10 : f32 to vector<16xf32>
    %scan3A_12 = arith.constant 0 : i32
    %scan3A_13 = arith.constant 0 : i32
    %scan3A_14 = arith.constant 625 : i32
    %scan3A_15 = arith.addi %scan3A_13, %scan3A_14 : i32
    %scan3A_16 = arith.constant 1 : i32
    %scan3A_17 = scf.for %scan3A_45 = %scan3A_13 to %scan3A_15 step %scan3A_16 iter_args(%scan3A_46 = %scan3A_12) -> (i32)  : i32 {
      %get3A = arith.index_cast %scan3A_45 : i32 to index
      %get3A_47 = arith.constant 0 : index
      %get3A_48 = tpu.vector_load %arg5[%get3A, %get3A_47] {strides = array<i32>} : memref<625x16xi32, #tpu.memory_space<vmem>>, vector<16xi32>,
      tpu.vector_store_idx %arg6[%get3A_48], %broadcast_in_dim3A_11 {add = true} : memref<10240xf32, #tpu.memory_space<vmem>>[vector<16xi32>], vector<16xf32>,
      %scan3A_49 = arith.constant 0 : i32
      scf.yield %scan3A_49 : i32
    }
    %scan3A_18 = arith.constant 625 : i32
    "tpu.region"() ({
      %run_scoped3A_45 = tpu.sem_alloc : memref<!tpu.dma_semaphore, #tpu.memory_space<semaphore_mem>>
      %dma_start3A = arith.constant 0 : i32
      %dma_start3A_46 = tpu.memref_slice %arg9[%arg1, %dma_start3A] : memref<16x10240xf32, #tpu.memory_space<vmem_shared>> -> memref<1x10240xf32, #tpu.memory_space<vmem_shared>>
      %dma_start3A_47 = tpu.memref_squeeze %dma_start3A_46 : memref<1x10240xf32, #tpu.memory_space<vmem_shared>> -> memref<10240xf32, #tpu.memory_space<vmem_shared>>
      %dma_start3A_48 = arith.constant 0 : i32
      %dma_start3A_49 = tpu.memref_slice %arg9[%arg1, %dma_start3A_48] : memref<16x10240xf32, #tpu.memory_space<vmem_shared>> -> memref<1x10240xf32, #tpu.memory_space<vmem_shared>>
      %dma_start3A_50 = tpu.memref_squeeze %dma_start3A_49 : memref<1x10240xf32, #tpu.memory_space<vmem_shared>> -> memref<10240xf32, #tpu.memory_space<vmem_shared>>
      tpu.enqueue_dma source(%arg6 : memref<10240xf32, #tpu.memory_space<vmem>>) target(%dma_start3A_50 : memref<10240xf32, #tpu.memory_space<vmem_shared>>) target_semaphore(%run_scoped3A_45 : memref<!tpu.dma_semaphore, #tpu.memory_space<semaphore_mem>>)
      %dma_wait3A = arith.constant 0 : i32
      %dma_wait3A_51 = tpu.memref_slice %arg9[%arg1, %dma_wait3A] : memref<16x10240xf32, #tpu.memory_space<vmem_shared>> -> memref<1x10240xf32, #tpu.memory_space<vmem_shared>>
      %dma_wait3A_52 = tpu.memref_squeeze %dma_wait3A_51 : memref<1x10240xf32, #tpu.memory_space<vmem_shared>> -> memref<10240xf32, #tpu.memory_space<vmem_shared>>
      %dma_wait3A_53 = arith.constant 0 : i32
      %dma_wait3A_54 = tpu.memref_slice %arg9[%arg1, %dma_wait3A_53] : memref<16x10240xf32, #tpu.memory_space<vmem_shared>> -> memref<1x10240xf32, #tpu.memory_space<vmem_shared>>
      %dma_wait3A_55 = tpu.memref_squeeze %dma_wait3A_54 : memref<1x10240xf32, #tpu.memory_space<vmem_shared>> -> memref<10240xf32, #tpu.memory_space<vmem_shared>>
      tpu.wait_dma2 semaphore(%run_scoped3A_45 : memref<!tpu.dma_semaphore, #tpu.memory_space<semaphore_mem>>) src(%arg6 : memref<10240xf32, #tpu.memory_space<vmem>>) dst(%dma_wait3A_55 : memref<10240xf32, #tpu.memory_space<vmem_shared>>)
      tpu.yield
    }) : () -> ()
    %barrier3A = arith.constant 0 : index
    tpu.barrier barrier_id(%barrier3A)
    %mul3A_19 = arith.constant 640 : i32
    %mul3A_20 = arith.muli %arg1, %mul3A_19 : i32
    "tpu.region"() ({
      %run_scoped3A_45 = tpu.sem_alloc : memref<!tpu.dma_semaphore, #tpu.memory_space<semaphore_mem>>
      %dma_start3A = arith.constant 0 : i32
      %dma_start3A_46 = tpu.memref_slice %arg9[%dma_start3A, %mul3A_20] : memref<16x10240xf32, #tpu.memory_space<vmem_shared>> -> memref<16x640xf32, #tpu.memory_space<vmem_shared>>
      %dma_start3A_47 = arith.constant 0 : i32
      %dma_start3A_48 = tpu.memref_slice %arg9[%dma_start3A_47, %mul3A_20] : memref<16x10240xf32, #tpu.memory_space<vmem_shared>> -> memref<16x640xf32, #tpu.memory_space<vmem_shared>>
      tpu.enqueue_dma source(%dma_start3A_48 : memref<16x640xf32, #tpu.memory_space<vmem_shared>>) target(%arg7 : memref<16x640xf32, #tpu.memory_space<vmem>>) target_semaphore(%run_scoped3A_45 : memref<!tpu.dma_semaphore, #tpu.memory_space<semaphore_mem>>)
      %dma_wait3A = arith.constant 0 : i32
      %dma_wait3A_49 = tpu.memref_slice %arg9[%dma_wait3A, %mul3A_20] : memref<16x10240xf32, #tpu.memory_space<vmem_shared>> -> memref<16x640xf32, #tpu.memory_space<vmem_shared>>
      %dma_wait3A_50 = arith.constant 0 : i32
      %dma_wait3A_51 = tpu.memref_slice %arg9[%dma_wait3A_50, %mul3A_20] : memref<16x10240xf32, #tpu.memory_space<vmem_shared>> -> memref<16x640xf32, #tpu.memory_space<vmem_shared>>
      tpu.wait_dma2 semaphore(%run_scoped3A_45 : memref<!tpu.dma_semaphore, #tpu.memory_space<semaphore_mem>>) src(%dma_wait3A_51 : memref<16x640xf32, #tpu.memory_space<vmem_shared>>) dst(%arg7 : memref<16x640xf32, #tpu.memory_space<vmem>>)
      tpu.yield
    }) : () -> ()
    %scan3A_21 = arith.constant 0 : i32
    %scan3A_22 = arith.constant 0 : i32
    %scan3A_23 = arith.constant 40 : i32
    %scan3A_24 = arith.addi %scan3A_22, %scan3A_23 : i32
    %scan3A_25 = arith.constant 1 : i32
    %scan3A_26 = scf.for %scan3A_45 = %scan3A_22 to %scan3A_24 step %scan3A_25 iter_args(%scan3A_46 = %scan3A_21) -> (i32)  : i32 {
      %mul3A_47 = arith.constant 16 : i32
      %mul3A_48 = arith.muli %scan3A_45, %mul3A_47 : i32
      %get3A = arith.constant 0 : i32
      %get3A_49 = arith.index_cast %get3A : i32 to index
      %get3A_50 = arith.index_cast %mul3A_48 : i32 to index
      %get3A_51 = tpu.vector_load %arg7[%get3A_49, %get3A_50] {strides = array<i32>} : memref<16x640xf32, #tpu.memory_space<vmem>>, vector<16xf32>,
      %mul3A_52 = arith.constant 16 : i32
      %mul3A_53 = arith.muli %scan3A_45, %mul3A_52 : i32
      %get3A_54 = arith.constant 1 : i32
      %get3A_55 = arith.index_cast %get3A_54 : i32 to index
      %get3A_56 = arith.index_cast %mul3A_53 : i32 to index
      %get3A_57 = tpu.vector_load %arg7[%get3A_55, %get3A_56] {strides = array<i32>} : memref<16x640xf32, #tpu.memory_space<vmem>>, vector<16xf32>,
      %add3A_58 = arith.addf %get3A_51, %get3A_57 : vector<16xf32>
      %mul3A_59 = arith.constant 16 : i32
      %mul3A_60 = arith.muli %scan3A_45, %mul3A_59 : i32
      %get3A_61 = arith.constant 2 : i32
      %get3A_62 = arith.index_cast %get3A_61 : i32 to index
      %get3A_63 = arith.index_cast %mul3A_60 : i32 to index
      %get3A_64 = tpu.vector_load %arg7[%get3A_62, %get3A_63] {strides = array<i32>} : memref<16x640xf32, #tpu.memory_space<vmem>>, vector<16xf32>,
      %add3A_65 = arith.addf %add3A_58, %get3A_64 : vector<16xf32>
      %mul3A_66 = arith.constant 16 : i32
      %mul3A_67 = arith.muli %scan3A_45, %mul3A_66 : i32
      %get3A_68 = arith.constant 3 : i32
      %get3A_69 = arith.index_cast %get3A_68 : i32 to index
      %get3A_70 = arith.index_cast %mul3A_67 : i32 to index
      %get3A_71 = tpu.vector_load %arg7[%get3A_69, %get3A_70] {strides = array<i32>} : memref<16x640xf32, #tpu.memory_space<vmem>>, vector<16xf32>,
      %add3A_72 = arith.addf %add3A_65, %get3A_71 : vector<16xf32>
      %mul3A_73 = arith.constant 16 : i32
      %mul3A_74 = arith.muli %scan3A_45, %mul3A_73 : i32
      %get3A_75 = arith.constant 4 : i32
      %get3A_76 = arith.index_cast %get3A_75 : i32 to index
      %get3A_77 = arith.index_cast %mul3A_74 : i32 to index
      %get3A_78 = tpu.vector_load %arg7[%get3A_76, %get3A_77] {strides = array<i32>} : memref<16x640xf32, #tpu.memory_space<vmem>>, vector<16xf32>,
      %add3A_79 = arith.addf %add3A_72, %get3A_78 : vector<16xf32>
      %mul3A_80 = arith.constant 16 : i32
      %mul3A_81 = arith.muli %scan3A_45, %mul3A_80 : i32
      %get3A_82 = arith.constant 5 : i32
      %get3A_83 = arith.index_cast %get3A_82 : i32 to index
      %get3A_84 = arith.index_cast %mul3A_81 : i32 to index
      %get3A_85 = tpu.vector_load %arg7[%get3A_83, %get3A_84] {strides = array<i32>} : memref<16x640xf32, #tpu.memory_space<vmem>>, vector<16xf32>,
      %add3A_86 = arith.addf %add3A_79, %get3A_85 : vector<16xf32>
      %mul3A_87 = arith.constant 16 : i32
      %mul3A_88 = arith.muli %scan3A_45, %mul3A_87 : i32
      %get3A_89 = arith.constant 6 : i32
      %get3A_90 = arith.index_cast %get3A_89 : i32 to index
      %get3A_91 = arith.index_cast %mul3A_88 : i32 to index
      %get3A_92 = tpu.vector_load %arg7[%get3A_90, %get3A_91] {strides = array<i32>} : memref<16x640xf32, #tpu.memory_space<vmem>>, vector<16xf32>,
      %add3A_93 = arith.addf %add3A_86, %get3A_92 : vector<16xf32>
      %mul3A_94 = arith.constant 16 : i32
      %mul3A_95 = arith.muli %scan3A_45, %mul3A_94 : i32
      %get3A_96 = arith.constant 7 : i32
      %get3A_97 = arith.index_cast %get3A_96 : i32 to index
      %get3A_98 = arith.index_cast %mul3A_95 : i32 to index
      %get3A_99 = tpu.vector_load %arg7[%get3A_97, %get3A_98] {strides = array<i32>} : memref<16x640xf32, #tpu.memory_space<vmem>>, vector<16xf32>,
      %add3A_100 = arith.addf %add3A_93, %get3A_99 : vector<16xf32>
      %mul3A_101 = arith.constant 16 : i32
      %mul3A_102 = arith.muli %scan3A_45, %mul3A_101 : i32
      %get3A_103 = arith.constant 8 : i32
      %get3A_104 = arith.index_cast %get3A_103 : i32 to index
      %get3A_105 = arith.index_cast %mul3A_102 : i32 to index
      %get3A_106 = tpu.vector_load %arg7[%get3A_104, %get3A_105] {strides = array<i32>} : memref<16x640xf32, #tpu.memory_space<vmem>>, vector<16xf32>,
      %add3A_107 = arith.addf %add3A_100, %get3A_106 : vector<16xf32>
      %mul3A_108 = arith.constant 16 : i32
      %mul3A_109 = arith.muli %scan3A_45, %mul3A_108 : i32
      %get3A_110 = arith.constant 9 : i32
      %get3A_111 = arith.index_cast %get3A_110 : i32 to index
      %get3A_112 = arith.index_cast %mul3A_109 : i32 to index
      %get3A_113 = tpu.vector_load %arg7[%get3A_111, %get3A_112] {strides = array<i32>} : memref<16x640xf32, #tpu.memory_space<vmem>>, vector<16xf32>,
      %add3A_114 = arith.addf %add3A_107, %get3A_113 : vector<16xf32>
      %mul3A_115 = arith.constant 16 : i32
      %mul3A_116 = arith.muli %scan3A_45, %mul3A_115 : i32
      %get3A_117 = arith.constant 10 : i32
      %get3A_118 = arith.index_cast %get3A_117 : i32 to index
      %get3A_119 = arith.index_cast %mul3A_116 : i32 to index
      %get3A_120 = tpu.vector_load %arg7[%get3A_118, %get3A_119] {strides = array<i32>} : memref<16x640xf32, #tpu.memory_space<vmem>>, vector<16xf32>,
      %add3A_121 = arith.addf %add3A_114, %get3A_120 : vector<16xf32>
      %mul3A_122 = arith.constant 16 : i32
      %mul3A_123 = arith.muli %scan3A_45, %mul3A_122 : i32
      %get3A_124 = arith.constant 11 : i32
      %get3A_125 = arith.index_cast %get3A_124 : i32 to index
      %get3A_126 = arith.index_cast %mul3A_123 : i32 to index
      %get3A_127 = tpu.vector_load %arg7[%get3A_125, %get3A_126] {strides = array<i32>} : memref<16x640xf32, #tpu.memory_space<vmem>>, vector<16xf32>,
      %add3A_128 = arith.addf %add3A_121, %get3A_127 : vector<16xf32>
      %mul3A_129 = arith.constant 16 : i32
      %mul3A_130 = arith.muli %scan3A_45, %mul3A_129 : i32
      %get3A_131 = arith.constant 12 : i32
      %get3A_132 = arith.index_cast %get3A_131 : i32 to index
      %get3A_133 = arith.index_cast %mul3A_130 : i32 to index
      %get3A_134 = tpu.vector_load %arg7[%get3A_132, %get3A_133] {strides = array<i32>} : memref<16x640xf32, #tpu.memory_space<vmem>>, vector<16xf32>,
      %add3A_135 = arith.addf %add3A_128, %get3A_134 : vector<16xf32>
      %mul3A_136 = arith.constant 16 : i32
      %mul3A_137 = arith.muli %scan3A_45, %mul3A_136 : i32
      %get3A_138 = arith.constant 13 : i32
      %get3A_139 = arith.index_cast %get3A_138 : i32 to index
      %get3A_140 = arith.index_cast %mul3A_137 : i32 to index
      %get3A_141 = tpu.vector_load %arg7[%get3A_139, %get3A_140] {strides = array<i32>} : memref<16x640xf32, #tpu.memory_space<vmem>>, vector<16xf32>,
      %add3A_142 = arith.addf %add3A_135, %get3A_141 : vector<16xf32>
      %mul3A_143 = arith.constant 16 : i32
      %mul3A_144 = arith.muli %scan3A_45, %mul3A_143 : i32
      %get3A_145 = arith.constant 14 : i32
      %get3A_146 = arith.index_cast %get3A_145 : i32 to index
      %get3A_147 = arith.index_cast %mul3A_144 : i32 to index
      %get3A_148 = tpu.vector_load %arg7[%get3A_146, %get3A_147] {strides = array<i32>} : memref<16x640xf32, #tpu.memory_space<vmem>>, vector<16xf32>,
      %add3A_149 = arith.addf %add3A_142, %get3A_148 : vector<16xf32>
      %mul3A_150 = arith.constant 16 : i32
      %mul3A_151 = arith.muli %scan3A_45, %mul3A_150 : i32
      %get3A_152 = arith.constant 15 : i32
      %get3A_153 = arith.index_cast %get3A_152 : i32 to index
      %get3A_154 = arith.index_cast %mul3A_151 : i32 to index
      %get3A_155 = tpu.vector_load %arg7[%get3A_153, %get3A_154] {strides = array<i32>} : memref<16x640xf32, #tpu.memory_space<vmem>>, vector<16xf32>,
      %add3A_156 = arith.addf %add3A_149, %get3A_155 : vector<16xf32>
      %mul3A_157 = arith.constant 16 : i32
      %mul3A_158 = arith.muli %scan3A_45, %mul3A_157 : i32
      %swap3A = arith.constant 0 : i32
      %swap3A_159 = arith.index_cast %swap3A : i32 to index
      %swap3A_160 = arith.index_cast %mul3A_158 : i32 to index
      %swap3A_161 = tpu.vector_load %arg7[%swap3A_159, %swap3A_160] {strides = array<i32>} : memref<16x640xf32, #tpu.memory_space<vmem>>, vector<16xf32>,
      tpu.vector_store %arg7[%swap3A_159, %swap3A_160], %add3A_156 {strides = array<i32>} : memref<16x640xf32, #tpu.memory_space<vmem>>, vector<16xf32>,
      %scan3A_162 = arith.constant 0 : i32
      scf.yield %scan3A_162 : i32
    }
    %scan3A_27 = arith.constant 40 : i32
    %iota3A = tpu.iota {dimensions = array<i32: 0>} : vector<16xi32>
    %scan3A_28 = arith.constant 0 : i32
    %scan3A_29 = arith.constant 0 : i32
    %scan3A_30 = arith.constant 40 : i32
    %scan3A_31 = arith.addi %scan3A_29, %scan3A_30 : i32
    %scan3A_32 = arith.constant 1 : i32
    %scan3A_33 = scf.for %scan3A_45 = %scan3A_29 to %scan3A_31 step %scan3A_32 iter_args(%scan3A_46 = %scan3A_28) -> (i32)  : i32 {
      %mul3A_47 = arith.constant 16 : i32
      %mul3A_48 = arith.muli %scan3A_45, %mul3A_47 : i32
      %get3A = arith.constant 0 : i32
      %get3A_49 = arith.index_cast %get3A : i32 to index
      %get3A_50 = arith.index_cast %mul3A_48 : i32 to index
      %get3A_51 = tpu.vector_load %arg7[%get3A_49, %get3A_50] {strides = array<i32>} : memref<16x640xf32, #tpu.memory_space<vmem>>, vector<16xf32>,
      %mul3A_52 = arith.constant 16 : i32
      %mul3A_53 = arith.muli %scan3A_45, %mul3A_52 : i32
      %add3A_54 = vector.broadcast %mul3A_53 : i32 to vector<16xi32>
      %add3A_55 = arith.addi %add3A_54, %iota3A : vector<16xi32>
      %broadcast_in_dim3A_56 = arith.constant 0 : i32
      %broadcast_in_dim3A_57 = vector.broadcast %broadcast_in_dim3A_56 : i32 to vector<16xi32>
      tpu.vector_store_idx %arg8[%add3A_55, %broadcast_in_dim3A_57], %get3A_51 : memref<640x16xf32, #tpu.memory_space<vmem>>[vector<16xi32>, vector<16xi32>], vector<16xf32>,
      %broadcast_in_dim3A_58 = arith.constant 1 : i32
      %broadcast_in_dim3A_59 = vector.broadcast %broadcast_in_dim3A_58 : i32 to vector<16xi32>
      tpu.vector_store_idx %arg8[%add3A_55, %broadcast_in_dim3A_59], %get3A_51 : memref<640x16xf32, #tpu.memory_space<vmem>>[vector<16xi32>, vector<16xi32>], vector<16xf32>,
      %broadcast_in_dim3A_60 = arith.constant 2 : i32
      %broadcast_in_dim3A_61 = vector.broadcast %broadcast_in_dim3A_60 : i32 to vector<16xi32>
      tpu.vector_store_idx %arg8[%add3A_55, %broadcast_in_dim3A_61], %get3A_51 : memref<640x16xf32, #tpu.memory_space<vmem>>[vector<16xi32>, vector<16xi32>], vector<16xf32>,
      %broadcast_in_dim3A_62 = arith.constant 3 : i32
      %broadcast_in_dim3A_63 = vector.broadcast %broadcast_in_dim3A_62 : i32 to vector<16xi32>
      tpu.vector_store_idx %arg8[%add3A_55, %broadcast_in_dim3A_63], %get3A_51 : memref<640x16xf32, #tpu.memory_space<vmem>>[vector<16xi32>, vector<16xi32>], vector<16xf32>,
      %broadcast_in_dim3A_64 = arith.constant 4 : i32
      %broadcast_in_dim3A_65 = vector.broadcast %broadcast_in_dim3A_64 : i32 to vector<16xi32>
      tpu.vector_store_idx %arg8[%add3A_55, %broadcast_in_dim3A_65], %get3A_51 : memref<640x16xf32, #tpu.memory_space<vmem>>[vector<16xi32>, vector<16xi32>], vector<16xf32>,
      %broadcast_in_dim3A_66 = arith.constant 5 : i32
      %broadcast_in_dim3A_67 = vector.broadcast %broadcast_in_dim3A_66 : i32 to vector<16xi32>
      tpu.vector_store_idx %arg8[%add3A_55, %broadcast_in_dim3A_67], %get3A_51 : memref<640x16xf32, #tpu.memory_space<vmem>>[vector<16xi32>, vector<16xi32>], vector<16xf32>,
      %broadcast_in_dim3A_68 = arith.constant 6 : i32
      %broadcast_in_dim3A_69 = vector.broadcast %broadcast_in_dim3A_68 : i32 to vector<16xi32>
      tpu.vector_store_idx %arg8[%add3A_55, %broadcast_in_dim3A_69], %get3A_51 : memref<640x16xf32, #tpu.memory_space<vmem>>[vector<16xi32>, vector<16xi32>], vector<16xf32>,
      %broadcast_in_dim3A_70 = arith.constant 7 : i32
      %broadcast_in_dim3A_71 = vector.broadcast %broadcast_in_dim3A_70 : i32 to vector<16xi32>
      tpu.vector_store_idx %arg8[%add3A_55, %broadcast_in_dim3A_71], %get3A_51 : memref<640x16xf32, #tpu.memory_space<vmem>>[vector<16xi32>, vector<16xi32>], vector<16xf32>,
      %broadcast_in_dim3A_72 = arith.constant 8 : i32
      %broadcast_in_dim3A_73 = vector.broadcast %broadcast_in_dim3A_72 : i32 to vector<16xi32>
      tpu.vector_store_idx %arg8[%add3A_55, %broadcast_in_dim3A_73], %get3A_51 : memref<640x16xf32, #tpu.memory_space<vmem>>[vector<16xi32>, vector<16xi32>], vector<16xf32>,
      %broadcast_in_dim3A_74 = arith.constant 9 : i32
      %broadcast_in_dim3A_75 = vector.broadcast %broadcast_in_dim3A_74 : i32 to vector<16xi32>
      tpu.vector_store_idx %arg8[%add3A_55, %broadcast_in_dim3A_75], %get3A_51 : memref<640x16xf32, #tpu.memory_space<vmem>>[vector<16xi32>, vector<16xi32>], vector<16xf32>,
      %broadcast_in_dim3A_76 = arith.constant 10 : i32
      %broadcast_in_dim3A_77 = vector.broadcast %broadcast_in_dim3A_76 : i32 to vector<16xi32>
      tpu.vector_store_idx %arg8[%add3A_55, %broadcast_in_dim3A_77], %get3A_51 : memref<640x16xf32, #tpu.memory_space<vmem>>[vector<16xi32>, vector<16xi32>], vector<16xf32>,
      %broadcast_in_dim3A_78 = arith.constant 11 : i32
      %broadcast_in_dim3A_79 = vector.broadcast %broadcast_in_dim3A_78 : i32 to vector<16xi32>
      tpu.vector_store_idx %arg8[%add3A_55, %broadcast_in_dim3A_79], %get3A_51 : memref<640x16xf32, #tpu.memory_space<vmem>>[vector<16xi32>, vector<16xi32>], vector<16xf32>,
      %broadcast_in_dim3A_80 = arith.constant 12 : i32
      %broadcast_in_dim3A_81 = vector.broadcast %broadcast_in_dim3A_80 : i32 to vector<16xi32>
      tpu.vector_store_idx %arg8[%add3A_55, %broadcast_in_dim3A_81], %get3A_51 : memref<640x16xf32, #tpu.memory_space<vmem>>[vector<16xi32>, vector<16xi32>], vector<16xf32>,
      %broadcast_in_dim3A_82 = arith.constant 13 : i32
      %broadcast_in_dim3A_83 = vector.broadcast %broadcast_in_dim3A_82 : i32 to vector<16xi32>
      tpu.vector_store_idx %arg8[%add3A_55, %broadcast_in_dim3A_83], %get3A_51 : memref<640x16xf32, #tpu.memory_space<vmem>>[vector<16xi32>, vector<16xi32>], vector<16xf32>,
      %broadcast_in_dim3A_84 = arith.constant 14 : i32
      %broadcast_in_dim3A_85 = vector.broadcast %broadcast_in_dim3A_84 : i32 to vector<16xi32>
      tpu.vector_store_idx %arg8[%add3A_55, %broadcast_in_dim3A_85], %get3A_51 : memref<640x16xf32, #tpu.memory_space<vmem>>[vector<16xi32>, vector<16xi32>], vector<16xf32>,
      %broadcast_in_dim3A_86 = arith.constant 15 : i32
      %broadcast_in_dim3A_87 = vector.broadcast %broadcast_in_dim3A_86 : i32 to vector<16xi32>
      tpu.vector_store_idx %arg8[%add3A_55, %broadcast_in_dim3A_87], %get3A_51 : memref<640x16xf32, #tpu.memory_space<vmem>>[vector<16xi32>, vector<16xi32>], vector<16xf32>,
      %scan3A_88 = arith.constant 0 : i32
      scf.yield %scan3A_88 : i32
    }
    %scan3A_34 = arith.constant 40 : i32
    %mul3A_35 = arith.constant 640 : i32
    %mul3A_36 = arith.muli %arg1, %mul3A_35 : i32
    "tpu.region"() ({
      %run_scoped3A_45 = tpu.sem_alloc : memref<!tpu.dma_semaphore, #tpu.memory_space<semaphore_mem>>
      %dma_start3A = arith.constant 0 : i32
      %dma_start3A_46 = tpu.memref_slice %arg3[%arg0, %mul3A_36, %dma_start3A] : memref<2x10240x16xf32, #tpu.memory_space<hbm>> -> memref<1x640x16xf32, #tpu.memory_space<hbm>>
      %dma_start3A_47 = tpu.memref_squeeze %dma_start3A_46 : memref<1x640x16xf32, #tpu.memory_space<hbm>> -> memref<640x16xf32, #tpu.memory_space<hbm>>
      %dma_start3A_48 = arith.constant 0 : i32
      %dma_start3A_49 = tpu.memref_slice %arg3[%arg0, %mul3A_36, %dma_start3A_48] : memref<2x10240x16xf32, #tpu.memory_space<hbm>> -> memref<1x640x16xf32, #tpu.memory_space<hbm>>
      %dma_start3A_50 = tpu.memref_squeeze %dma_start3A_49 : memref<1x640x16xf32, #tpu.memory_space<hbm>> -> memref<640x16xf32, #tpu.memory_space<hbm>>
      tpu.enqueue_dma source(%arg8 : memref<640x16xf32, #tpu.memory_space<vmem>>) target(%dma_start3A_50 : memref<640x16xf32, #tpu.memory_space<hbm>>) target_semaphore(%run_scoped3A_45 : memref<!tpu.dma_semaphore, #tpu.memory_space<semaphore_mem>>)
      %dma_wait3A = arith.constant 0 : i32
      %dma_wait3A_51 = tpu.memref_slice %arg3[%arg0, %mul3A_36, %dma_wait3A] : memref<2x10240x16xf32, #tpu.memory_space<hbm>> -> memref<1x640x16xf32, #tpu.memory_space<hbm>>
      %dma_wait3A_52 = tpu.memref_squeeze %dma_wait3A_51 : memref<1x640x16xf32, #tpu.memory_space<hbm>> -> memref<640x16xf32, #tpu.memory_space<hbm>>
      %dma_wait3A_53 = arith.constant 0 : i32
      %dma_wait3A_54 = tpu.memref_slice %arg3[%arg0, %mul3A_36, %dma_wait3A_53] : memref<2x10240x16xf32, #tpu.memory_space<hbm>> -> memref<1x640x16xf32, #tpu.memory_space<hbm>>
      %dma_wait3A_55 = tpu.memref_squeeze %dma_wait3A_54 : memref<1x640x16xf32, #tpu.memory_space<hbm>> -> memref<640x16xf32, #tpu.memory_space<hbm>>
      tpu.wait_dma2 semaphore(%run_scoped3A_45 : memref<!tpu.dma_semaphore, #tpu.memory_space<semaphore_mem>>) src(%arg8 : memref<640x16xf32, #tpu.memory_space<vmem>>) dst(%dma_wait3A_55 : memref<640x16xf32, #tpu.memory_space<hbm>>)
      tpu.yield
    }) : () -> ()
    %mul3A_37 = arith.constant 640 : i32
    %mul3A_38 = arith.muli %arg1, %mul3A_37 : i32
    "tpu.region"() ({
      %run_scoped3A_45 = tpu.sem_alloc : memref<!tpu.dma_semaphore, #tpu.memory_space<semaphore_mem>>
      %dma_start3A = arith.constant 0 : i32
      %dma_start3A_46 = tpu.memref_slice %arg4[%arg0, %mul3A_38, %dma_start3A] : memref<2x10240x64xf32, #tpu.memory_space<hbm>> -> memref<1x640x16xf32, #tpu.memory_space<hbm>>
      %dma_start3A_47 = tpu.memref_squeeze %dma_start3A_46 : memref<1x640x16xf32, #tpu.memory_space<hbm>> -> memref<640x16xf32, #tpu.memory_space<hbm>>
      %dma_start3A_48 = arith.constant 0 : i32
      %dma_start3A_49 = tpu.memref_slice %arg4[%arg0, %mul3A_38, %dma_start3A_48] : memref<2x10240x64xf32, #tpu.memory_space<hbm>> -> memref<1x640x16xf32, #tpu.memory_space<hbm>>
      %dma_start3A_50 = tpu.memref_squeeze %dma_start3A_49 : memref<1x640x16xf32, #tpu.memory_space<hbm>> -> memref<640x16xf32, #tpu.memory_space<hbm>>
      tpu.enqueue_dma source(%arg8 : memref<640x16xf32, #tpu.memory_space<vmem>>) target(%dma_start3A_50 : memref<640x16xf32, #tpu.memory_space<hbm>>) target_semaphore(%run_scoped3A_45 : memref<!tpu.dma_semaphore, #tpu.memory_space<semaphore_mem>>)
      %dma_wait3A = arith.constant 0 : i32
      %dma_wait3A_51 = tpu.memref_slice %arg4[%arg0, %mul3A_38, %dma_wait3A] : memref<2x10240x64xf32, #tpu.memory_space<hbm>> -> memref<1x640x16xf32, #tpu.memory_space<hbm>>
      %dma_wait3A_52 = tpu.memref_squeeze %dma_wait3A_51 : memref<1x640x16xf32, #tpu.memory_space<hbm>> -> memref<640x16xf32, #tpu.memory_space<hbm>>
      %dma_wait3A_53 = arith.constant 0 : i32
      %dma_wait3A_54 = tpu.memref_slice %arg4[%arg0, %mul3A_38, %dma_wait3A_53] : memref<2x10240x64xf32, #tpu.memory_space<hbm>> -> memref<1x640x16xf32, #tpu.memory_space<hbm>>
      %dma_wait3A_55 = tpu.memref_squeeze %dma_wait3A_54 : memref<1x640x16xf32, #tpu.memory_space<hbm>> -> memref<640x16xf32, #tpu.memory_space<hbm>>
      tpu.wait_dma2 semaphore(%run_scoped3A_45 : memref<!tpu.dma_semaphore, #tpu.memory_space<semaphore_mem>>) src(%arg8 : memref<640x16xf32, #tpu.memory_space<vmem>>) dst(%dma_wait3A_55 : memref<640x16xf32, #tpu.memory_space<hbm>>)
      tpu.yield
    }) : () -> ()
    %mul3A_39 = arith.constant 640 : i32
    %mul3A_40 = arith.muli %arg1, %mul3A_39 : i32
    "tpu.region"() ({
      %run_scoped3A_45 = tpu.sem_alloc : memref<!tpu.dma_semaphore, #tpu.memory_space<semaphore_mem>>
      %dma_start3A = arith.constant 16 : i32
      %dma_start3A_46 = tpu.memref_slice %arg4[%arg0, %mul3A_40, %dma_start3A] : memref<2x10240x64xf32, #tpu.memory_space<hbm>> -> memref<1x640x16xf32, #tpu.memory_space<hbm>>
      %dma_start3A_47 = tpu.memref_squeeze %dma_start3A_46 : memref<1x640x16xf32, #tpu.memory_space<hbm>> -> memref<640x16xf32, #tpu.memory_space<hbm>>
      %dma_start3A_48 = arith.constant 16 : i32
      %dma_start3A_49 = tpu.memref_slice %arg4[%arg0, %mul3A_40, %dma_start3A_48] : memref<2x10240x64xf32, #tpu.memory_space<hbm>> -> memref<1x640x16xf32, #tpu.memory_space<hbm>>
      %dma_start3A_50 = tpu.memref_squeeze %dma_start3A_49 : memref<1x640x16xf32, #tpu.memory_space<hbm>> -> memref<640x16xf32, #tpu.memory_space<hbm>>
      tpu.enqueue_dma source(%arg8 : memref<640x16xf32, #tpu.memory_space<vmem>>) target(%dma_start3A_50 : memref<640x16xf32, #tpu.memory_space<hbm>>) target_semaphore(%run_scoped3A_45 : memref<!tpu.dma_semaphore, #tpu.memory_space<semaphore_mem>>)
      %dma_wait3A = arith.constant 16 : i32
      %dma_wait3A_51 = tpu.memref_slice %arg4[%arg0, %mul3A_40, %dma_wait3A] : memref<2x10240x64xf32, #tpu.memory_space<hbm>> -> memref<1x640x16xf32, #tpu.memory_space<hbm>>
      %dma_wait3A_52 = tpu.memref_squeeze %dma_wait3A_51 : memref<1x640x16xf32, #tpu.memory_space<hbm>> -> memref<640x16xf32, #tpu.memory_space<hbm>>
      %dma_wait3A_53 = arith.constant 16 : i32
      %dma_wait3A_54 = tpu.memref_slice %arg4[%arg0, %mul3A_40, %dma_wait3A_53] : memref<2x10240x64xf32, #tpu.memory_space<hbm>> -> memref<1x640x16xf32, #tpu.memory_space<hbm>>
      %dma_wait3A_55 = tpu.memref_squeeze %dma_wait3A_54 : memref<1x640x16xf32, #tpu.memory_space<hbm>> -> memref<640x16xf32, #tpu.memory_space<hbm>>
      tpu.wait_dma2 semaphore(%run_scoped3A_45 : memref<!tpu.dma_semaphore, #tpu.memory_space<semaphore_mem>>) src(%arg8 : memref<640x16xf32, #tpu.memory_space<vmem>>) dst(%dma_wait3A_55 : memref<640x16xf32, #tpu.memory_space<hbm>>)
      tpu.yield
    }) : () -> ()
    %mul3A_41 = arith.constant 640 : i32
    %mul3A_42 = arith.muli %arg1, %mul3A_41 : i32
    "tpu.region"() ({
      %run_scoped3A_45 = tpu.sem_alloc : memref<!tpu.dma_semaphore, #tpu.memory_space<semaphore_mem>>
      %dma_start3A = arith.constant 32 : i32
      %dma_start3A_46 = tpu.memref_slice %arg4[%arg0, %mul3A_42, %dma_start3A] : memref<2x10240x64xf32, #tpu.memory_space<hbm>> -> memref<1x640x16xf32, #tpu.memory_space<hbm>>
      %dma_start3A_47 = tpu.memref_squeeze %dma_start3A_46 : memref<1x640x16xf32, #tpu.memory_space<hbm>> -> memref<640x16xf32, #tpu.memory_space<hbm>>
      %dma_start3A_48 = arith.constant 32 : i32
      %dma_start3A_49 = tpu.memref_slice %arg4[%arg0, %mul3A_42, %dma_start3A_48] : memref<2x10240x64xf32, #tpu.memory_space<hbm>> -> memref<1x640x16xf32, #tpu.memory_space<hbm>>
      %dma_start3A_50 = tpu.memref_squeeze %dma_start3A_49 : memref<1x640x16xf32, #tpu.memory_space<hbm>> -> memref<640x16xf32, #tpu.memory_space<hbm>>
      tpu.enqueue_dma source(%arg8 : memref<640x16xf32, #tpu.memory_space<vmem>>) target(%dma_start3A_50 : memref<640x16xf32, #tpu.memory_space<hbm>>) target_semaphore(%run_scoped3A_45 : memref<!tpu.dma_semaphore, #tpu.memory_space<semaphore_mem>>)
      %dma_wait3A = arith.constant 32 : i32
      %dma_wait3A_51 = tpu.memref_slice %arg4[%arg0, %mul3A_42, %dma_wait3A] : memref<2x10240x64xf32, #tpu.memory_space<hbm>> -> memref<1x640x16xf32, #tpu.memory_space<hbm>>
      %dma_wait3A_52 = tpu.memref_squeeze %dma_wait3A_51 : memref<1x640x16xf32, #tpu.memory_space<hbm>> -> memref<640x16xf32, #tpu.memory_space<hbm>>
      %dma_wait3A_53 = arith.constant 32 : i32
      %dma_wait3A_54 = tpu.memref_slice %arg4[%arg0, %mul3A_42, %dma_wait3A_53] : memref<2x10240x64xf32, #tpu.memory_space<hbm>> -> memref<1x640x16xf32, #tpu.memory_space<hbm>>
      %dma_wait3A_55 = tpu.memref_squeeze %dma_wait3A_54 : memref<1x640x16xf32, #tpu.memory_space<hbm>> -> memref<640x16xf32, #tpu.memory_space<hbm>>
      tpu.wait_dma2 semaphore(%run_scoped3A_45 : memref<!tpu.dma_semaphore, #tpu.memory_space<semaphore_mem>>) src(%arg8 : memref<640x16xf32, #tpu.memory_space<vmem>>) dst(%dma_wait3A_55 : memref<640x16xf32, #tpu.memory_space<hbm>>)
      tpu.yield
    }) : () -> ()
    %mul3A_43 = arith.constant 640 : i32
    %mul3A_44 = arith.muli %arg1, %mul3A_43 : i32
    "tpu.region"() ({
      %run_scoped3A_45 = tpu.sem_alloc : memref<!tpu.dma_semaphore, #tpu.memory_space<semaphore_mem>>
      %dma_start3A = arith.constant 48 : i32
      %dma_start3A_46 = tpu.memref_slice %arg4[%arg0, %mul3A_44, %dma_start3A] : memref<2x10240x64xf32, #tpu.memory_space<hbm>> -> memref<1x640x16xf32, #tpu.memory_space<hbm>>
      %dma_start3A_47 = tpu.memref_squeeze %dma_start3A_46 : memref<1x640x16xf32, #tpu.memory_space<hbm>> -> memref<640x16xf32, #tpu.memory_space<hbm>>
      %dma_start3A_48 = arith.constant 48 : i32
      %dma_start3A_49 = tpu.memref_slice %arg4[%arg0, %mul3A_44, %dma_start3A_48] : memref<2x10240x64xf32, #tpu.memory_space<hbm>> -> memref<1x640x16xf32, #tpu.memory_space<hbm>>
      %dma_start3A_50 = tpu.memref_squeeze %dma_start3A_49 : memref<1x640x16xf32, #tpu.memory_space<hbm>> -> memref<640x16xf32, #tpu.memory_space<hbm>>
      tpu.enqueue_dma source(%arg8 : memref<640x16xf32, #tpu.memory_space<vmem>>) target(%dma_start3A_50 : memref<640x16xf32, #tpu.memory_space<hbm>>) target_semaphore(%run_scoped3A_45 : memref<!tpu.dma_semaphore, #tpu.memory_space<semaphore_mem>>)
      %dma_wait3A = arith.constant 48 : i32
      %dma_wait3A_51 = tpu.memref_slice %arg4[%arg0, %mul3A_44, %dma_wait3A] : memref<2x10240x64xf32, #tpu.memory_space<hbm>> -> memref<1x640x16xf32, #tpu.memory_space<hbm>>
      %dma_wait3A_52 = tpu.memref_squeeze %dma_wait3A_51 : memref<1x640x16xf32, #tpu.memory_space<hbm>> -> memref<640x16xf32, #tpu.memory_space<hbm>>
      %dma_wait3A_53 = arith.constant 48 : i32
      %dma_wait3A_54 = tpu.memref_slice %arg4[%arg0, %mul3A_44, %dma_wait3A_53] : memref<2x10240x64xf32, #tpu.memory_space<hbm>> -> memref<1x640x16xf32, #tpu.memory_space<hbm>>
      %dma_wait3A_55 = tpu.memref_squeeze %dma_wait3A_54 : memref<1x640x16xf32, #tpu.memory_space<hbm>> -> memref<640x16xf32, #tpu.memory_space<hbm>>
      tpu.wait_dma2 semaphore(%run_scoped3A_45 : memref<!tpu.dma_semaphore, #tpu.memory_space<semaphore_mem>>) src(%arg8 : memref<640x16xf32, #tpu.memory_space<vmem>>) dst(%dma_wait3A_55 : memref<640x16xf32, #tpu.memory_space<hbm>>)
      tpu.yield
    }) : () -> ()
    return
  }
}

#map = affine_map<(d0, d1) -> (0, 0, 0)>
#map1 = affine_map<(d0, d1) -> (0, 0)>
module attributes {stable_mosaic.version = 14 : i64} {
  func.func @agg(%arg0: i32, %arg1: i32, %arg2: memref<2x2500x128xi32, #tpu.memory_space<hbm>>, %arg3: memref<10000x64xf32, #tpu.memory_space<hbm>>, %arg4: memref<2x10240x64xf32, #tpu.memory_space<hbm>>, %arg5: memref<79x128xi32, #tpu.memory_space<vmem>>, %arg6: memref<79x128xi32, #tpu.memory_space<vmem>>, %arg7: memref<6x128x64xf32, #tpu.memory_space<vmem>>, %arg8: memref<10240x64xf32, #tpu.memory_space<vmem_shared>>, %arg9: memref<!tpu.dma_semaphore, #tpu.memory_space<semaphore_mem>>, %arg10: memref<!tpu.dma_semaphore, #tpu.memory_space<semaphore_mem>>) attributes {dimension_semantics = [#tpu.dimension_semantics<core_parallel>, #tpu.dimension_semantics<subcore_parallel>], iteration_bounds = array<i64: 2, 16>, scalar_prefetch = 0 : i64, scratch_operands = 6 : i64, tpu.core_type = #tpu.core_type<sc_vector_subcore>, window_params = [{transform_indices = #map}, {transform_indices = #map1}, {transform_indices = #map}]} {
    %mul3A = arith.constant 2 : i32
    %mul3A_0 = arith.muli %arg1, %mul3A : i32
    %add3A = arith.addi %mul3A_0, %arg0 : i32
    %mul3A_1 = arith.constant 78 : i32
    %mul3A_2 = arith.muli %mul3A_1, %add3A : i32
    %sub3A = arith.constant 28 : i32
    %sub3A_3 = arith.subi %add3A, %sub3A : i32
    %max3A = arith.constant 0 : i32
    %max3A_4 = arith.maxsi %sub3A_3, %max3A : i32
    %add3A_5 = arith.addi %mul3A_2, %max3A_4 : i32
    %ge3A = arith.constant 28 : i32
    %ge3A_6 = arith.cmpi sge, %add3A, %ge3A : i32
    %jit3A = arith.constant 79 : i32
    %jit3A_7 = arith.constant 78 : i32
    %select_n3A = arith.select %ge3A_6, %jit3A, %jit3A_7 : i32
    %broadcast_in_dim3A = arith.constant 0.000000e+00 : f32
    %broadcast_in_dim3A_8 = vector.broadcast %broadcast_in_dim3A : f32 to vector<16xf32>
    %scan3A = arith.constant 0 : i32
    %scan3A_9 = arith.constant 0 : i32
    %scan3A_10 = arith.constant 128 : i32
    %scan3A_11 = arith.addi %scan3A_9, %scan3A_10 : i32
    %scan3A_12 = arith.constant 1 : i32
    %scan3A_13 = scf.for %scan3A_124 = %scan3A_9 to %scan3A_11 step %scan3A_12 iter_args(%scan3A_125 = %scan3A) -> (i32)  : i32 {
      %swap3A = arith.constant 0 : i32
      %swap3A_126 = arith.index_cast %swap3A : i32 to index
      %swap3A_127 = arith.index_cast %scan3A_124 : i32 to index
      %swap3A_128 = arith.constant 0 : index
      %swap3A_129 = tpu.vector_load %arg7[%swap3A_126, %swap3A_127, %swap3A_128] {strides = array<i32>} : memref<6x128x64xf32, #tpu.memory_space<vmem>>, vector<16xf32>,
      tpu.vector_store %arg7[%swap3A_126, %swap3A_127, %swap3A_128], %broadcast_in_dim3A_8 {strides = array<i32>} : memref<6x128x64xf32, #tpu.memory_space<vmem>>, vector<16xf32>,
      %swap3A_130 = arith.constant 0 : i32
      %swap3A_131 = arith.index_cast %swap3A_130 : i32 to index
      %swap3A_132 = arith.index_cast %scan3A_124 : i32 to index
      %swap3A_133 = arith.constant 16 : index
      %swap3A_134 = tpu.vector_load %arg7[%swap3A_131, %swap3A_132, %swap3A_133] {strides = array<i32>} : memref<6x128x64xf32, #tpu.memory_space<vmem>>, vector<16xf32>,
      tpu.vector_store %arg7[%swap3A_131, %swap3A_132, %swap3A_133], %broadcast_in_dim3A_8 {strides = array<i32>} : memref<6x128x64xf32, #tpu.memory_space<vmem>>, vector<16xf32>,
      %swap3A_135 = arith.constant 0 : i32
      %swap3A_136 = arith.index_cast %swap3A_135 : i32 to index
      %swap3A_137 = arith.index_cast %scan3A_124 : i32 to index
      %swap3A_138 = arith.constant 32 : index
      %swap3A_139 = tpu.vector_load %arg7[%swap3A_136, %swap3A_137, %swap3A_138] {strides = array<i32>} : memref<6x128x64xf32, #tpu.memory_space<vmem>>, vector<16xf32>,
      tpu.vector_store %arg7[%swap3A_136, %swap3A_137, %swap3A_138], %broadcast_in_dim3A_8 {strides = array<i32>} : memref<6x128x64xf32, #tpu.memory_space<vmem>>, vector<16xf32>,
      %swap3A_140 = arith.constant 0 : i32
      %swap3A_141 = arith.index_cast %swap3A_140 : i32 to index
      %swap3A_142 = arith.index_cast %scan3A_124 : i32 to index
      %swap3A_143 = arith.constant 48 : index
      %swap3A_144 = tpu.vector_load %arg7[%swap3A_141, %swap3A_142, %swap3A_143] {strides = array<i32>} : memref<6x128x64xf32, #tpu.memory_space<vmem>>, vector<16xf32>,
      tpu.vector_store %arg7[%swap3A_141, %swap3A_142, %swap3A_143], %broadcast_in_dim3A_8 {strides = array<i32>} : memref<6x128x64xf32, #tpu.memory_space<vmem>>, vector<16xf32>,
      %scan3A_145 = arith.constant 0 : i32
      scf.yield %scan3A_145 : i32
    }
    %scan3A_14 = arith.constant 128 : i32
    %scan3A_15 = arith.constant 0 : i32
    %scan3A_16 = arith.constant 0 : i32
    %scan3A_17 = arith.constant 5 : i32
    %scan3A_18 = arith.addi %scan3A_16, %scan3A_17 : i32
    %scan3A_19 = arith.constant 1 : i32
    %scan3A_20 = scf.for %scan3A_124 = %scan3A_16 to %scan3A_18 step %scan3A_19 iter_args(%scan3A_125 = %scan3A_15) -> (i32)  : i32 {
      %mul3A_126 = arith.constant 640 : i32
      %mul3A_127 = arith.muli %arg1, %mul3A_126 : i32
      %mul3A_128 = arith.constant 128 : i32
      %mul3A_129 = arith.muli %scan3A_124, %mul3A_128 : i32
      %add3A_130 = arith.addi %mul3A_127, %mul3A_129 : i32
      %run_scoped3A_131 = arith.constant 0 : i32
      "tpu.region"() ({
        %run_scoped3A_133 = tpu.sem_alloc : memref<!tpu.dma_semaphore, #tpu.memory_space<semaphore_mem>>
        %dma_start3A_134 = arith.constant 0 : i32
        %dma_start3A_135 = arith.constant 0 : i32
        %dma_start3A_136 = tpu.memref_slice %arg7[%run_scoped3A_131, %dma_start3A_134, %dma_start3A_135] : memref<6x128x64xf32, #tpu.memory_space<vmem>> -> memref<1x128x64xf32, #tpu.memory_space<vmem>>
        %dma_start3A_137 = tpu.memref_squeeze %dma_start3A_136 : memref<1x128x64xf32, #tpu.memory_space<vmem>> -> memref<128x64xf32, #tpu.memory_space<vmem>>
        %dma_start3A_138 = arith.constant 0 : i32
        %dma_start3A_139 = tpu.memref_slice %arg8[%add3A_130, %dma_start3A_138] : memref<10240x64xf32, #tpu.memory_space<vmem_shared>> -> memref<128x64xf32, #tpu.memory_space<vmem_shared>>
        %dma_start3A_140 = arith.constant 0 : i32
        %dma_start3A_141 = tpu.memref_slice %arg8[%add3A_130, %dma_start3A_140] : memref<10240x64xf32, #tpu.memory_space<vmem_shared>> -> memref<128x64xf32, #tpu.memory_space<vmem_shared>>
        %dma_start3A_142 = arith.constant 0 : i32
        %dma_start3A_143 = arith.constant 0 : i32
        %dma_start3A_144 = tpu.memref_slice %arg7[%run_scoped3A_131, %dma_start3A_142, %dma_start3A_143] : memref<6x128x64xf32, #tpu.memory_space<vmem>> -> memref<1x128x64xf32, #tpu.memory_space<vmem>>
        %dma_start3A_145 = tpu.memref_squeeze %dma_start3A_144 : memref<1x128x64xf32, #tpu.memory_space<vmem>> -> memref<128x64xf32, #tpu.memory_space<vmem>>
        tpu.enqueue_dma source(%dma_start3A_145 : memref<128x64xf32, #tpu.memory_space<vmem>>) target(%dma_start3A_141 : memref<128x64xf32, #tpu.memory_space<vmem_shared>>) target_semaphore(%run_scoped3A_133 : memref<!tpu.dma_semaphore, #tpu.memory_space<semaphore_mem>>)
        %dma_wait3A_146 = arith.constant 0 : i32
        %dma_wait3A_147 = arith.constant 0 : i32
        %dma_wait3A_148 = tpu.memref_slice %arg7[%run_scoped3A_131, %dma_wait3A_146, %dma_wait3A_147] : memref<6x128x64xf32, #tpu.memory_space<vmem>> -> memref<1x128x64xf32, #tpu.memory_space<vmem>>
        %dma_wait3A_149 = tpu.memref_squeeze %dma_wait3A_148 : memref<1x128x64xf32, #tpu.memory_space<vmem>> -> memref<128x64xf32, #tpu.memory_space<vmem>>
        %dma_wait3A_150 = arith.constant 0 : i32
        %dma_wait3A_151 = tpu.memref_slice %arg8[%add3A_130, %dma_wait3A_150] : memref<10240x64xf32, #tpu.memory_space<vmem_shared>> -> memref<128x64xf32, #tpu.memory_space<vmem_shared>>
        %dma_wait3A_152 = arith.constant 0 : i32
        %dma_wait3A_153 = tpu.memref_slice %arg8[%add3A_130, %dma_wait3A_152] : memref<10240x64xf32, #tpu.memory_space<vmem_shared>> -> memref<128x64xf32, #tpu.memory_space<vmem_shared>>
        %dma_wait3A_154 = arith.constant 0 : i32
        %dma_wait3A_155 = arith.constant 0 : i32
        %dma_wait3A_156 = tpu.memref_slice %arg7[%run_scoped3A_131, %dma_wait3A_154, %dma_wait3A_155] : memref<6x128x64xf32, #tpu.memory_space<vmem>> -> memref<1x128x64xf32, #tpu.memory_space<vmem>>
        %dma_wait3A_157 = tpu.memref_squeeze %dma_wait3A_156 : memref<1x128x64xf32, #tpu.memory_space<vmem>> -> memref<128x64xf32, #tpu.memory_space<vmem>>
        tpu.wait_dma2 semaphore(%run_scoped3A_133 : memref<!tpu.dma_semaphore, #tpu.memory_space<semaphore_mem>>) src(%dma_wait3A_157 : memref<128x64xf32, #tpu.memory_space<vmem>>) dst(%dma_wait3A_153 : memref<128x64xf32, #tpu.memory_space<vmem_shared>>)
        tpu.yield
      }) : () -> ()
      %scan3A_132 = arith.constant 0 : i32
      scf.yield %scan3A_132 : i32
    }
    %scan3A_21 = arith.constant 5 : i32
    %run_scoped3A = arith.constant 0 : i32
    "tpu.region"() ({
      %run_scoped3A_124 = tpu.sem_alloc : memref<!tpu.dma_semaphore, #tpu.memory_space<semaphore_mem>>
      %dma_start3A_125 = arith.constant 0 : i32
      %dma_start3A_126 = tpu.memref_slice %arg2[%run_scoped3A, %add3A_5, %dma_start3A_125] : memref<2x2500x128xi32, #tpu.memory_space<hbm>> -> memref<1x79x128xi32, #tpu.memory_space<hbm>>
      %dma_start3A_127 = tpu.memref_squeeze %dma_start3A_126 : memref<1x79x128xi32, #tpu.memory_space<hbm>> -> memref<79x128xi32, #tpu.memory_space<hbm>>
      %dma_start3A_128 = arith.constant 0 : i32
      %dma_start3A_129 = tpu.memref_slice %arg2[%run_scoped3A, %add3A_5, %dma_start3A_128] : memref<2x2500x128xi32, #tpu.memory_space<hbm>> -> memref<1x79x128xi32, #tpu.memory_space<hbm>>
      %dma_start3A_130 = tpu.memref_squeeze %dma_start3A_129 : memref<1x79x128xi32, #tpu.memory_space<hbm>> -> memref<79x128xi32, #tpu.memory_space<hbm>>
      tpu.enqueue_dma source(%dma_start3A_130 : memref<79x128xi32, #tpu.memory_space<hbm>>) target(%arg5 : memref<79x128xi32, #tpu.memory_space<vmem>>) target_semaphore(%run_scoped3A_124 : memref<!tpu.dma_semaphore, #tpu.memory_space<semaphore_mem>>)
      %dma_wait3A_131 = arith.constant 0 : i32
      %dma_wait3A_132 = tpu.memref_slice %arg2[%run_scoped3A, %add3A_5, %dma_wait3A_131] : memref<2x2500x128xi32, #tpu.memory_space<hbm>> -> memref<1x79x128xi32, #tpu.memory_space<hbm>>
      %dma_wait3A_133 = tpu.memref_squeeze %dma_wait3A_132 : memref<1x79x128xi32, #tpu.memory_space<hbm>> -> memref<79x128xi32, #tpu.memory_space<hbm>>
      %dma_wait3A_134 = arith.constant 0 : i32
      %dma_wait3A_135 = tpu.memref_slice %arg2[%run_scoped3A, %add3A_5, %dma_wait3A_134] : memref<2x2500x128xi32, #tpu.memory_space<hbm>> -> memref<1x79x128xi32, #tpu.memory_space<hbm>>
      %dma_wait3A_136 = tpu.memref_squeeze %dma_wait3A_135 : memref<1x79x128xi32, #tpu.memory_space<hbm>> -> memref<79x128xi32, #tpu.memory_space<hbm>>
      tpu.wait_dma2 semaphore(%run_scoped3A_124 : memref<!tpu.dma_semaphore, #tpu.memory_space<semaphore_mem>>) src(%dma_wait3A_136 : memref<79x128xi32, #tpu.memory_space<hbm>>) dst(%arg5 : memref<79x128xi32, #tpu.memory_space<vmem>>)
      tpu.yield
    }) : () -> ()
    %run_scoped3A_22 = arith.constant 1 : i32
    "tpu.region"() ({
      %run_scoped3A_124 = tpu.sem_alloc : memref<!tpu.dma_semaphore, #tpu.memory_space<semaphore_mem>>
      %dma_start3A_125 = arith.constant 0 : i32
      %dma_start3A_126 = tpu.memref_slice %arg2[%run_scoped3A_22, %add3A_5, %dma_start3A_125] : memref<2x2500x128xi32, #tpu.memory_space<hbm>> -> memref<1x79x128xi32, #tpu.memory_space<hbm>>
      %dma_start3A_127 = tpu.memref_squeeze %dma_start3A_126 : memref<1x79x128xi32, #tpu.memory_space<hbm>> -> memref<79x128xi32, #tpu.memory_space<hbm>>
      %dma_start3A_128 = arith.constant 0 : i32
      %dma_start3A_129 = tpu.memref_slice %arg2[%run_scoped3A_22, %add3A_5, %dma_start3A_128] : memref<2x2500x128xi32, #tpu.memory_space<hbm>> -> memref<1x79x128xi32, #tpu.memory_space<hbm>>
      %dma_start3A_130 = tpu.memref_squeeze %dma_start3A_129 : memref<1x79x128xi32, #tpu.memory_space<hbm>> -> memref<79x128xi32, #tpu.memory_space<hbm>>
      tpu.enqueue_dma source(%dma_start3A_130 : memref<79x128xi32, #tpu.memory_space<hbm>>) target(%arg6 : memref<79x128xi32, #tpu.memory_space<vmem>>) target_semaphore(%run_scoped3A_124 : memref<!tpu.dma_semaphore, #tpu.memory_space<semaphore_mem>>)
      %dma_wait3A_131 = arith.constant 0 : i32
      %dma_wait3A_132 = tpu.memref_slice %arg2[%run_scoped3A_22, %add3A_5, %dma_wait3A_131] : memref<2x2500x128xi32, #tpu.memory_space<hbm>> -> memref<1x79x128xi32, #tpu.memory_space<hbm>>
      %dma_wait3A_133 = tpu.memref_squeeze %dma_wait3A_132 : memref<1x79x128xi32, #tpu.memory_space<hbm>> -> memref<79x128xi32, #tpu.memory_space<hbm>>
      %dma_wait3A_134 = arith.constant 0 : i32
      %dma_wait3A_135 = tpu.memref_slice %arg2[%run_scoped3A_22, %add3A_5, %dma_wait3A_134] : memref<2x2500x128xi32, #tpu.memory_space<hbm>> -> memref<1x79x128xi32, #tpu.memory_space<hbm>>
      %dma_wait3A_136 = tpu.memref_squeeze %dma_wait3A_135 : memref<1x79x128xi32, #tpu.memory_space<hbm>> -> memref<79x128xi32, #tpu.memory_space<hbm>>
      tpu.wait_dma2 semaphore(%run_scoped3A_124 : memref<!tpu.dma_semaphore, #tpu.memory_space<semaphore_mem>>) src(%dma_wait3A_136 : memref<79x128xi32, #tpu.memory_space<hbm>>) dst(%arg6 : memref<79x128xi32, #tpu.memory_space<vmem>>)
      tpu.yield
    }) : () -> ()
    %barrier3A = arith.constant 0 : index
    tpu.barrier barrier_id(%barrier3A)
    %dma_start3A = arith.constant 0 : i32
    %dma_start3A_23 = arith.constant 0 : i32
    %dma_start3A_24 = arith.constant 0 : i32
    %dma_start3A_25 = arith.constant 0 : i32
    %dma_start3A_26 = tpu.memref_slice %arg7[%dma_start3A_23, %dma_start3A_24, %dma_start3A_25] : memref<6x128x64xf32, #tpu.memory_space<vmem>> -> memref<1x128x64xf32, #tpu.memory_space<vmem>>
    %dma_start3A_27 = tpu.memref_squeeze %dma_start3A_26 : memref<1x128x64xf32, #tpu.memory_space<vmem>> -> memref<128x64xf32, #tpu.memory_space<vmem>>
    %dma_start3A_28 = arith.constant 0 : i32
    %dma_start3A_29 = tpu.memref_slice %arg5[%dma_start3A, %dma_start3A_28] : memref<79x128xi32, #tpu.memory_space<vmem>> -> memref<1x128xi32, #tpu.memory_space<vmem>>
    %dma_start3A_30 = tpu.memref_squeeze %dma_start3A_29 : memref<1x128xi32, #tpu.memory_space<vmem>> -> memref<128xi32, #tpu.memory_space<vmem>>
    %dma_start3A_31 = arith.constant 0 : i32
    %dma_start3A_32 = arith.constant 0 : i32
    %dma_start3A_33 = tpu.memref_slice %arg3[%dma_start3A_31, %dma_start3A_32] : memref<10000x64xf32, #tpu.memory_space<hbm>> -> memref<10000x64xf32, #tpu.memory_space<hbm>>
    tpu.enqueue_indirect_dma source(%dma_start3A_33 : memref<10000x64xf32, #tpu.memory_space<hbm>>) target(%dma_start3A_27 : memref<128x64xf32, #tpu.memory_space<vmem>>) offsets(%dma_start3A_30 : memref<128xi32, #tpu.memory_space<vmem>>) semaphore(%arg9 : memref<!tpu.dma_semaphore, #tpu.memory_space<semaphore_mem>>)
    %dma_start3A_34 = arith.constant 1 : i32
    %dma_start3A_35 = arith.constant 1 : i32
    %dma_start3A_36 = arith.constant 0 : i32
    %dma_start3A_37 = arith.constant 0 : i32
    %dma_start3A_38 = tpu.memref_slice %arg7[%dma_start3A_35, %dma_start3A_36, %dma_start3A_37] : memref<6x128x64xf32, #tpu.memory_space<vmem>> -> memref<1x128x64xf32, #tpu.memory_space<vmem>>
    %dma_start3A_39 = tpu.memref_squeeze %dma_start3A_38 : memref<1x128x64xf32, #tpu.memory_space<vmem>> -> memref<128x64xf32, #tpu.memory_space<vmem>>
    %dma_start3A_40 = arith.constant 0 : i32
    %dma_start3A_41 = tpu.memref_slice %arg5[%dma_start3A_34, %dma_start3A_40] : memref<79x128xi32, #tpu.memory_space<vmem>> -> memref<1x128xi32, #tpu.memory_space<vmem>>
    %dma_start3A_42 = tpu.memref_squeeze %dma_start3A_41 : memref<1x128xi32, #tpu.memory_space<vmem>> -> memref<128xi32, #tpu.memory_space<vmem>>
    %dma_start3A_43 = arith.constant 0 : i32
    %dma_start3A_44 = arith.constant 0 : i32
    %dma_start3A_45 = tpu.memref_slice %arg3[%dma_start3A_43, %dma_start3A_44] : memref<10000x64xf32, #tpu.memory_space<hbm>> -> memref<10000x64xf32, #tpu.memory_space<hbm>>
    tpu.enqueue_indirect_dma source(%dma_start3A_45 : memref<10000x64xf32, #tpu.memory_space<hbm>>) target(%dma_start3A_39 : memref<128x64xf32, #tpu.memory_space<vmem>>) offsets(%dma_start3A_42 : memref<128xi32, #tpu.memory_space<vmem>>) semaphore(%arg9 : memref<!tpu.dma_semaphore, #tpu.memory_space<semaphore_mem>>)
    %dma_start3A_46 = arith.constant 2 : i32
    %dma_start3A_47 = arith.constant 2 : i32
    %dma_start3A_48 = arith.constant 0 : i32
    %dma_start3A_49 = arith.constant 0 : i32
    %dma_start3A_50 = tpu.memref_slice %arg7[%dma_start3A_47, %dma_start3A_48, %dma_start3A_49] : memref<6x128x64xf32, #tpu.memory_space<vmem>> -> memref<1x128x64xf32, #tpu.memory_space<vmem>>
    %dma_start3A_51 = tpu.memref_squeeze %dma_start3A_50 : memref<1x128x64xf32, #tpu.memory_space<vmem>> -> memref<128x64xf32, #tpu.memory_space<vmem>>
    %dma_start3A_52 = arith.constant 0 : i32
    %dma_start3A_53 = tpu.memref_slice %arg5[%dma_start3A_46, %dma_start3A_52] : memref<79x128xi32, #tpu.memory_space<vmem>> -> memref<1x128xi32, #tpu.memory_space<vmem>>
    %dma_start3A_54 = tpu.memref_squeeze %dma_start3A_53 : memref<1x128xi32, #tpu.memory_space<vmem>> -> memref<128xi32, #tpu.memory_space<vmem>>
    %dma_start3A_55 = arith.constant 0 : i32
    %dma_start3A_56 = arith.constant 0 : i32
    %dma_start3A_57 = tpu.memref_slice %arg3[%dma_start3A_55, %dma_start3A_56] : memref<10000x64xf32, #tpu.memory_space<hbm>> -> memref<10000x64xf32, #tpu.memory_space<hbm>>
    tpu.enqueue_indirect_dma source(%dma_start3A_57 : memref<10000x64xf32, #tpu.memory_space<hbm>>) target(%dma_start3A_51 : memref<128x64xf32, #tpu.memory_space<vmem>>) offsets(%dma_start3A_54 : memref<128xi32, #tpu.memory_space<vmem>>) semaphore(%arg9 : memref<!tpu.dma_semaphore, #tpu.memory_space<semaphore_mem>>)
    %dma_start3A_58 = arith.constant 3 : i32
    %dma_start3A_59 = arith.constant 3 : i32
    %dma_start3A_60 = arith.constant 0 : i32
    %dma_start3A_61 = arith.constant 0 : i32
    %dma_start3A_62 = tpu.memref_slice %arg7[%dma_start3A_59, %dma_start3A_60, %dma_start3A_61] : memref<6x128x64xf32, #tpu.memory_space<vmem>> -> memref<1x128x64xf32, #tpu.memory_space<vmem>>
    %dma_start3A_63 = tpu.memref_squeeze %dma_start3A_62 : memref<1x128x64xf32, #tpu.memory_space<vmem>> -> memref<128x64xf32, #tpu.memory_space<vmem>>
    %dma_start3A_64 = arith.constant 0 : i32
    %dma_start3A_65 = tpu.memref_slice %arg5[%dma_start3A_58, %dma_start3A_64] : memref<79x128xi32, #tpu.memory_space<vmem>> -> memref<1x128xi32, #tpu.memory_space<vmem>>
    %dma_start3A_66 = tpu.memref_squeeze %dma_start3A_65 : memref<1x128xi32, #tpu.memory_space<vmem>> -> memref<128xi32, #tpu.memory_space<vmem>>
    %dma_start3A_67 = arith.constant 0 : i32
    %dma_start3A_68 = arith.constant 0 : i32
    %dma_start3A_69 = tpu.memref_slice %arg3[%dma_start3A_67, %dma_start3A_68] : memref<10000x64xf32, #tpu.memory_space<hbm>> -> memref<10000x64xf32, #tpu.memory_space<hbm>>
    tpu.enqueue_indirect_dma source(%dma_start3A_69 : memref<10000x64xf32, #tpu.memory_space<hbm>>) target(%dma_start3A_63 : memref<128x64xf32, #tpu.memory_space<vmem>>) offsets(%dma_start3A_66 : memref<128xi32, #tpu.memory_space<vmem>>) semaphore(%arg9 : memref<!tpu.dma_semaphore, #tpu.memory_space<semaphore_mem>>)
    %dma_start3A_70 = arith.constant 4 : i32
    %dma_start3A_71 = arith.constant 4 : i32
    %dma_start3A_72 = arith.constant 0 : i32
    %dma_start3A_73 = arith.constant 0 : i32
    %dma_start3A_74 = tpu.memref_slice %arg7[%dma_start3A_71, %dma_start3A_72, %dma_start3A_73] : memref<6x128x64xf32, #tpu.memory_space<vmem>> -> memref<1x128x64xf32, #tpu.memory_space<vmem>>
    %dma_start3A_75 = tpu.memref_squeeze %dma_start3A_74 : memref<1x128x64xf32, #tpu.memory_space<vmem>> -> memref<128x64xf32, #tpu.memory_space<vmem>>
    %dma_start3A_76 = arith.constant 0 : i32
    %dma_start3A_77 = tpu.memref_slice %arg5[%dma_start3A_70, %dma_start3A_76] : memref<79x128xi32, #tpu.memory_space<vmem>> -> memref<1x128xi32, #tpu.memory_space<vmem>>
    %dma_start3A_78 = tpu.memref_squeeze %dma_start3A_77 : memref<1x128xi32, #tpu.memory_space<vmem>> -> memref<128xi32, #tpu.memory_space<vmem>>
    %dma_start3A_79 = arith.constant 0 : i32
    %dma_start3A_80 = arith.constant 0 : i32
    %dma_start3A_81 = tpu.memref_slice %arg3[%dma_start3A_79, %dma_start3A_80] : memref<10000x64xf32, #tpu.memory_space<hbm>> -> memref<10000x64xf32, #tpu.memory_space<hbm>>
    tpu.enqueue_indirect_dma source(%dma_start3A_81 : memref<10000x64xf32, #tpu.memory_space<hbm>>) target(%dma_start3A_75 : memref<128x64xf32, #tpu.memory_space<vmem>>) offsets(%dma_start3A_78 : memref<128xi32, #tpu.memory_space<vmem>>) semaphore(%arg9 : memref<!tpu.dma_semaphore, #tpu.memory_space<semaphore_mem>>)
    %dma_start3A_82 = arith.constant 5 : i32
    %dma_start3A_83 = arith.constant 5 : i32
    %dma_start3A_84 = arith.constant 0 : i32
    %dma_start3A_85 = arith.constant 0 : i32
    %dma_start3A_86 = tpu.memref_slice %arg7[%dma_start3A_83, %dma_start3A_84, %dma_start3A_85] : memref<6x128x64xf32, #tpu.memory_space<vmem>> -> memref<1x128x64xf32, #tpu.memory_space<vmem>>
    %dma_start3A_87 = tpu.memref_squeeze %dma_start3A_86 : memref<1x128x64xf32, #tpu.memory_space<vmem>> -> memref<128x64xf32, #tpu.memory_space<vmem>>
    %dma_start3A_88 = arith.constant 0 : i32
    %dma_start3A_89 = tpu.memref_slice %arg5[%dma_start3A_82, %dma_start3A_88] : memref<79x128xi32, #tpu.memory_space<vmem>> -> memref<1x128xi32, #tpu.memory_space<vmem>>
    %dma_start3A_90 = tpu.memref_squeeze %dma_start3A_89 : memref<1x128xi32, #tpu.memory_space<vmem>> -> memref<128xi32, #tpu.memory_space<vmem>>
    %dma_start3A_91 = arith.constant 0 : i32
    %dma_start3A_92 = arith.constant 0 : i32
    %dma_start3A_93 = tpu.memref_slice %arg3[%dma_start3A_91, %dma_start3A_92] : memref<10000x64xf32, #tpu.memory_space<hbm>> -> memref<10000x64xf32, #tpu.memory_space<hbm>>
    tpu.enqueue_indirect_dma source(%dma_start3A_93 : memref<10000x64xf32, #tpu.memory_space<hbm>>) target(%dma_start3A_87 : memref<128x64xf32, #tpu.memory_space<vmem>>) offsets(%dma_start3A_90 : memref<128xi32, #tpu.memory_space<vmem>>) semaphore(%arg9 : memref<!tpu.dma_semaphore, #tpu.memory_space<semaphore_mem>>)
    %while3A = arith.constant 0 : i32
    %while3A_94 = arith.constant 0 : i32
    %while3A_95 = arith.subi %select_n3A, %while3A : i32
    %while3A_96 = arith.addi %while3A, %while3A_95 : i32
    %while3A_97 = arith.constant 1 : i32
    %while3A_98 = arith.divsi %while3A_95, %while3A_97 : i32
    %while3A_99 = arith.muli %while3A_98, %while3A_97 : i32
    %while3A_100 = arith.addi %while3A, %while3A_99 : i32
    %while3A_101 = arith.constant 1 : i32
    %while3A_102 = scf.for %while3A_124 = %while3A to %while3A_100 step %while3A_101 iter_args(%while3A_125 = %while3A_94) -> (i32)  : i32 {
      %rem3A_126 = arith.constant 6 : i32
      %rem3A_127 = arith.remsi %while3A_124, %rem3A_126 : i32
      %dma_wait3A_128 = arith.constant 0 : i32
      %dma_wait3A_129 = arith.constant 0 : i32
      %dma_wait3A_130 = tpu.memref_slice %arg7[%rem3A_127, %dma_wait3A_128, %dma_wait3A_129] : memref<6x128x64xf32, #tpu.memory_space<vmem>> -> memref<1x128x64xf32, #tpu.memory_space<vmem>>
      %dma_wait3A_131 = tpu.memref_squeeze %dma_wait3A_130 : memref<1x128x64xf32, #tpu.memory_space<vmem>> -> memref<128x64xf32, #tpu.memory_space<vmem>>
      %dma_wait3A_132 = arith.constant 0 : i32
      %dma_wait3A_133 = tpu.memref_slice %arg5[%while3A_124, %dma_wait3A_132] : memref<79x128xi32, #tpu.memory_space<vmem>> -> memref<1x128xi32, #tpu.memory_space<vmem>>
      %dma_wait3A_134 = tpu.memref_squeeze %dma_wait3A_133 : memref<1x128xi32, #tpu.memory_space<vmem>> -> memref<128xi32, #tpu.memory_space<vmem>>
      %dma_wait3A_135 = arith.constant 0 : i32
      %dma_wait3A_136 = arith.constant 0 : i32
      %dma_wait3A_137 = tpu.memref_slice %arg3[%dma_wait3A_135, %dma_wait3A_136] : memref<10000x64xf32, #tpu.memory_space<hbm>> -> memref<10000x64xf32, #tpu.memory_space<hbm>>
      tpu.wait_indirect_dma semaphore(%arg9 : memref<!tpu.dma_semaphore, #tpu.memory_space<semaphore_mem>>) src(%dma_wait3A_137 : memref<10000x64xf32, #tpu.memory_space<hbm>>) dst(%dma_wait3A_131 : memref<128x64xf32, #tpu.memory_space<vmem>>)
      %dma_start3A_138 = arith.constant 0 : i32
      %dma_start3A_139 = arith.constant 0 : i32
      %dma_start3A_140 = tpu.memref_slice %arg7[%rem3A_127, %dma_start3A_138, %dma_start3A_139] : memref<6x128x64xf32, #tpu.memory_space<vmem>> -> memref<1x128x64xf32, #tpu.memory_space<vmem>>
      %dma_start3A_141 = tpu.memref_squeeze %dma_start3A_140 : memref<1x128x64xf32, #tpu.memory_space<vmem>> -> memref<128x64xf32, #tpu.memory_space<vmem>>
      %dma_start3A_142 = arith.constant 0 : i32
      %dma_start3A_143 = tpu.memref_slice %arg6[%while3A_124, %dma_start3A_142] : memref<79x128xi32, #tpu.memory_space<vmem>> -> memref<1x128xi32, #tpu.memory_space<vmem>>
      %dma_start3A_144 = tpu.memref_squeeze %dma_start3A_143 : memref<1x128xi32, #tpu.memory_space<vmem>> -> memref<128xi32, #tpu.memory_space<vmem>>
      %dma_start3A_145 = arith.constant 0 : i32
      %dma_start3A_146 = arith.constant 0 : i32
      %dma_start3A_147 = tpu.memref_slice %arg8[%dma_start3A_145, %dma_start3A_146] : memref<10240x64xf32, #tpu.memory_space<vmem_shared>> -> memref<10240x64xf32, #tpu.memory_space<vmem_shared>>
      tpu.enqueue_indirect_dma source(%dma_start3A_141 : memref<128x64xf32, #tpu.memory_space<vmem>>) target(%dma_start3A_147 : memref<10240x64xf32, #tpu.memory_space<vmem_shared>>) offsets(%dma_start3A_144 : memref<128xi32, #tpu.memory_space<vmem>>) semaphore(%arg10 : memref<!tpu.dma_semaphore, #tpu.memory_space<semaphore_mem>>) {add = true}
      %ge3A_148 = arith.constant 1 : i32
      %ge3A_149 = arith.cmpi sge, %while3A_124, %ge3A_148 : i32
      %convert_element_type3A = arith.extui %ge3A_149 : i1 to i32
      %cond3A = arith.constant 0 : i32
      %cond3A_150 = arith.cmpi ne, %convert_element_type3A, %cond3A : i32
      scf.if %cond3A_150 {
        %sub3A_152 = arith.constant 1 : i32
        %sub3A_153 = arith.subi %while3A_124, %sub3A_152 : i32
        %rem3A_154 = arith.constant 6 : i32
        %rem3A_155 = arith.remsi %sub3A_153, %rem3A_154 : i32
        %dma_wait3A_156 = arith.constant 0 : i32
        %dma_wait3A_157 = arith.constant 0 : i32
        %dma_wait3A_158 = tpu.memref_slice %arg7[%rem3A_155, %dma_wait3A_156, %dma_wait3A_157] : memref<6x128x64xf32, #tpu.memory_space<vmem>> -> memref<1x128x64xf32, #tpu.memory_space<vmem>>
        %dma_wait3A_159 = tpu.memref_squeeze %dma_wait3A_158 : memref<1x128x64xf32, #tpu.memory_space<vmem>> -> memref<128x64xf32, #tpu.memory_space<vmem>>
        %dma_wait3A_160 = arith.constant 0 : i32
        %dma_wait3A_161 = tpu.memref_slice %arg6[%sub3A_153, %dma_wait3A_160] : memref<79x128xi32, #tpu.memory_space<vmem>> -> memref<1x128xi32, #tpu.memory_space<vmem>>
        %dma_wait3A_162 = tpu.memref_squeeze %dma_wait3A_161 : memref<1x128xi32, #tpu.memory_space<vmem>> -> memref<128xi32, #tpu.memory_space<vmem>>
        %dma_wait3A_163 = arith.constant 0 : i32
        %dma_wait3A_164 = arith.constant 0 : i32
        %dma_wait3A_165 = tpu.memref_slice %arg8[%dma_wait3A_163, %dma_wait3A_164] : memref<10240x64xf32, #tpu.memory_space<vmem_shared>> -> memref<10240x64xf32, #tpu.memory_space<vmem_shared>>
        tpu.wait_indirect_dma semaphore(%arg10 : memref<!tpu.dma_semaphore, #tpu.memory_space<semaphore_mem>>) src(%dma_wait3A_159 : memref<128x64xf32, #tpu.memory_space<vmem>>) dst(%dma_wait3A_165 : memref<10240x64xf32, #tpu.memory_space<vmem_shared>>)
        %add3A_166 = arith.constant 6 : i32
        %add3A_167 = arith.addi %sub3A_153, %add3A_166 : i32
        %lt3A = arith.cmpi slt, %add3A_167, %select_n3A : i32
        %convert_element_type3A_168 = arith.extui %lt3A : i1 to i32
        %cond3A_169 = arith.constant 0 : i32
        %cond3A_170 = arith.cmpi ne, %convert_element_type3A_168, %cond3A_169 : i32
        scf.if %cond3A_170 {
          %add3A_171 = arith.constant 6 : i32
          %add3A_172 = arith.addi %sub3A_153, %add3A_171 : i32
          %dma_start3A_173 = arith.constant 0 : i32
          %dma_start3A_174 = arith.constant 0 : i32
          %dma_start3A_175 = tpu.memref_slice %arg7[%rem3A_155, %dma_start3A_173, %dma_start3A_174] : memref<6x128x64xf32, #tpu.memory_space<vmem>> -> memref<1x128x64xf32, #tpu.memory_space<vmem>>
          %dma_start3A_176 = tpu.memref_squeeze %dma_start3A_175 : memref<1x128x64xf32, #tpu.memory_space<vmem>> -> memref<128x64xf32, #tpu.memory_space<vmem>>
          %dma_start3A_177 = arith.constant 0 : i32
          %dma_start3A_178 = tpu.memref_slice %arg5[%add3A_172, %dma_start3A_177] : memref<79x128xi32, #tpu.memory_space<vmem>> -> memref<1x128xi32, #tpu.memory_space<vmem>>
          %dma_start3A_179 = tpu.memref_squeeze %dma_start3A_178 : memref<1x128xi32, #tpu.memory_space<vmem>> -> memref<128xi32, #tpu.memory_space<vmem>>
          %dma_start3A_180 = arith.constant 0 : i32
          %dma_start3A_181 = arith.constant 0 : i32
          %dma_start3A_182 = tpu.memref_slice %arg3[%dma_start3A_180, %dma_start3A_181] : memref<10000x64xf32, #tpu.memory_space<hbm>> -> memref<10000x64xf32, #tpu.memory_space<hbm>>
          tpu.enqueue_indirect_dma source(%dma_start3A_182 : memref<10000x64xf32, #tpu.memory_space<hbm>>) target(%dma_start3A_176 : memref<128x64xf32, #tpu.memory_space<vmem>>) offsets(%dma_start3A_179 : memref<128xi32, #tpu.memory_space<vmem>>) semaphore(%arg9 : memref<!tpu.dma_semaphore, #tpu.memory_space<semaphore_mem>>)
        } else {
        }
      } else {
      }
      %while3A_151 = arith.constant 0 : i32
      scf.yield %while3A_151 : i32
    }
    %while3A_103 = arith.constant 1 : i32
    %while3A_104 = scf.for %while3A_124 = %while3A_100 to %while3A_96 step %while3A_103 iter_args(%while3A_125 = %while3A_102) -> (i32)  : i32 {
      %rem3A_126 = arith.constant 6 : i32
      %rem3A_127 = arith.remsi %while3A_124, %rem3A_126 : i32
      %dma_wait3A_128 = arith.constant 0 : i32
      %dma_wait3A_129 = arith.constant 0 : i32
      %dma_wait3A_130 = tpu.memref_slice %arg7[%rem3A_127, %dma_wait3A_128, %dma_wait3A_129] : memref<6x128x64xf32, #tpu.memory_space<vmem>> -> memref<1x128x64xf32, #tpu.memory_space<vmem>>
      %dma_wait3A_131 = tpu.memref_squeeze %dma_wait3A_130 : memref<1x128x64xf32, #tpu.memory_space<vmem>> -> memref<128x64xf32, #tpu.memory_space<vmem>>
      %dma_wait3A_132 = arith.constant 0 : i32
      %dma_wait3A_133 = tpu.memref_slice %arg5[%while3A_124, %dma_wait3A_132] : memref<79x128xi32, #tpu.memory_space<vmem>> -> memref<1x128xi32, #tpu.memory_space<vmem>>
      %dma_wait3A_134 = tpu.memref_squeeze %dma_wait3A_133 : memref<1x128xi32, #tpu.memory_space<vmem>> -> memref<128xi32, #tpu.memory_space<vmem>>
      %dma_wait3A_135 = arith.constant 0 : i32
      %dma_wait3A_136 = arith.constant 0 : i32
      %dma_wait3A_137 = tpu.memref_slice %arg3[%dma_wait3A_135, %dma_wait3A_136] : memref<10000x64xf32, #tpu.memory_space<hbm>> -> memref<10000x64xf32, #tpu.memory_space<hbm>>
      tpu.wait_indirect_dma semaphore(%arg9 : memref<!tpu.dma_semaphore, #tpu.memory_space<semaphore_mem>>) src(%dma_wait3A_137 : memref<10000x64xf32, #tpu.memory_space<hbm>>) dst(%dma_wait3A_131 : memref<128x64xf32, #tpu.memory_space<vmem>>)
      %dma_start3A_138 = arith.constant 0 : i32
      %dma_start3A_139 = arith.constant 0 : i32
      %dma_start3A_140 = tpu.memref_slice %arg7[%rem3A_127, %dma_start3A_138, %dma_start3A_139] : memref<6x128x64xf32, #tpu.memory_space<vmem>> -> memref<1x128x64xf32, #tpu.memory_space<vmem>>
      %dma_start3A_141 = tpu.memref_squeeze %dma_start3A_140 : memref<1x128x64xf32, #tpu.memory_space<vmem>> -> memref<128x64xf32, #tpu.memory_space<vmem>>
      %dma_start3A_142 = arith.constant 0 : i32
      %dma_start3A_143 = tpu.memref_slice %arg6[%while3A_124, %dma_start3A_142] : memref<79x128xi32, #tpu.memory_space<vmem>> -> memref<1x128xi32, #tpu.memory_space<vmem>>
      %dma_start3A_144 = tpu.memref_squeeze %dma_start3A_143 : memref<1x128xi32, #tpu.memory_space<vmem>> -> memref<128xi32, #tpu.memory_space<vmem>>
      %dma_start3A_145 = arith.constant 0 : i32
      %dma_start3A_146 = arith.constant 0 : i32
      %dma_start3A_147 = tpu.memref_slice %arg8[%dma_start3A_145, %dma_start3A_146] : memref<10240x64xf32, #tpu.memory_space<vmem_shared>> -> memref<10240x64xf32, #tpu.memory_space<vmem_shared>>
      tpu.enqueue_indirect_dma source(%dma_start3A_141 : memref<128x64xf32, #tpu.memory_space<vmem>>) target(%dma_start3A_147 : memref<10240x64xf32, #tpu.memory_space<vmem_shared>>) offsets(%dma_start3A_144 : memref<128xi32, #tpu.memory_space<vmem>>) semaphore(%arg10 : memref<!tpu.dma_semaphore, #tpu.memory_space<semaphore_mem>>) {add = true}
      %ge3A_148 = arith.constant 1 : i32
      %ge3A_149 = arith.cmpi sge, %while3A_124, %ge3A_148 : i32
      %convert_element_type3A = arith.extui %ge3A_149 : i1 to i32
      %cond3A = arith.constant 0 : i32
      %cond3A_150 = arith.cmpi ne, %convert_element_type3A, %cond3A : i32
      scf.if %cond3A_150 {
        %sub3A_152 = arith.constant 1 : i32
        %sub3A_153 = arith.subi %while3A_124, %sub3A_152 : i32
        %rem3A_154 = arith.constant 6 : i32
        %rem3A_155 = arith.remsi %sub3A_153, %rem3A_154 : i32
        %dma_wait3A_156 = arith.constant 0 : i32
        %dma_wait3A_157 = arith.constant 0 : i32
        %dma_wait3A_158 = tpu.memref_slice %arg7[%rem3A_155, %dma_wait3A_156, %dma_wait3A_157] : memref<6x128x64xf32, #tpu.memory_space<vmem>> -> memref<1x128x64xf32, #tpu.memory_space<vmem>>
        %dma_wait3A_159 = tpu.memref_squeeze %dma_wait3A_158 : memref<1x128x64xf32, #tpu.memory_space<vmem>> -> memref<128x64xf32, #tpu.memory_space<vmem>>
        %dma_wait3A_160 = arith.constant 0 : i32
        %dma_wait3A_161 = tpu.memref_slice %arg6[%sub3A_153, %dma_wait3A_160] : memref<79x128xi32, #tpu.memory_space<vmem>> -> memref<1x128xi32, #tpu.memory_space<vmem>>
        %dma_wait3A_162 = tpu.memref_squeeze %dma_wait3A_161 : memref<1x128xi32, #tpu.memory_space<vmem>> -> memref<128xi32, #tpu.memory_space<vmem>>
        %dma_wait3A_163 = arith.constant 0 : i32
        %dma_wait3A_164 = arith.constant 0 : i32
        %dma_wait3A_165 = tpu.memref_slice %arg8[%dma_wait3A_163, %dma_wait3A_164] : memref<10240x64xf32, #tpu.memory_space<vmem_shared>> -> memref<10240x64xf32, #tpu.memory_space<vmem_shared>>
        tpu.wait_indirect_dma semaphore(%arg10 : memref<!tpu.dma_semaphore, #tpu.memory_space<semaphore_mem>>) src(%dma_wait3A_159 : memref<128x64xf32, #tpu.memory_space<vmem>>) dst(%dma_wait3A_165 : memref<10240x64xf32, #tpu.memory_space<vmem_shared>>)
        %add3A_166 = arith.constant 6 : i32
        %add3A_167 = arith.addi %sub3A_153, %add3A_166 : i32
        %lt3A = arith.cmpi slt, %add3A_167, %select_n3A : i32
        %convert_element_type3A_168 = arith.extui %lt3A : i1 to i32
        %cond3A_169 = arith.constant 0 : i32
        %cond3A_170 = arith.cmpi ne, %convert_element_type3A_168, %cond3A_169 : i32
        scf.if %cond3A_170 {
          %add3A_171 = arith.constant 6 : i32
          %add3A_172 = arith.addi %sub3A_153, %add3A_171 : i32
          %dma_start3A_173 = arith.constant 0 : i32
          %dma_start3A_174 = arith.constant 0 : i32
          %dma_start3A_175 = tpu.memref_slice %arg7[%rem3A_155, %dma_start3A_173, %dma_start3A_174] : memref<6x128x64xf32, #tpu.memory_space<vmem>> -> memref<1x128x64xf32, #tpu.memory_space<vmem>>
          %dma_start3A_176 = tpu.memref_squeeze %dma_start3A_175 : memref<1x128x64xf32, #tpu.memory_space<vmem>> -> memref<128x64xf32, #tpu.memory_space<vmem>>
          %dma_start3A_177 = arith.constant 0 : i32
          %dma_start3A_178 = tpu.memref_slice %arg5[%add3A_172, %dma_start3A_177] : memref<79x128xi32, #tpu.memory_space<vmem>> -> memref<1x128xi32, #tpu.memory_space<vmem>>
          %dma_start3A_179 = tpu.memref_squeeze %dma_start3A_178 : memref<1x128xi32, #tpu.memory_space<vmem>> -> memref<128xi32, #tpu.memory_space<vmem>>
          %dma_start3A_180 = arith.constant 0 : i32
          %dma_start3A_181 = arith.constant 0 : i32
          %dma_start3A_182 = tpu.memref_slice %arg3[%dma_start3A_180, %dma_start3A_181] : memref<10000x64xf32, #tpu.memory_space<hbm>> -> memref<10000x64xf32, #tpu.memory_space<hbm>>
          tpu.enqueue_indirect_dma source(%dma_start3A_182 : memref<10000x64xf32, #tpu.memory_space<hbm>>) target(%dma_start3A_176 : memref<128x64xf32, #tpu.memory_space<vmem>>) offsets(%dma_start3A_179 : memref<128xi32, #tpu.memory_space<vmem>>) semaphore(%arg9 : memref<!tpu.dma_semaphore, #tpu.memory_space<semaphore_mem>>)
        } else {
        }
      } else {
      }
      %while3A_151 = arith.constant 0 : i32
      scf.yield %while3A_151 : i32
    }
    %sub3A_105 = arith.constant 1 : i32
    %sub3A_106 = arith.subi %select_n3A, %sub3A_105 : i32
    %rem3A = arith.constant 6 : i32
    %rem3A_107 = arith.remsi %sub3A_106, %rem3A : i32
    %sub3A_108 = arith.constant 1 : i32
    %sub3A_109 = arith.subi %select_n3A, %sub3A_108 : i32
    %dma_wait3A = arith.constant 0 : i32
    %dma_wait3A_110 = arith.constant 0 : i32
    %dma_wait3A_111 = tpu.memref_slice %arg7[%rem3A_107, %dma_wait3A, %dma_wait3A_110] : memref<6x128x64xf32, #tpu.memory_space<vmem>> -> memref<1x128x64xf32, #tpu.memory_space<vmem>>
    %dma_wait3A_112 = tpu.memref_squeeze %dma_wait3A_111 : memref<1x128x64xf32, #tpu.memory_space<vmem>> -> memref<128x64xf32, #tpu.memory_space<vmem>>
    %dma_wait3A_113 = arith.constant 0 : i32
    %dma_wait3A_114 = tpu.memref_slice %arg6[%sub3A_109, %dma_wait3A_113] : memref<79x128xi32, #tpu.memory_space<vmem>> -> memref<1x128xi32, #tpu.memory_space<vmem>>
    %dma_wait3A_115 = tpu.memref_squeeze %dma_wait3A_114 : memref<1x128xi32, #tpu.memory_space<vmem>> -> memref<128xi32, #tpu.memory_space<vmem>>
    %dma_wait3A_116 = arith.constant 0 : i32
    %dma_wait3A_117 = arith.constant 0 : i32
    %dma_wait3A_118 = tpu.memref_slice %arg8[%dma_wait3A_116, %dma_wait3A_117] : memref<10240x64xf32, #tpu.memory_space<vmem_shared>> -> memref<10240x64xf32, #tpu.memory_space<vmem_shared>>
    tpu.wait_indirect_dma semaphore(%arg10 : memref<!tpu.dma_semaphore, #tpu.memory_space<semaphore_mem>>) src(%dma_wait3A_112 : memref<128x64xf32, #tpu.memory_space<vmem>>) dst(%dma_wait3A_118 : memref<10240x64xf32, #tpu.memory_space<vmem_shared>>)
    %barrier3A_119 = arith.constant 0 : index
    tpu.barrier barrier_id(%barrier3A_119)
    %mul3A_120 = arith.constant 640 : i32
    %mul3A_121 = arith.muli %arg1, %mul3A_120 : i32
    %mul3A_122 = arith.constant 640 : i32
    %mul3A_123 = arith.muli %arg1, %mul3A_122 : i32
    "tpu.region"() ({
      %run_scoped3A_124 = tpu.sem_alloc : memref<!tpu.dma_semaphore, #tpu.memory_space<semaphore_mem>>
      %dma_start3A_125 = arith.constant 0 : i32
      %dma_start3A_126 = tpu.memref_slice %arg4[%arg0, %mul3A_123, %dma_start3A_125] : memref<2x10240x64xf32, #tpu.memory_space<hbm>> -> memref<1x640x64xf32, #tpu.memory_space<hbm>>
      %dma_start3A_127 = tpu.memref_squeeze %dma_start3A_126 : memref<1x640x64xf32, #tpu.memory_space<hbm>> -> memref<640x64xf32, #tpu.memory_space<hbm>>
      %dma_start3A_128 = arith.constant 0 : i32
      %dma_start3A_129 = tpu.memref_slice %arg8[%mul3A_121, %dma_start3A_128] : memref<10240x64xf32, #tpu.memory_space<vmem_shared>> -> memref<640x64xf32, #tpu.memory_space<vmem_shared>>
      tpu.enqueue_dma source(%dma_start3A_129 : memref<640x64xf32, #tpu.memory_space<vmem_shared>>) target(%dma_start3A_127 : memref<640x64xf32, #tpu.memory_space<hbm>>) target_semaphore(%run_scoped3A_124 : memref<!tpu.dma_semaphore, #tpu.memory_space<semaphore_mem>>)
      %dma_wait3A_130 = arith.constant 0 : i32
      %dma_wait3A_131 = tpu.memref_slice %arg4[%arg0, %mul3A_123, %dma_wait3A_130] : memref<2x10240x64xf32, #tpu.memory_space<hbm>> -> memref<1x640x64xf32, #tpu.memory_space<hbm>>
      %dma_wait3A_132 = tpu.memref_squeeze %dma_wait3A_131 : memref<1x640x64xf32, #tpu.memory_space<hbm>> -> memref<640x64xf32, #tpu.memory_space<hbm>>
      %dma_wait3A_133 = arith.constant 0 : i32
      %dma_wait3A_134 = tpu.memref_slice %arg8[%mul3A_121, %dma_wait3A_133] : memref<10240x64xf32, #tpu.memory_space<vmem_shared>> -> memref<640x64xf32, #tpu.memory_space<vmem_shared>>
      tpu.wait_dma2 semaphore(%run_scoped3A_124 : memref<!tpu.dma_semaphore, #tpu.memory_space<semaphore_mem>>) src(%dma_wait3A_134 : memref<640x64xf32, #tpu.memory_space<vmem_shared>>) dst(%dma_wait3A_132 : memref<640x64xf32, #tpu.memory_space<hbm>>)
      tpu.yield
    }) : () -> ()
    return
  }
}

#map = affine_map<(d0, d1) -> (0, 0, 0)>
#map1 = affine_map<(d0, d1) -> (0, 0)>
module attributes {stable_mosaic.version = 14 : i64} {
  func.func @agg(%arg0: i32, %arg1: i32, %arg2: memref<2x2500x128xi32, #tpu.memory_space<hbm>>, %arg3: memref<10000x16xf32, #tpu.memory_space<hbm>>, %arg4: memref<2x10240x16xf32, #tpu.memory_space<hbm>>, %arg5: memref<79x128xi32, #tpu.memory_space<vmem>>, %arg6: memref<79x128xi32, #tpu.memory_space<vmem>>, %arg7: memref<8x128x16xf32, #tpu.memory_space<vmem>>, %arg8: memref<10240x16xf32, #tpu.memory_space<vmem_shared>>, %arg9: memref<!tpu.dma_semaphore, #tpu.memory_space<semaphore_mem>>, %arg10: memref<!tpu.dma_semaphore, #tpu.memory_space<semaphore_mem>>) attributes {dimension_semantics = [#tpu.dimension_semantics<core_parallel>, #tpu.dimension_semantics<subcore_parallel>], iteration_bounds = array<i64: 2, 16>, scalar_prefetch = 0 : i64, scratch_operands = 6 : i64, tpu.core_type = #tpu.core_type<sc_vector_subcore>, window_params = [{transform_indices = #map}, {transform_indices = #map1}, {transform_indices = #map}]} {
    %mul3A = arith.constant 2 : i32
    %mul3A_0 = arith.muli %arg1, %mul3A : i32
    %add3A = arith.addi %mul3A_0, %arg0 : i32
    %mul3A_1 = arith.constant 78 : i32
    %mul3A_2 = arith.muli %mul3A_1, %add3A : i32
    %sub3A = arith.constant 28 : i32
    %sub3A_3 = arith.subi %add3A, %sub3A : i32
    %max3A = arith.constant 0 : i32
    %max3A_4 = arith.maxsi %sub3A_3, %max3A : i32
    %add3A_5 = arith.addi %mul3A_2, %max3A_4 : i32
    %ge3A = arith.constant 28 : i32
    %ge3A_6 = arith.cmpi sge, %add3A, %ge3A : i32
    %jit3A = arith.constant 79 : i32
    %jit3A_7 = arith.constant 78 : i32
    %select_n3A = arith.select %ge3A_6, %jit3A, %jit3A_7 : i32
    %broadcast_in_dim3A = arith.constant 0.000000e+00 : f32
    %broadcast_in_dim3A_8 = vector.broadcast %broadcast_in_dim3A : f32 to vector<16xf32>
    %scan3A = arith.constant 0 : i32
    %scan3A_9 = arith.constant 0 : i32
    %scan3A_10 = arith.constant 128 : i32
    %scan3A_11 = arith.addi %scan3A_9, %scan3A_10 : i32
    %scan3A_12 = arith.constant 1 : i32
    %scan3A_13 = scf.for %scan3A_148 = %scan3A_9 to %scan3A_11 step %scan3A_12 iter_args(%scan3A_149 = %scan3A) -> (i32)  : i32 {
      %swap3A = arith.constant 0 : i32
      %swap3A_150 = arith.index_cast %swap3A : i32 to index
      %swap3A_151 = arith.index_cast %scan3A_148 : i32 to index
      %swap3A_152 = arith.constant 0 : index
      %swap3A_153 = tpu.vector_load %arg7[%swap3A_150, %swap3A_151, %swap3A_152] {strides = array<i32>} : memref<8x128x16xf32, #tpu.memory_space<vmem>>, vector<16xf32>,
      tpu.vector_store %arg7[%swap3A_150, %swap3A_151, %swap3A_152], %broadcast_in_dim3A_8 {strides = array<i32>} : memref<8x128x16xf32, #tpu.memory_space<vmem>>, vector<16xf32>,
      %scan3A_154 = arith.constant 0 : i32
      scf.yield %scan3A_154 : i32
    }
    %scan3A_14 = arith.constant 128 : i32
    %scan3A_15 = arith.constant 0 : i32
    %scan3A_16 = arith.constant 0 : i32
    %scan3A_17 = arith.constant 5 : i32
    %scan3A_18 = arith.addi %scan3A_16, %scan3A_17 : i32
    %scan3A_19 = arith.constant 1 : i32
    %scan3A_20 = scf.for %scan3A_148 = %scan3A_16 to %scan3A_18 step %scan3A_19 iter_args(%scan3A_149 = %scan3A_15) -> (i32)  : i32 {
      %mul3A_150 = arith.constant 640 : i32
      %mul3A_151 = arith.muli %arg1, %mul3A_150 : i32
      %mul3A_152 = arith.constant 128 : i32
      %mul3A_153 = arith.muli %scan3A_148, %mul3A_152 : i32
      %add3A_154 = arith.addi %mul3A_151, %mul3A_153 : i32
      %run_scoped3A_155 = arith.constant 0 : i32
      "tpu.region"() ({
        %run_scoped3A_157 = tpu.sem_alloc : memref<!tpu.dma_semaphore, #tpu.memory_space<semaphore_mem>>
        %dma_start3A_158 = arith.constant 0 : i32
        %dma_start3A_159 = arith.constant 0 : i32
        %dma_start3A_160 = tpu.memref_slice %arg7[%run_scoped3A_155, %dma_start3A_158, %dma_start3A_159] : memref<8x128x16xf32, #tpu.memory_space<vmem>> -> memref<1x128x16xf32, #tpu.memory_space<vmem>>
        %dma_start3A_161 = tpu.memref_squeeze %dma_start3A_160 : memref<1x128x16xf32, #tpu.memory_space<vmem>> -> memref<128x16xf32, #tpu.memory_space<vmem>>
        %dma_start3A_162 = arith.constant 0 : i32
        %dma_start3A_163 = tpu.memref_slice %arg8[%add3A_154, %dma_start3A_162] : memref<10240x16xf32, #tpu.memory_space<vmem_shared>> -> memref<128x16xf32, #tpu.memory_space<vmem_shared>>
        %dma_start3A_164 = arith.constant 0 : i32
        %dma_start3A_165 = tpu.memref_slice %arg8[%add3A_154, %dma_start3A_164] : memref<10240x16xf32, #tpu.memory_space<vmem_shared>> -> memref<128x16xf32, #tpu.memory_space<vmem_shared>>
        %dma_start3A_166 = arith.constant 0 : i32
        %dma_start3A_167 = arith.constant 0 : i32
        %dma_start3A_168 = tpu.memref_slice %arg7[%run_scoped3A_155, %dma_start3A_166, %dma_start3A_167] : memref<8x128x16xf32, #tpu.memory_space<vmem>> -> memref<1x128x16xf32, #tpu.memory_space<vmem>>
        %dma_start3A_169 = tpu.memref_squeeze %dma_start3A_168 : memref<1x128x16xf32, #tpu.memory_space<vmem>> -> memref<128x16xf32, #tpu.memory_space<vmem>>
        tpu.enqueue_dma source(%dma_start3A_169 : memref<128x16xf32, #tpu.memory_space<vmem>>) target(%dma_start3A_165 : memref<128x16xf32, #tpu.memory_space<vmem_shared>>) target_semaphore(%run_scoped3A_157 : memref<!tpu.dma_semaphore, #tpu.memory_space<semaphore_mem>>)
        %dma_wait3A_170 = arith.constant 0 : i32
        %dma_wait3A_171 = arith.constant 0 : i32
        %dma_wait3A_172 = tpu.memref_slice %arg7[%run_scoped3A_155, %dma_wait3A_170, %dma_wait3A_171] : memref<8x128x16xf32, #tpu.memory_space<vmem>> -> memref<1x128x16xf32, #tpu.memory_space<vmem>>
        %dma_wait3A_173 = tpu.memref_squeeze %dma_wait3A_172 : memref<1x128x16xf32, #tpu.memory_space<vmem>> -> memref<128x16xf32, #tpu.memory_space<vmem>>
        %dma_wait3A_174 = arith.constant 0 : i32
        %dma_wait3A_175 = tpu.memref_slice %arg8[%add3A_154, %dma_wait3A_174] : memref<10240x16xf32, #tpu.memory_space<vmem_shared>> -> memref<128x16xf32, #tpu.memory_space<vmem_shared>>
        %dma_wait3A_176 = arith.constant 0 : i32
        %dma_wait3A_177 = tpu.memref_slice %arg8[%add3A_154, %dma_wait3A_176] : memref<10240x16xf32, #tpu.memory_space<vmem_shared>> -> memref<128x16xf32, #tpu.memory_space<vmem_shared>>
        %dma_wait3A_178 = arith.constant 0 : i32
        %dma_wait3A_179 = arith.constant 0 : i32
        %dma_wait3A_180 = tpu.memref_slice %arg7[%run_scoped3A_155, %dma_wait3A_178, %dma_wait3A_179] : memref<8x128x16xf32, #tpu.memory_space<vmem>> -> memref<1x128x16xf32, #tpu.memory_space<vmem>>
        %dma_wait3A_181 = tpu.memref_squeeze %dma_wait3A_180 : memref<1x128x16xf32, #tpu.memory_space<vmem>> -> memref<128x16xf32, #tpu.memory_space<vmem>>
        tpu.wait_dma2 semaphore(%run_scoped3A_157 : memref<!tpu.dma_semaphore, #tpu.memory_space<semaphore_mem>>) src(%dma_wait3A_181 : memref<128x16xf32, #tpu.memory_space<vmem>>) dst(%dma_wait3A_177 : memref<128x16xf32, #tpu.memory_space<vmem_shared>>)
        tpu.yield
      }) : () -> ()
      %scan3A_156 = arith.constant 0 : i32
      scf.yield %scan3A_156 : i32
    }
    %scan3A_21 = arith.constant 5 : i32
    %run_scoped3A = arith.constant 0 : i32
    "tpu.region"() ({
      %run_scoped3A_148 = tpu.sem_alloc : memref<!tpu.dma_semaphore, #tpu.memory_space<semaphore_mem>>
      %dma_start3A_149 = arith.constant 0 : i32
      %dma_start3A_150 = tpu.memref_slice %arg2[%run_scoped3A, %add3A_5, %dma_start3A_149] : memref<2x2500x128xi32, #tpu.memory_space<hbm>> -> memref<1x79x128xi32, #tpu.memory_space<hbm>>
      %dma_start3A_151 = tpu.memref_squeeze %dma_start3A_150 : memref<1x79x128xi32, #tpu.memory_space<hbm>> -> memref<79x128xi32, #tpu.memory_space<hbm>>
      %dma_start3A_152 = arith.constant 0 : i32
      %dma_start3A_153 = tpu.memref_slice %arg2[%run_scoped3A, %add3A_5, %dma_start3A_152] : memref<2x2500x128xi32, #tpu.memory_space<hbm>> -> memref<1x79x128xi32, #tpu.memory_space<hbm>>
      %dma_start3A_154 = tpu.memref_squeeze %dma_start3A_153 : memref<1x79x128xi32, #tpu.memory_space<hbm>> -> memref<79x128xi32, #tpu.memory_space<hbm>>
      tpu.enqueue_dma source(%dma_start3A_154 : memref<79x128xi32, #tpu.memory_space<hbm>>) target(%arg5 : memref<79x128xi32, #tpu.memory_space<vmem>>) target_semaphore(%run_scoped3A_148 : memref<!tpu.dma_semaphore, #tpu.memory_space<semaphore_mem>>)
      %dma_wait3A_155 = arith.constant 0 : i32
      %dma_wait3A_156 = tpu.memref_slice %arg2[%run_scoped3A, %add3A_5, %dma_wait3A_155] : memref<2x2500x128xi32, #tpu.memory_space<hbm>> -> memref<1x79x128xi32, #tpu.memory_space<hbm>>
      %dma_wait3A_157 = tpu.memref_squeeze %dma_wait3A_156 : memref<1x79x128xi32, #tpu.memory_space<hbm>> -> memref<79x128xi32, #tpu.memory_space<hbm>>
      %dma_wait3A_158 = arith.constant 0 : i32
      %dma_wait3A_159 = tpu.memref_slice %arg2[%run_scoped3A, %add3A_5, %dma_wait3A_158] : memref<2x2500x128xi32, #tpu.memory_space<hbm>> -> memref<1x79x128xi32, #tpu.memory_space<hbm>>
      %dma_wait3A_160 = tpu.memref_squeeze %dma_wait3A_159 : memref<1x79x128xi32, #tpu.memory_space<hbm>> -> memref<79x128xi32, #tpu.memory_space<hbm>>
      tpu.wait_dma2 semaphore(%run_scoped3A_148 : memref<!tpu.dma_semaphore, #tpu.memory_space<semaphore_mem>>) src(%dma_wait3A_160 : memref<79x128xi32, #tpu.memory_space<hbm>>) dst(%arg5 : memref<79x128xi32, #tpu.memory_space<vmem>>)
      tpu.yield
    }) : () -> ()
    %run_scoped3A_22 = arith.constant 1 : i32
    "tpu.region"() ({
      %run_scoped3A_148 = tpu.sem_alloc : memref<!tpu.dma_semaphore, #tpu.memory_space<semaphore_mem>>
      %dma_start3A_149 = arith.constant 0 : i32
      %dma_start3A_150 = tpu.memref_slice %arg2[%run_scoped3A_22, %add3A_5, %dma_start3A_149] : memref<2x2500x128xi32, #tpu.memory_space<hbm>> -> memref<1x79x128xi32, #tpu.memory_space<hbm>>
      %dma_start3A_151 = tpu.memref_squeeze %dma_start3A_150 : memref<1x79x128xi32, #tpu.memory_space<hbm>> -> memref<79x128xi32, #tpu.memory_space<hbm>>
      %dma_start3A_152 = arith.constant 0 : i32
      %dma_start3A_153 = tpu.memref_slice %arg2[%run_scoped3A_22, %add3A_5, %dma_start3A_152] : memref<2x2500x128xi32, #tpu.memory_space<hbm>> -> memref<1x79x128xi32, #tpu.memory_space<hbm>>
      %dma_start3A_154 = tpu.memref_squeeze %dma_start3A_153 : memref<1x79x128xi32, #tpu.memory_space<hbm>> -> memref<79x128xi32, #tpu.memory_space<hbm>>
      tpu.enqueue_dma source(%dma_start3A_154 : memref<79x128xi32, #tpu.memory_space<hbm>>) target(%arg6 : memref<79x128xi32, #tpu.memory_space<vmem>>) target_semaphore(%run_scoped3A_148 : memref<!tpu.dma_semaphore, #tpu.memory_space<semaphore_mem>>)
      %dma_wait3A_155 = arith.constant 0 : i32
      %dma_wait3A_156 = tpu.memref_slice %arg2[%run_scoped3A_22, %add3A_5, %dma_wait3A_155] : memref<2x2500x128xi32, #tpu.memory_space<hbm>> -> memref<1x79x128xi32, #tpu.memory_space<hbm>>
      %dma_wait3A_157 = tpu.memref_squeeze %dma_wait3A_156 : memref<1x79x128xi32, #tpu.memory_space<hbm>> -> memref<79x128xi32, #tpu.memory_space<hbm>>
      %dma_wait3A_158 = arith.constant 0 : i32
      %dma_wait3A_159 = tpu.memref_slice %arg2[%run_scoped3A_22, %add3A_5, %dma_wait3A_158] : memref<2x2500x128xi32, #tpu.memory_space<hbm>> -> memref<1x79x128xi32, #tpu.memory_space<hbm>>
      %dma_wait3A_160 = tpu.memref_squeeze %dma_wait3A_159 : memref<1x79x128xi32, #tpu.memory_space<hbm>> -> memref<79x128xi32, #tpu.memory_space<hbm>>
      tpu.wait_dma2 semaphore(%run_scoped3A_148 : memref<!tpu.dma_semaphore, #tpu.memory_space<semaphore_mem>>) src(%dma_wait3A_160 : memref<79x128xi32, #tpu.memory_space<hbm>>) dst(%arg6 : memref<79x128xi32, #tpu.memory_space<vmem>>)
      tpu.yield
    }) : () -> ()
    %barrier3A = arith.constant 0 : index
    tpu.barrier barrier_id(%barrier3A)
    %dma_start3A = arith.constant 0 : i32
    %dma_start3A_23 = arith.constant 0 : i32
    %dma_start3A_24 = arith.constant 0 : i32
    %dma_start3A_25 = arith.constant 0 : i32
    %dma_start3A_26 = tpu.memref_slice %arg7[%dma_start3A_23, %dma_start3A_24, %dma_start3A_25] : memref<8x128x16xf32, #tpu.memory_space<vmem>> -> memref<1x128x16xf32, #tpu.memory_space<vmem>>
    %dma_start3A_27 = tpu.memref_squeeze %dma_start3A_26 : memref<1x128x16xf32, #tpu.memory_space<vmem>> -> memref<128x16xf32, #tpu.memory_space<vmem>>
    %dma_start3A_28 = arith.constant 0 : i32
    %dma_start3A_29 = tpu.memref_slice %arg5[%dma_start3A, %dma_start3A_28] : memref<79x128xi32, #tpu.memory_space<vmem>> -> memref<1x128xi32, #tpu.memory_space<vmem>>
    %dma_start3A_30 = tpu.memref_squeeze %dma_start3A_29 : memref<1x128xi32, #tpu.memory_space<vmem>> -> memref<128xi32, #tpu.memory_space<vmem>>
    %dma_start3A_31 = arith.constant 0 : i32
    %dma_start3A_32 = arith.constant 0 : i32
    %dma_start3A_33 = tpu.memref_slice %arg3[%dma_start3A_31, %dma_start3A_32] : memref<10000x16xf32, #tpu.memory_space<hbm>> -> memref<10000x16xf32, #tpu.memory_space<hbm>>
    tpu.enqueue_indirect_dma source(%dma_start3A_33 : memref<10000x16xf32, #tpu.memory_space<hbm>>) target(%dma_start3A_27 : memref<128x16xf32, #tpu.memory_space<vmem>>) offsets(%dma_start3A_30 : memref<128xi32, #tpu.memory_space<vmem>>) semaphore(%arg9 : memref<!tpu.dma_semaphore, #tpu.memory_space<semaphore_mem>>)
    %dma_start3A_34 = arith.constant 1 : i32
    %dma_start3A_35 = arith.constant 1 : i32
    %dma_start3A_36 = arith.constant 0 : i32
    %dma_start3A_37 = arith.constant 0 : i32
    %dma_start3A_38 = tpu.memref_slice %arg7[%dma_start3A_35, %dma_start3A_36, %dma_start3A_37] : memref<8x128x16xf32, #tpu.memory_space<vmem>> -> memref<1x128x16xf32, #tpu.memory_space<vmem>>
    %dma_start3A_39 = tpu.memref_squeeze %dma_start3A_38 : memref<1x128x16xf32, #tpu.memory_space<vmem>> -> memref<128x16xf32, #tpu.memory_space<vmem>>
    %dma_start3A_40 = arith.constant 0 : i32
    %dma_start3A_41 = tpu.memref_slice %arg5[%dma_start3A_34, %dma_start3A_40] : memref<79x128xi32, #tpu.memory_space<vmem>> -> memref<1x128xi32, #tpu.memory_space<vmem>>
    %dma_start3A_42 = tpu.memref_squeeze %dma_start3A_41 : memref<1x128xi32, #tpu.memory_space<vmem>> -> memref<128xi32, #tpu.memory_space<vmem>>
    %dma_start3A_43 = arith.constant 0 : i32
    %dma_start3A_44 = arith.constant 0 : i32
    %dma_start3A_45 = tpu.memref_slice %arg3[%dma_start3A_43, %dma_start3A_44] : memref<10000x16xf32, #tpu.memory_space<hbm>> -> memref<10000x16xf32, #tpu.memory_space<hbm>>
    tpu.enqueue_indirect_dma source(%dma_start3A_45 : memref<10000x16xf32, #tpu.memory_space<hbm>>) target(%dma_start3A_39 : memref<128x16xf32, #tpu.memory_space<vmem>>) offsets(%dma_start3A_42 : memref<128xi32, #tpu.memory_space<vmem>>) semaphore(%arg9 : memref<!tpu.dma_semaphore, #tpu.memory_space<semaphore_mem>>)
    %dma_start3A_46 = arith.constant 2 : i32
    %dma_start3A_47 = arith.constant 2 : i32
    %dma_start3A_48 = arith.constant 0 : i32
    %dma_start3A_49 = arith.constant 0 : i32
    %dma_start3A_50 = tpu.memref_slice %arg7[%dma_start3A_47, %dma_start3A_48, %dma_start3A_49] : memref<8x128x16xf32, #tpu.memory_space<vmem>> -> memref<1x128x16xf32, #tpu.memory_space<vmem>>
    %dma_start3A_51 = tpu.memref_squeeze %dma_start3A_50 : memref<1x128x16xf32, #tpu.memory_space<vmem>> -> memref<128x16xf32, #tpu.memory_space<vmem>>
    %dma_start3A_52 = arith.constant 0 : i32
    %dma_start3A_53 = tpu.memref_slice %arg5[%dma_start3A_46, %dma_start3A_52] : memref<79x128xi32, #tpu.memory_space<vmem>> -> memref<1x128xi32, #tpu.memory_space<vmem>>
    %dma_start3A_54 = tpu.memref_squeeze %dma_start3A_53 : memref<1x128xi32, #tpu.memory_space<vmem>> -> memref<128xi32, #tpu.memory_space<vmem>>
    %dma_start3A_55 = arith.constant 0 : i32
    %dma_start3A_56 = arith.constant 0 : i32
    %dma_start3A_57 = tpu.memref_slice %arg3[%dma_start3A_55, %dma_start3A_56] : memref<10000x16xf32, #tpu.memory_space<hbm>> -> memref<10000x16xf32, #tpu.memory_space<hbm>>
    tpu.enqueue_indirect_dma source(%dma_start3A_57 : memref<10000x16xf32, #tpu.memory_space<hbm>>) target(%dma_start3A_51 : memref<128x16xf32, #tpu.memory_space<vmem>>) offsets(%dma_start3A_54 : memref<128xi32, #tpu.memory_space<vmem>>) semaphore(%arg9 : memref<!tpu.dma_semaphore, #tpu.memory_space<semaphore_mem>>)
    %dma_start3A_58 = arith.constant 3 : i32
    %dma_start3A_59 = arith.constant 3 : i32
    %dma_start3A_60 = arith.constant 0 : i32
    %dma_start3A_61 = arith.constant 0 : i32
    %dma_start3A_62 = tpu.memref_slice %arg7[%dma_start3A_59, %dma_start3A_60, %dma_start3A_61] : memref<8x128x16xf32, #tpu.memory_space<vmem>> -> memref<1x128x16xf32, #tpu.memory_space<vmem>>
    %dma_start3A_63 = tpu.memref_squeeze %dma_start3A_62 : memref<1x128x16xf32, #tpu.memory_space<vmem>> -> memref<128x16xf32, #tpu.memory_space<vmem>>
    %dma_start3A_64 = arith.constant 0 : i32
    %dma_start3A_65 = tpu.memref_slice %arg5[%dma_start3A_58, %dma_start3A_64] : memref<79x128xi32, #tpu.memory_space<vmem>> -> memref<1x128xi32, #tpu.memory_space<vmem>>
    %dma_start3A_66 = tpu.memref_squeeze %dma_start3A_65 : memref<1x128xi32, #tpu.memory_space<vmem>> -> memref<128xi32, #tpu.memory_space<vmem>>
    %dma_start3A_67 = arith.constant 0 : i32
    %dma_start3A_68 = arith.constant 0 : i32
    %dma_start3A_69 = tpu.memref_slice %arg3[%dma_start3A_67, %dma_start3A_68] : memref<10000x16xf32, #tpu.memory_space<hbm>> -> memref<10000x16xf32, #tpu.memory_space<hbm>>
    tpu.enqueue_indirect_dma source(%dma_start3A_69 : memref<10000x16xf32, #tpu.memory_space<hbm>>) target(%dma_start3A_63 : memref<128x16xf32, #tpu.memory_space<vmem>>) offsets(%dma_start3A_66 : memref<128xi32, #tpu.memory_space<vmem>>) semaphore(%arg9 : memref<!tpu.dma_semaphore, #tpu.memory_space<semaphore_mem>>)
    %dma_start3A_70 = arith.constant 4 : i32
    %dma_start3A_71 = arith.constant 4 : i32
    %dma_start3A_72 = arith.constant 0 : i32
    %dma_start3A_73 = arith.constant 0 : i32
    %dma_start3A_74 = tpu.memref_slice %arg7[%dma_start3A_71, %dma_start3A_72, %dma_start3A_73] : memref<8x128x16xf32, #tpu.memory_space<vmem>> -> memref<1x128x16xf32, #tpu.memory_space<vmem>>
    %dma_start3A_75 = tpu.memref_squeeze %dma_start3A_74 : memref<1x128x16xf32, #tpu.memory_space<vmem>> -> memref<128x16xf32, #tpu.memory_space<vmem>>
    %dma_start3A_76 = arith.constant 0 : i32
    %dma_start3A_77 = tpu.memref_slice %arg5[%dma_start3A_70, %dma_start3A_76] : memref<79x128xi32, #tpu.memory_space<vmem>> -> memref<1x128xi32, #tpu.memory_space<vmem>>
    %dma_start3A_78 = tpu.memref_squeeze %dma_start3A_77 : memref<1x128xi32, #tpu.memory_space<vmem>> -> memref<128xi32, #tpu.memory_space<vmem>>
    %dma_start3A_79 = arith.constant 0 : i32
    %dma_start3A_80 = arith.constant 0 : i32
    %dma_start3A_81 = tpu.memref_slice %arg3[%dma_start3A_79, %dma_start3A_80] : memref<10000x16xf32, #tpu.memory_space<hbm>> -> memref<10000x16xf32, #tpu.memory_space<hbm>>
    tpu.enqueue_indirect_dma source(%dma_start3A_81 : memref<10000x16xf32, #tpu.memory_space<hbm>>) target(%dma_start3A_75 : memref<128x16xf32, #tpu.memory_space<vmem>>) offsets(%dma_start3A_78 : memref<128xi32, #tpu.memory_space<vmem>>) semaphore(%arg9 : memref<!tpu.dma_semaphore, #tpu.memory_space<semaphore_mem>>)
    %dma_start3A_82 = arith.constant 5 : i32
    %dma_start3A_83 = arith.constant 5 : i32
    %dma_start3A_84 = arith.constant 0 : i32
    %dma_start3A_85 = arith.constant 0 : i32
    %dma_start3A_86 = tpu.memref_slice %arg7[%dma_start3A_83, %dma_start3A_84, %dma_start3A_85] : memref<8x128x16xf32, #tpu.memory_space<vmem>> -> memref<1x128x16xf32, #tpu.memory_space<vmem>>
    %dma_start3A_87 = tpu.memref_squeeze %dma_start3A_86 : memref<1x128x16xf32, #tpu.memory_space<vmem>> -> memref<128x16xf32, #tpu.memory_space<vmem>>
    %dma_start3A_88 = arith.constant 0 : i32
    %dma_start3A_89 = tpu.memref_slice %arg5[%dma_start3A_82, %dma_start3A_88] : memref<79x128xi32, #tpu.memory_space<vmem>> -> memref<1x128xi32, #tpu.memory_space<vmem>>
    %dma_start3A_90 = tpu.memref_squeeze %dma_start3A_89 : memref<1x128xi32, #tpu.memory_space<vmem>> -> memref<128xi32, #tpu.memory_space<vmem>>
    %dma_start3A_91 = arith.constant 0 : i32
    %dma_start3A_92 = arith.constant 0 : i32
    %dma_start3A_93 = tpu.memref_slice %arg3[%dma_start3A_91, %dma_start3A_92] : memref<10000x16xf32, #tpu.memory_space<hbm>> -> memref<10000x16xf32, #tpu.memory_space<hbm>>
    tpu.enqueue_indirect_dma source(%dma_start3A_93 : memref<10000x16xf32, #tpu.memory_space<hbm>>) target(%dma_start3A_87 : memref<128x16xf32, #tpu.memory_space<vmem>>) offsets(%dma_start3A_90 : memref<128xi32, #tpu.memory_space<vmem>>) semaphore(%arg9 : memref<!tpu.dma_semaphore, #tpu.memory_space<semaphore_mem>>)
    %dma_start3A_94 = arith.constant 6 : i32
    %dma_start3A_95 = arith.constant 6 : i32
    %dma_start3A_96 = arith.constant 0 : i32
    %dma_start3A_97 = arith.constant 0 : i32
    %dma_start3A_98 = tpu.memref_slice %arg7[%dma_start3A_95, %dma_start3A_96, %dma_start3A_97] : memref<8x128x16xf32, #tpu.memory_space<vmem>> -> memref<1x128x16xf32, #tpu.memory_space<vmem>>
    %dma_start3A_99 = tpu.memref_squeeze %dma_start3A_98 : memref<1x128x16xf32, #tpu.memory_space<vmem>> -> memref<128x16xf32, #tpu.memory_space<vmem>>
    %dma_start3A_100 = arith.constant 0 : i32
    %dma_start3A_101 = tpu.memref_slice %arg5[%dma_start3A_94, %dma_start3A_100] : memref<79x128xi32, #tpu.memory_space<vmem>> -> memref<1x128xi32, #tpu.memory_space<vmem>>
    %dma_start3A_102 = tpu.memref_squeeze %dma_start3A_101 : memref<1x128xi32, #tpu.memory_space<vmem>> -> memref<128xi32, #tpu.memory_space<vmem>>
    %dma_start3A_103 = arith.constant 0 : i32
    %dma_start3A_104 = arith.constant 0 : i32
    %dma_start3A_105 = tpu.memref_slice %arg3[%dma_start3A_103, %dma_start3A_104] : memref<10000x16xf32, #tpu.memory_space<hbm>> -> memref<10000x16xf32, #tpu.memory_space<hbm>>
    tpu.enqueue_indirect_dma source(%dma_start3A_105 : memref<10000x16xf32, #tpu.memory_space<hbm>>) target(%dma_start3A_99 : memref<128x16xf32, #tpu.memory_space<vmem>>) offsets(%dma_start3A_102 : memref<128xi32, #tpu.memory_space<vmem>>) semaphore(%arg9 : memref<!tpu.dma_semaphore, #tpu.memory_space<semaphore_mem>>)
    %dma_start3A_106 = arith.constant 7 : i32
    %dma_start3A_107 = arith.constant 7 : i32
    %dma_start3A_108 = arith.constant 0 : i32
    %dma_start3A_109 = arith.constant 0 : i32
    %dma_start3A_110 = tpu.memref_slice %arg7[%dma_start3A_107, %dma_start3A_108, %dma_start3A_109] : memref<8x128x16xf32, #tpu.memory_space<vmem>> -> memref<1x128x16xf32, #tpu.memory_space<vmem>>
    %dma_start3A_111 = tpu.memref_squeeze %dma_start3A_110 : memref<1x128x16xf32, #tpu.memory_space<vmem>> -> memref<128x16xf32, #tpu.memory_space<vmem>>
    %dma_start3A_112 = arith.constant 0 : i32
    %dma_start3A_113 = tpu.memref_slice %arg5[%dma_start3A_106, %dma_start3A_112] : memref<79x128xi32, #tpu.memory_space<vmem>> -> memref<1x128xi32, #tpu.memory_space<vmem>>
    %dma_start3A_114 = tpu.memref_squeeze %dma_start3A_113 : memref<1x128xi32, #tpu.memory_space<vmem>> -> memref<128xi32, #tpu.memory_space<vmem>>
    %dma_start3A_115 = arith.constant 0 : i32
    %dma_start3A_116 = arith.constant 0 : i32
    %dma_start3A_117 = tpu.memref_slice %arg3[%dma_start3A_115, %dma_start3A_116] : memref<10000x16xf32, #tpu.memory_space<hbm>> -> memref<10000x16xf32, #tpu.memory_space<hbm>>
    tpu.enqueue_indirect_dma source(%dma_start3A_117 : memref<10000x16xf32, #tpu.memory_space<hbm>>) target(%dma_start3A_111 : memref<128x16xf32, #tpu.memory_space<vmem>>) offsets(%dma_start3A_114 : memref<128xi32, #tpu.memory_space<vmem>>) semaphore(%arg9 : memref<!tpu.dma_semaphore, #tpu.memory_space<semaphore_mem>>)
    %while3A = arith.constant 0 : i32
    %while3A_118 = arith.constant 0 : i32
    %while3A_119 = arith.subi %select_n3A, %while3A : i32
    %while3A_120 = arith.addi %while3A, %while3A_119 : i32
    %while3A_121 = arith.constant 1 : i32
    %while3A_122 = arith.divsi %while3A_119, %while3A_121 : i32
    %while3A_123 = arith.muli %while3A_122, %while3A_121 : i32
    %while3A_124 = arith.addi %while3A, %while3A_123 : i32
    %while3A_125 = arith.constant 1 : i32
    %while3A_126 = scf.for %while3A_148 = %while3A to %while3A_124 step %while3A_125 iter_args(%while3A_149 = %while3A_118) -> (i32)  : i32 {
      %rem3A_150 = arith.constant 8 : i32
      %rem3A_151 = arith.remsi %while3A_148, %rem3A_150 : i32
      %dma_wait3A_152 = arith.constant 0 : i32
      %dma_wait3A_153 = arith.constant 0 : i32
      %dma_wait3A_154 = tpu.memref_slice %arg7[%rem3A_151, %dma_wait3A_152, %dma_wait3A_153] : memref<8x128x16xf32, #tpu.memory_space<vmem>> -> memref<1x128x16xf32, #tpu.memory_space<vmem>>
      %dma_wait3A_155 = tpu.memref_squeeze %dma_wait3A_154 : memref<1x128x16xf32, #tpu.memory_space<vmem>> -> memref<128x16xf32, #tpu.memory_space<vmem>>
      %dma_wait3A_156 = arith.constant 0 : i32
      %dma_wait3A_157 = tpu.memref_slice %arg5[%while3A_148, %dma_wait3A_156] : memref<79x128xi32, #tpu.memory_space<vmem>> -> memref<1x128xi32, #tpu.memory_space<vmem>>
      %dma_wait3A_158 = tpu.memref_squeeze %dma_wait3A_157 : memref<1x128xi32, #tpu.memory_space<vmem>> -> memref<128xi32, #tpu.memory_space<vmem>>
      %dma_wait3A_159 = arith.constant 0 : i32
      %dma_wait3A_160 = arith.constant 0 : i32
      %dma_wait3A_161 = tpu.memref_slice %arg3[%dma_wait3A_159, %dma_wait3A_160] : memref<10000x16xf32, #tpu.memory_space<hbm>> -> memref<10000x16xf32, #tpu.memory_space<hbm>>
      tpu.wait_indirect_dma semaphore(%arg9 : memref<!tpu.dma_semaphore, #tpu.memory_space<semaphore_mem>>) src(%dma_wait3A_161 : memref<10000x16xf32, #tpu.memory_space<hbm>>) dst(%dma_wait3A_155 : memref<128x16xf32, #tpu.memory_space<vmem>>)
      %dma_start3A_162 = arith.constant 0 : i32
      %dma_start3A_163 = arith.constant 0 : i32
      %dma_start3A_164 = tpu.memref_slice %arg7[%rem3A_151, %dma_start3A_162, %dma_start3A_163] : memref<8x128x16xf32, #tpu.memory_space<vmem>> -> memref<1x128x16xf32, #tpu.memory_space<vmem>>
      %dma_start3A_165 = tpu.memref_squeeze %dma_start3A_164 : memref<1x128x16xf32, #tpu.memory_space<vmem>> -> memref<128x16xf32, #tpu.memory_space<vmem>>
      %dma_start3A_166 = arith.constant 0 : i32
      %dma_start3A_167 = tpu.memref_slice %arg6[%while3A_148, %dma_start3A_166] : memref<79x128xi32, #tpu.memory_space<vmem>> -> memref<1x128xi32, #tpu.memory_space<vmem>>
      %dma_start3A_168 = tpu.memref_squeeze %dma_start3A_167 : memref<1x128xi32, #tpu.memory_space<vmem>> -> memref<128xi32, #tpu.memory_space<vmem>>
      %dma_start3A_169 = arith.constant 0 : i32
      %dma_start3A_170 = arith.constant 0 : i32
      %dma_start3A_171 = tpu.memref_slice %arg8[%dma_start3A_169, %dma_start3A_170] : memref<10240x16xf32, #tpu.memory_space<vmem_shared>> -> memref<10240x16xf32, #tpu.memory_space<vmem_shared>>
      tpu.enqueue_indirect_dma source(%dma_start3A_165 : memref<128x16xf32, #tpu.memory_space<vmem>>) target(%dma_start3A_171 : memref<10240x16xf32, #tpu.memory_space<vmem_shared>>) offsets(%dma_start3A_168 : memref<128xi32, #tpu.memory_space<vmem>>) semaphore(%arg10 : memref<!tpu.dma_semaphore, #tpu.memory_space<semaphore_mem>>) {add = true}
      %ge3A_172 = arith.constant 1 : i32
      %ge3A_173 = arith.cmpi sge, %while3A_148, %ge3A_172 : i32
      %convert_element_type3A = arith.extui %ge3A_173 : i1 to i32
      %cond3A = arith.constant 0 : i32
      %cond3A_174 = arith.cmpi ne, %convert_element_type3A, %cond3A : i32
      scf.if %cond3A_174 {
        %sub3A_176 = arith.constant 1 : i32
        %sub3A_177 = arith.subi %while3A_148, %sub3A_176 : i32
        %rem3A_178 = arith.constant 8 : i32
        %rem3A_179 = arith.remsi %sub3A_177, %rem3A_178 : i32
        %dma_wait3A_180 = arith.constant 0 : i32
        %dma_wait3A_181 = arith.constant 0 : i32
        %dma_wait3A_182 = tpu.memref_slice %arg7[%rem3A_179, %dma_wait3A_180, %dma_wait3A_181] : memref<8x128x16xf32, #tpu.memory_space<vmem>> -> memref<1x128x16xf32, #tpu.memory_space<vmem>>
        %dma_wait3A_183 = tpu.memref_squeeze %dma_wait3A_182 : memref<1x128x16xf32, #tpu.memory_space<vmem>> -> memref<128x16xf32, #tpu.memory_space<vmem>>
        %dma_wait3A_184 = arith.constant 0 : i32
        %dma_wait3A_185 = tpu.memref_slice %arg6[%sub3A_177, %dma_wait3A_184] : memref<79x128xi32, #tpu.memory_space<vmem>> -> memref<1x128xi32, #tpu.memory_space<vmem>>
        %dma_wait3A_186 = tpu.memref_squeeze %dma_wait3A_185 : memref<1x128xi32, #tpu.memory_space<vmem>> -> memref<128xi32, #tpu.memory_space<vmem>>
        %dma_wait3A_187 = arith.constant 0 : i32
        %dma_wait3A_188 = arith.constant 0 : i32
        %dma_wait3A_189 = tpu.memref_slice %arg8[%dma_wait3A_187, %dma_wait3A_188] : memref<10240x16xf32, #tpu.memory_space<vmem_shared>> -> memref<10240x16xf32, #tpu.memory_space<vmem_shared>>
        tpu.wait_indirect_dma semaphore(%arg10 : memref<!tpu.dma_semaphore, #tpu.memory_space<semaphore_mem>>) src(%dma_wait3A_183 : memref<128x16xf32, #tpu.memory_space<vmem>>) dst(%dma_wait3A_189 : memref<10240x16xf32, #tpu.memory_space<vmem_shared>>)
        %add3A_190 = arith.constant 8 : i32
        %add3A_191 = arith.addi %sub3A_177, %add3A_190 : i32
        %lt3A = arith.cmpi slt, %add3A_191, %select_n3A : i32
        %convert_element_type3A_192 = arith.extui %lt3A : i1 to i32
        %cond3A_193 = arith.constant 0 : i32
        %cond3A_194 = arith.cmpi ne, %convert_element_type3A_192, %cond3A_193 : i32
        scf.if %cond3A_194 {
          %add3A_195 = arith.constant 8 : i32
          %add3A_196 = arith.addi %sub3A_177, %add3A_195 : i32
          %dma_start3A_197 = arith.constant 0 : i32
          %dma_start3A_198 = arith.constant 0 : i32
          %dma_start3A_199 = tpu.memref_slice %arg7[%rem3A_179, %dma_start3A_197, %dma_start3A_198] : memref<8x128x16xf32, #tpu.memory_space<vmem>> -> memref<1x128x16xf32, #tpu.memory_space<vmem>>
          %dma_start3A_200 = tpu.memref_squeeze %dma_start3A_199 : memref<1x128x16xf32, #tpu.memory_space<vmem>> -> memref<128x16xf32, #tpu.memory_space<vmem>>
          %dma_start3A_201 = arith.constant 0 : i32
          %dma_start3A_202 = tpu.memref_slice %arg5[%add3A_196, %dma_start3A_201] : memref<79x128xi32, #tpu.memory_space<vmem>> -> memref<1x128xi32, #tpu.memory_space<vmem>>
          %dma_start3A_203 = tpu.memref_squeeze %dma_start3A_202 : memref<1x128xi32, #tpu.memory_space<vmem>> -> memref<128xi32, #tpu.memory_space<vmem>>
          %dma_start3A_204 = arith.constant 0 : i32
          %dma_start3A_205 = arith.constant 0 : i32
          %dma_start3A_206 = tpu.memref_slice %arg3[%dma_start3A_204, %dma_start3A_205] : memref<10000x16xf32, #tpu.memory_space<hbm>> -> memref<10000x16xf32, #tpu.memory_space<hbm>>
          tpu.enqueue_indirect_dma source(%dma_start3A_206 : memref<10000x16xf32, #tpu.memory_space<hbm>>) target(%dma_start3A_200 : memref<128x16xf32, #tpu.memory_space<vmem>>) offsets(%dma_start3A_203 : memref<128xi32, #tpu.memory_space<vmem>>) semaphore(%arg9 : memref<!tpu.dma_semaphore, #tpu.memory_space<semaphore_mem>>)
        } else {
        }
      } else {
      }
      %while3A_175 = arith.constant 0 : i32
      scf.yield %while3A_175 : i32
    }
    %while3A_127 = arith.constant 1 : i32
    %while3A_128 = scf.for %while3A_148 = %while3A_124 to %while3A_120 step %while3A_127 iter_args(%while3A_149 = %while3A_126) -> (i32)  : i32 {
      %rem3A_150 = arith.constant 8 : i32
      %rem3A_151 = arith.remsi %while3A_148, %rem3A_150 : i32
      %dma_wait3A_152 = arith.constant 0 : i32
      %dma_wait3A_153 = arith.constant 0 : i32
      %dma_wait3A_154 = tpu.memref_slice %arg7[%rem3A_151, %dma_wait3A_152, %dma_wait3A_153] : memref<8x128x16xf32, #tpu.memory_space<vmem>> -> memref<1x128x16xf32, #tpu.memory_space<vmem>>
      %dma_wait3A_155 = tpu.memref_squeeze %dma_wait3A_154 : memref<1x128x16xf32, #tpu.memory_space<vmem>> -> memref<128x16xf32, #tpu.memory_space<vmem>>
      %dma_wait3A_156 = arith.constant 0 : i32
      %dma_wait3A_157 = tpu.memref_slice %arg5[%while3A_148, %dma_wait3A_156] : memref<79x128xi32, #tpu.memory_space<vmem>> -> memref<1x128xi32, #tpu.memory_space<vmem>>
      %dma_wait3A_158 = tpu.memref_squeeze %dma_wait3A_157 : memref<1x128xi32, #tpu.memory_space<vmem>> -> memref<128xi32, #tpu.memory_space<vmem>>
      %dma_wait3A_159 = arith.constant 0 : i32
      %dma_wait3A_160 = arith.constant 0 : i32
      %dma_wait3A_161 = tpu.memref_slice %arg3[%dma_wait3A_159, %dma_wait3A_160] : memref<10000x16xf32, #tpu.memory_space<hbm>> -> memref<10000x16xf32, #tpu.memory_space<hbm>>
      tpu.wait_indirect_dma semaphore(%arg9 : memref<!tpu.dma_semaphore, #tpu.memory_space<semaphore_mem>>) src(%dma_wait3A_161 : memref<10000x16xf32, #tpu.memory_space<hbm>>) dst(%dma_wait3A_155 : memref<128x16xf32, #tpu.memory_space<vmem>>)
      %dma_start3A_162 = arith.constant 0 : i32
      %dma_start3A_163 = arith.constant 0 : i32
      %dma_start3A_164 = tpu.memref_slice %arg7[%rem3A_151, %dma_start3A_162, %dma_start3A_163] : memref<8x128x16xf32, #tpu.memory_space<vmem>> -> memref<1x128x16xf32, #tpu.memory_space<vmem>>
      %dma_start3A_165 = tpu.memref_squeeze %dma_start3A_164 : memref<1x128x16xf32, #tpu.memory_space<vmem>> -> memref<128x16xf32, #tpu.memory_space<vmem>>
      %dma_start3A_166 = arith.constant 0 : i32
      %dma_start3A_167 = tpu.memref_slice %arg6[%while3A_148, %dma_start3A_166] : memref<79x128xi32, #tpu.memory_space<vmem>> -> memref<1x128xi32, #tpu.memory_space<vmem>>
      %dma_start3A_168 = tpu.memref_squeeze %dma_start3A_167 : memref<1x128xi32, #tpu.memory_space<vmem>> -> memref<128xi32, #tpu.memory_space<vmem>>
      %dma_start3A_169 = arith.constant 0 : i32
      %dma_start3A_170 = arith.constant 0 : i32
      %dma_start3A_171 = tpu.memref_slice %arg8[%dma_start3A_169, %dma_start3A_170] : memref<10240x16xf32, #tpu.memory_space<vmem_shared>> -> memref<10240x16xf32, #tpu.memory_space<vmem_shared>>
      tpu.enqueue_indirect_dma source(%dma_start3A_165 : memref<128x16xf32, #tpu.memory_space<vmem>>) target(%dma_start3A_171 : memref<10240x16xf32, #tpu.memory_space<vmem_shared>>) offsets(%dma_start3A_168 : memref<128xi32, #tpu.memory_space<vmem>>) semaphore(%arg10 : memref<!tpu.dma_semaphore, #tpu.memory_space<semaphore_mem>>) {add = true}
      %ge3A_172 = arith.constant 1 : i32
      %ge3A_173 = arith.cmpi sge, %while3A_148, %ge3A_172 : i32
      %convert_element_type3A = arith.extui %ge3A_173 : i1 to i32
      %cond3A = arith.constant 0 : i32
      %cond3A_174 = arith.cmpi ne, %convert_element_type3A, %cond3A : i32
      scf.if %cond3A_174 {
        %sub3A_176 = arith.constant 1 : i32
        %sub3A_177 = arith.subi %while3A_148, %sub3A_176 : i32
        %rem3A_178 = arith.constant 8 : i32
        %rem3A_179 = arith.remsi %sub3A_177, %rem3A_178 : i32
        %dma_wait3A_180 = arith.constant 0 : i32
        %dma_wait3A_181 = arith.constant 0 : i32
        %dma_wait3A_182 = tpu.memref_slice %arg7[%rem3A_179, %dma_wait3A_180, %dma_wait3A_181] : memref<8x128x16xf32, #tpu.memory_space<vmem>> -> memref<1x128x16xf32, #tpu.memory_space<vmem>>
        %dma_wait3A_183 = tpu.memref_squeeze %dma_wait3A_182 : memref<1x128x16xf32, #tpu.memory_space<vmem>> -> memref<128x16xf32, #tpu.memory_space<vmem>>
        %dma_wait3A_184 = arith.constant 0 : i32
        %dma_wait3A_185 = tpu.memref_slice %arg6[%sub3A_177, %dma_wait3A_184] : memref<79x128xi32, #tpu.memory_space<vmem>> -> memref<1x128xi32, #tpu.memory_space<vmem>>
        %dma_wait3A_186 = tpu.memref_squeeze %dma_wait3A_185 : memref<1x128xi32, #tpu.memory_space<vmem>> -> memref<128xi32, #tpu.memory_space<vmem>>
        %dma_wait3A_187 = arith.constant 0 : i32
        %dma_wait3A_188 = arith.constant 0 : i32
        %dma_wait3A_189 = tpu.memref_slice %arg8[%dma_wait3A_187, %dma_wait3A_188] : memref<10240x16xf32, #tpu.memory_space<vmem_shared>> -> memref<10240x16xf32, #tpu.memory_space<vmem_shared>>
        tpu.wait_indirect_dma semaphore(%arg10 : memref<!tpu.dma_semaphore, #tpu.memory_space<semaphore_mem>>) src(%dma_wait3A_183 : memref<128x16xf32, #tpu.memory_space<vmem>>) dst(%dma_wait3A_189 : memref<10240x16xf32, #tpu.memory_space<vmem_shared>>)
        %add3A_190 = arith.constant 8 : i32
        %add3A_191 = arith.addi %sub3A_177, %add3A_190 : i32
        %lt3A = arith.cmpi slt, %add3A_191, %select_n3A : i32
        %convert_element_type3A_192 = arith.extui %lt3A : i1 to i32
        %cond3A_193 = arith.constant 0 : i32
        %cond3A_194 = arith.cmpi ne, %convert_element_type3A_192, %cond3A_193 : i32
        scf.if %cond3A_194 {
          %add3A_195 = arith.constant 8 : i32
          %add3A_196 = arith.addi %sub3A_177, %add3A_195 : i32
          %dma_start3A_197 = arith.constant 0 : i32
          %dma_start3A_198 = arith.constant 0 : i32
          %dma_start3A_199 = tpu.memref_slice %arg7[%rem3A_179, %dma_start3A_197, %dma_start3A_198] : memref<8x128x16xf32, #tpu.memory_space<vmem>> -> memref<1x128x16xf32, #tpu.memory_space<vmem>>
          %dma_start3A_200 = tpu.memref_squeeze %dma_start3A_199 : memref<1x128x16xf32, #tpu.memory_space<vmem>> -> memref<128x16xf32, #tpu.memory_space<vmem>>
          %dma_start3A_201 = arith.constant 0 : i32
          %dma_start3A_202 = tpu.memref_slice %arg5[%add3A_196, %dma_start3A_201] : memref<79x128xi32, #tpu.memory_space<vmem>> -> memref<1x128xi32, #tpu.memory_space<vmem>>
          %dma_start3A_203 = tpu.memref_squeeze %dma_start3A_202 : memref<1x128xi32, #tpu.memory_space<vmem>> -> memref<128xi32, #tpu.memory_space<vmem>>
          %dma_start3A_204 = arith.constant 0 : i32
          %dma_start3A_205 = arith.constant 0 : i32
          %dma_start3A_206 = tpu.memref_slice %arg3[%dma_start3A_204, %dma_start3A_205] : memref<10000x16xf32, #tpu.memory_space<hbm>> -> memref<10000x16xf32, #tpu.memory_space<hbm>>
          tpu.enqueue_indirect_dma source(%dma_start3A_206 : memref<10000x16xf32, #tpu.memory_space<hbm>>) target(%dma_start3A_200 : memref<128x16xf32, #tpu.memory_space<vmem>>) offsets(%dma_start3A_203 : memref<128xi32, #tpu.memory_space<vmem>>) semaphore(%arg9 : memref<!tpu.dma_semaphore, #tpu.memory_space<semaphore_mem>>)
        } else {
        }
      } else {
      }
      %while3A_175 = arith.constant 0 : i32
      scf.yield %while3A_175 : i32
    }
    %sub3A_129 = arith.constant 1 : i32
    %sub3A_130 = arith.subi %select_n3A, %sub3A_129 : i32
    %rem3A = arith.constant 8 : i32
    %rem3A_131 = arith.remsi %sub3A_130, %rem3A : i32
    %sub3A_132 = arith.constant 1 : i32
    %sub3A_133 = arith.subi %select_n3A, %sub3A_132 : i32
    %dma_wait3A = arith.constant 0 : i32
    %dma_wait3A_134 = arith.constant 0 : i32
    %dma_wait3A_135 = tpu.memref_slice %arg7[%rem3A_131, %dma_wait3A, %dma_wait3A_134] : memref<8x128x16xf32, #tpu.memory_space<vmem>> -> memref<1x128x16xf32, #tpu.memory_space<vmem>>
    %dma_wait3A_136 = tpu.memref_squeeze %dma_wait3A_135 : memref<1x128x16xf32, #tpu.memory_space<vmem>> -> memref<128x16xf32, #tpu.memory_space<vmem>>
    %dma_wait3A_137 = arith.constant 0 : i32
    %dma_wait3A_138 = tpu.memref_slice %arg6[%sub3A_133, %dma_wait3A_137] : memref<79x128xi32, #tpu.memory_space<vmem>> -> memref<1x128xi32, #tpu.memory_space<vmem>>
    %dma_wait3A_139 = tpu.memref_squeeze %dma_wait3A_138 : memref<1x128xi32, #tpu.memory_space<vmem>> -> memref<128xi32, #tpu.memory_space<vmem>>
    %dma_wait3A_140 = arith.constant 0 : i32
    %dma_wait3A_141 = arith.constant 0 : i32
    %dma_wait3A_142 = tpu.memref_slice %arg8[%dma_wait3A_140, %dma_wait3A_141] : memref<10240x16xf32, #tpu.memory_space<vmem_shared>> -> memref<10240x16xf32, #tpu.memory_space<vmem_shared>>
    tpu.wait_indirect_dma semaphore(%arg10 : memref<!tpu.dma_semaphore, #tpu.memory_space<semaphore_mem>>) src(%dma_wait3A_136 : memref<128x16xf32, #tpu.memory_space<vmem>>) dst(%dma_wait3A_142 : memref<10240x16xf32, #tpu.memory_space<vmem_shared>>)
    %barrier3A_143 = arith.constant 0 : index
    tpu.barrier barrier_id(%barrier3A_143)
    %mul3A_144 = arith.constant 640 : i32
    %mul3A_145 = arith.muli %arg1, %mul3A_144 : i32
    %mul3A_146 = arith.constant 640 : i32
    %mul3A_147 = arith.muli %arg1, %mul3A_146 : i32
    "tpu.region"() ({
      %run_scoped3A_148 = tpu.sem_alloc : memref<!tpu.dma_semaphore, #tpu.memory_space<semaphore_mem>>
      %dma_start3A_149 = arith.constant 0 : i32
      %dma_start3A_150 = tpu.memref_slice %arg4[%arg0, %mul3A_147, %dma_start3A_149] : memref<2x10240x16xf32, #tpu.memory_space<hbm>> -> memref<1x640x16xf32, #tpu.memory_space<hbm>>
      %dma_start3A_151 = tpu.memref_squeeze %dma_start3A_150 : memref<1x640x16xf32, #tpu.memory_space<hbm>> -> memref<640x16xf32, #tpu.memory_space<hbm>>
      %dma_start3A_152 = arith.constant 0 : i32
      %dma_start3A_153 = tpu.memref_slice %arg8[%mul3A_145, %dma_start3A_152] : memref<10240x16xf32, #tpu.memory_space<vmem_shared>> -> memref<640x16xf32, #tpu.memory_space<vmem_shared>>
      tpu.enqueue_dma source(%dma_start3A_153 : memref<640x16xf32, #tpu.memory_space<vmem_shared>>) target(%dma_start3A_151 : memref<640x16xf32, #tpu.memory_space<hbm>>) target_semaphore(%run_scoped3A_148 : memref<!tpu.dma_semaphore, #tpu.memory_space<semaphore_mem>>)
      %dma_wait3A_154 = arith.constant 0 : i32
      %dma_wait3A_155 = tpu.memref_slice %arg4[%arg0, %mul3A_147, %dma_wait3A_154] : memref<2x10240x16xf32, #tpu.memory_space<hbm>> -> memref<1x640x16xf32, #tpu.memory_space<hbm>>
      %dma_wait3A_156 = tpu.memref_squeeze %dma_wait3A_155 : memref<1x640x16xf32, #tpu.memory_space<hbm>> -> memref<640x16xf32, #tpu.memory_space<hbm>>
      %dma_wait3A_157 = arith.constant 0 : i32
      %dma_wait3A_158 = tpu.memref_slice %arg8[%mul3A_145, %dma_wait3A_157] : memref<10240x16xf32, #tpu.memory_space<vmem_shared>> -> memref<640x16xf32, #tpu.memory_space<vmem_shared>>
      tpu.wait_dma2 semaphore(%run_scoped3A_148 : memref<!tpu.dma_semaphore, #tpu.memory_space<semaphore_mem>>) src(%dma_wait3A_158 : memref<640x16xf32, #tpu.memory_space<vmem_shared>>) dst(%dma_wait3A_156 : memref<640x16xf32, #tpu.memory_space<hbm>>)
      tpu.yield
    }) : () -> ()
    return
  }
}

module attributes {stable_mosaic.version = 14 : i64} {
  func.func @_tc_mm1(%arg0: memref<1250x1024xf32, #tpu.memory_space<vmem>>, %arg1: memref<1024x128xf32, #tpu.memory_space<vmem>>, %arg2: memref<1250x128xf32, #tpu.memory_space<vmem>>) attributes {dimension_semantics = [], scalar_prefetch = 0 : i64, scratch_operands = 0 : i64, tpu.core_type = #tpu.core_type<tc>} {
    %get3A = arith.constant 0 : index
    %get3A_0 = arith.constant 0 : index
    %get3A_1 = vector.load %arg0[%get3A, %get3A_0] : memref<1250x1024xf32, #tpu.memory_space<vmem>>, vector<1250x1024xf32>
    %get3A_2 = arith.constant 0 : index
    %get3A_3 = arith.constant 0 : index
    %get3A_4 = vector.load %arg1[%get3A_2, %get3A_3] : memref<1024x128xf32, #tpu.memory_space<vmem>>, vector<1024x128xf32>
    %dot_general3A = arith.constant dense<0.000000e+00> : vector<1250x128xf32>
    %dot_general3A_5 = tpu.matmul %get3A_1, %get3A_4, %dot_general3A {dimension_numbers = #tpu.dot_dimension_numbers<[1], [0], [0], [1], [0, 0, 1, 1], [], []>, transpose_lhs_hint = false} : vector<1250x1024xf32>, vector<1024x128xf32>, vector<1250x128xf32> -> vector<1250x128xf32>
    %swap3A = arith.constant 0 : index
    %swap3A_6 = arith.constant 0 : index
    %swap3A_7 = vector.load %arg2[%swap3A, %swap3A_6] : memref<1250x128xf32, #tpu.memory_space<vmem>>, vector<1250x128xf32>
    tpu.vector_store %arg2[%swap3A, %swap3A_6], %dot_general3A_5 {strides = array<i32>} : memref<1250x128xf32, #tpu.memory_space<vmem>>, vector<1250x128xf32>,
    return
  }
}

module attributes {stable_mosaic.version = 14 : i64} {
  func.func @_tc_prep(%arg0: memref<2x1280x128xf32, #tpu.memory_space<vmem>>, %arg1: memref<1250x128xf32, #tpu.memory_space<vmem>>, %arg2: memref<1250x128xf32, #tpu.memory_space<vmem>>, %arg3: memref<1250x128xf32, #tpu.memory_space<vmem>>) attributes {dimension_semantics = [], scalar_prefetch = 0 : i64, scratch_operands = 0 : i64, tpu.core_type = #tpu.core_type<tc>} {
    %get3A = arith.constant 0 : index
    %get3A_0 = arith.constant 0 : index
    %get3A_1 = arith.constant 0 : index
    %get3A_2 = vector.load %arg0[%get3A, %get3A_0, %get3A_1] : memref<2x1280x128xf32, #tpu.memory_space<vmem>>, vector<1x1250x128xf32>
    %get3A_3 = vector.shape_cast %get3A_2 : vector<1x1250x128xf32> to vector<1250x128xf32>
    %get3A_4 = arith.constant 1 : index
    %get3A_5 = arith.constant 0 : index
    %get3A_6 = arith.constant 0 : index
    %get3A_7 = vector.load %arg0[%get3A_4, %get3A_5, %get3A_6] : memref<2x1280x128xf32, #tpu.memory_space<vmem>>, vector<1x1250x128xf32>
    %get3A_8 = vector.shape_cast %get3A_7 : vector<1x1250x128xf32> to vector<1250x128xf32>
    %add3A = arith.addf %get3A_3, %get3A_8 : vector<1250x128xf32>
    %add3A_9 = arith.constant 1.000000e+00 : f32
    %add3A_10 = vector.broadcast %add3A_9 : f32 to vector<1250x128xf32>
    %add3A_11 = arith.addf %add3A, %add3A_10 : vector<1250x128xf32>
    %rsqrt3A = math.rsqrt %add3A_11 : vector<1250x128xf32>
    %swap3A = arith.constant 0 : index
    %swap3A_12 = arith.constant 0 : index
    %swap3A_13 = vector.load %arg3[%swap3A, %swap3A_12] : memref<1250x128xf32, #tpu.memory_space<vmem>>, vector<1250x128xf32>
    tpu.vector_store %arg3[%swap3A, %swap3A_12], %rsqrt3A {strides = array<i32>} : memref<1250x128xf32, #tpu.memory_space<vmem>>, vector<1250x128xf32>,
    %get3A_14 = arith.constant 0 : index
    %get3A_15 = arith.constant 0 : index
    %get3A_16 = vector.load %arg1[%get3A_14, %get3A_15] : memref<1250x128xf32, #tpu.memory_space<vmem>>, vector<1250x128xf32>
    %mul3A = arith.mulf %get3A_16, %rsqrt3A : vector<1250x128xf32>
    %swap3A_17 = arith.constant 0 : index
    %swap3A_18 = arith.constant 0 : index
    %swap3A_19 = vector.load %arg2[%swap3A_17, %swap3A_18] : memref<1250x128xf32, #tpu.memory_space<vmem>>, vector<1250x128xf32>
    tpu.vector_store %arg2[%swap3A_17, %swap3A_18], %mul3A {strides = array<i32>} : memref<1250x128xf32, #tpu.memory_space<vmem>>, vector<1250x128xf32>,
    return
  }
}

module attributes {stable_mosaic.version = 14 : i64} {
  func.func @_tc_mid(%arg0: memref<2x1280x128xf32, #tpu.memory_space<vmem>>, %arg1: memref<1250x128xf32, #tpu.memory_space<vmem>>, %arg2: memref<1250x128xf32, #tpu.memory_space<vmem>>, %arg3: memref<128x512xf32, #tpu.memory_space<vmem>>, %arg4: memref<1x128xf32, #tpu.memory_space<vmem>>, %arg5: memref<1250x512xf32, #tpu.memory_space<vmem>>) attributes {dimension_semantics = [], scalar_prefetch = 0 : i64, scratch_operands = 0 : i64, tpu.core_type = #tpu.core_type<tc>} {
    %get3A = arith.constant 0 : index
    %get3A_0 = arith.constant 0 : index
    %get3A_1 = vector.load %arg2[%get3A, %get3A_0] : memref<1250x128xf32, #tpu.memory_space<vmem>>, vector<1250x128xf32>
    %get3A_2 = arith.constant 0 : index
    %get3A_3 = arith.constant 0 : index
    %get3A_4 = arith.constant 0 : index
    %get3A_5 = vector.load %arg0[%get3A_2, %get3A_3, %get3A_4] : memref<2x1280x128xf32, #tpu.memory_space<vmem>>, vector<1x1250x128xf32>
    %get3A_6 = vector.shape_cast %get3A_5 : vector<1x1250x128xf32> to vector<1250x128xf32>
    %get3A_7 = arith.constant 1 : index
    %get3A_8 = arith.constant 0 : index
    %get3A_9 = arith.constant 0 : index
    %get3A_10 = vector.load %arg0[%get3A_7, %get3A_8, %get3A_9] : memref<2x1280x128xf32, #tpu.memory_space<vmem>>, vector<1x1250x128xf32>
    %get3A_11 = vector.shape_cast %get3A_10 : vector<1x1250x128xf32> to vector<1250x128xf32>
    %add3A = arith.addf %get3A_6, %get3A_11 : vector<1250x128xf32>
    %get3A_12 = arith.constant 0 : index
    %get3A_13 = arith.constant 0 : index
    %get3A_14 = vector.load %arg1[%get3A_12, %get3A_13] : memref<1250x128xf32, #tpu.memory_space<vmem>>, vector<1250x128xf32>
    %add3A_15 = arith.addf %add3A, %get3A_14 : vector<1250x128xf32>
    %mul3A = arith.mulf %add3A_15, %get3A_1 : vector<1250x128xf32>
    %get3A_16 = arith.constant 0 : index
    %get3A_17 = arith.constant 0 : index
    %get3A_18 = vector.load %arg4[%get3A_16, %get3A_17] : memref<1x128xf32, #tpu.memory_space<vmem>>, vector<1x128xf32>
    %add3A_19 = vector.broadcast %get3A_18 : vector<1x128xf32> to vector<1250x128xf32>
    %add3A_20 = arith.addf %mul3A, %add3A_19 : vector<1250x128xf32>
    %max3A = arith.constant 0.000000e+00 : f32
    %max3A_21 = vector.broadcast %max3A : f32 to vector<1250x128xf32>
    %max3A_22 = arith.maximumf %add3A_20, %max3A_21 : vector<1250x128xf32>
    %mul3A_23 = arith.mulf %max3A_22, %get3A_1 : vector<1250x128xf32>
    %get3A_24 = arith.constant 0 : index
    %get3A_25 = arith.constant 0 : index
    %get3A_26 = vector.load %arg3[%get3A_24, %get3A_25] : memref<128x512xf32, #tpu.memory_space<vmem>>, vector<128x512xf32>
    %dot_general3A = arith.constant dense<0.000000e+00> : vector<1250x512xf32>
    %dot_general3A_27 = tpu.matmul %mul3A_23, %get3A_26, %dot_general3A {dimension_numbers = #tpu.dot_dimension_numbers<[1], [0], [0], [1], [0, 0, 1, 1], [], []>, transpose_lhs_hint = false} : vector<1250x128xf32>, vector<128x512xf32>, vector<1250x512xf32> -> vector<1250x512xf32>
    %swap3A = arith.constant 0 : index
    %swap3A_28 = arith.constant 0 : index
    %swap3A_29 = vector.load %arg5[%swap3A, %swap3A_28] : memref<1250x512xf32, #tpu.memory_space<vmem>>, vector<1250x512xf32>
    tpu.vector_store %arg5[%swap3A, %swap3A_28], %dot_general3A_27 {strides = array<i32>} : memref<1250x512xf32, #tpu.memory_space<vmem>>, vector<1250x512xf32>,
    return
  }
}

module attributes {stable_mosaic.version = 14 : i64} {
  func.func @_tc_final(%arg0: memref<2x1280x512xf32, #tpu.memory_space<vmem>>, %arg1: memref<1250x512xf32, #tpu.memory_space<vmem>>, %arg2: memref<2x1280x512xf32, #tpu.memory_space<vmem>>, %arg3: memref<1x512xf32, #tpu.memory_space<vmem>>, %arg4: memref<1250x512xf32, #tpu.memory_space<vmem>>, %arg5: memref<1250x512xf32, #tpu.memory_space<vmem>>) attributes {dimension_semantics = [], scalar_prefetch = 0 : i64, scratch_operands = 0 : i64, tpu.core_type = #tpu.core_type<tc>} {
    %get3A = arith.constant 0 : index
    %get3A_0 = arith.constant 0 : index
    %get3A_1 = arith.constant 0 : index
    %get3A_2 = vector.load %arg2[%get3A, %get3A_0, %get3A_1] : memref<2x1280x512xf32, #tpu.memory_space<vmem>>, vector<1x1250x512xf32>
    %get3A_3 = vector.shape_cast %get3A_2 : vector<1x1250x512xf32> to vector<1250x512xf32>
    %get3A_4 = arith.constant 1 : index
    %get3A_5 = arith.constant 0 : index
    %get3A_6 = arith.constant 0 : index
    %get3A_7 = vector.load %arg2[%get3A_4, %get3A_5, %get3A_6] : memref<2x1280x512xf32, #tpu.memory_space<vmem>>, vector<1x1250x512xf32>
    %get3A_8 = vector.shape_cast %get3A_7 : vector<1x1250x512xf32> to vector<1250x512xf32>
    %add3A = arith.addf %get3A_3, %get3A_8 : vector<1250x512xf32>
    %add3A_9 = arith.constant 1.000000e+00 : f32
    %add3A_10 = vector.broadcast %add3A_9 : f32 to vector<1250x512xf32>
    %add3A_11 = arith.addf %add3A, %add3A_10 : vector<1250x512xf32>
    %rsqrt3A = math.rsqrt %add3A_11 : vector<1250x512xf32>
    %get3A_12 = arith.constant 0 : index
    %get3A_13 = arith.constant 0 : index
    %get3A_14 = arith.constant 0 : index
    %get3A_15 = vector.load %arg0[%get3A_12, %get3A_13, %get3A_14] : memref<2x1280x512xf32, #tpu.memory_space<vmem>>, vector<1x1250x512xf32>
    %get3A_16 = vector.shape_cast %get3A_15 : vector<1x1250x512xf32> to vector<1250x512xf32>
    %get3A_17 = arith.constant 1 : index
    %get3A_18 = arith.constant 0 : index
    %get3A_19 = arith.constant 0 : index
    %get3A_20 = vector.load %arg0[%get3A_17, %get3A_18, %get3A_19] : memref<2x1280x512xf32, #tpu.memory_space<vmem>>, vector<1x1250x512xf32>
    %get3A_21 = vector.shape_cast %get3A_20 : vector<1x1250x512xf32> to vector<1250x512xf32>
    %add3A_22 = arith.addf %get3A_16, %get3A_21 : vector<1250x512xf32>
    %get3A_23 = arith.constant 0 : index
    %get3A_24 = arith.constant 0 : index
    %get3A_25 = vector.load %arg1[%get3A_23, %get3A_24] : memref<1250x512xf32, #tpu.memory_space<vmem>>, vector<1250x512xf32>
    %add3A_26 = arith.addf %add3A_22, %get3A_25 : vector<1250x512xf32>
    %mul3A = arith.mulf %add3A_26, %rsqrt3A : vector<1250x512xf32>
    %get3A_27 = arith.constant 0 : index
    %get3A_28 = arith.constant 0 : index
    %get3A_29 = vector.load %arg3[%get3A_27, %get3A_28] : memref<1x512xf32, #tpu.memory_space<vmem>>, vector<1x512xf32>
    %add3A_30 = vector.broadcast %get3A_29 : vector<1x512xf32> to vector<1250x512xf32>
    %add3A_31 = arith.addf %mul3A, %add3A_30 : vector<1250x512xf32>
    %slice3A = vector.extract_strided_slice %add3A_31 {offsets = [0, 0], sizes = [1250, 64], strides = [1, 1]} : vector<1250x512xf32> to vector<1250x64xf32>
    %reduce_max3A = arith.constant dense<0xFF800000> : vector<1250xf32>
    %reduce_max3A_32 = vector.multi_reduction <maximumf>, %slice3A, %reduce_max3A [1] : vector<1250x64xf32> to vector<1250xf32>
    %broadcast_in_dim3A = vector.shape_cast %reduce_max3A_32 : vector<1250xf32> to vector<1250x1xf32>
    %sub3A = vector.broadcast %broadcast_in_dim3A : vector<1250x1xf32> to vector<1250x64xf32>
    %sub3A_33 = arith.subf %slice3A, %sub3A : vector<1250x64xf32>
    %exp3A = math.exp %sub3A_33 : vector<1250x64xf32>
    %reduce_sum3A = arith.constant dense<0.000000e+00> : vector<1250xf32>
    %reduce_sum3A_34 = vector.multi_reduction <add>, %exp3A, %reduce_sum3A [1] : vector<1250x64xf32> to vector<1250xf32>
    %broadcast_in_dim3A_35 = vector.shape_cast %reduce_sum3A_34 : vector<1250xf32> to vector<1250x1xf32>
    %log3A = math.log %broadcast_in_dim3A_35 : vector<1250x1xf32>
    %add3A_36 = arith.addf %log3A, %broadcast_in_dim3A : vector<1250x1xf32>
    %swap3A = arith.constant 0 : index
    %swap3A_37 = arith.constant 0 : index
    %swap3A_38 = vector.load %arg5[%swap3A, %swap3A_37] : memref<1250x512xf32, #tpu.memory_space<vmem>>, vector<1250x64xf32>
    tpu.vector_store %arg5[%swap3A, %swap3A_37], %slice3A {strides = array<i32>} : memref<1250x512xf32, #tpu.memory_space<vmem>>, vector<1250x64xf32>,
    %sub3A_39 = vector.broadcast %add3A_36 : vector<1250x1xf32> to vector<1250x64xf32>
    %sub3A_40 = arith.subf %slice3A, %sub3A_39 : vector<1250x64xf32>
    %swap3A_41 = arith.constant 0 : index
    %swap3A_42 = arith.constant 0 : index
    %swap3A_43 = vector.load %arg4[%swap3A_41, %swap3A_42] : memref<1250x512xf32, #tpu.memory_space<vmem>>, vector<1250x64xf32>
    tpu.vector_store %arg4[%swap3A_41, %swap3A_42], %sub3A_40 {strides = array<i32>} : memref<1250x512xf32, #tpu.memory_space<vmem>>, vector<1250x64xf32>,
    %slice3A_44 = vector.extract_strided_slice %add3A_31 {offsets = [0, 64], sizes = [1250, 64], strides = [1, 1]} : vector<1250x512xf32> to vector<1250x64xf32>
    %reduce_max3A_45 = arith.constant dense<0xFF800000> : vector<1250xf32>
    %reduce_max3A_46 = vector.multi_reduction <maximumf>, %slice3A_44, %reduce_max3A_45 [1] : vector<1250x64xf32> to vector<1250xf32>
    %broadcast_in_dim3A_47 = vector.shape_cast %reduce_max3A_46 : vector<1250xf32> to vector<1250x1xf32>
    %sub3A_48 = vector.broadcast %broadcast_in_dim3A_47 : vector<1250x1xf32> to vector<1250x64xf32>
    %sub3A_49 = arith.subf %slice3A_44, %sub3A_48 : vector<1250x64xf32>
    %exp3A_50 = math.exp %sub3A_49 : vector<1250x64xf32>
    %reduce_sum3A_51 = arith.constant dense<0.000000e+00> : vector<1250xf32>
    %reduce_sum3A_52 = vector.multi_reduction <add>, %exp3A_50, %reduce_sum3A_51 [1] : vector<1250x64xf32> to vector<1250xf32>
    %broadcast_in_dim3A_53 = vector.shape_cast %reduce_sum3A_52 : vector<1250xf32> to vector<1250x1xf32>
    %log3A_54 = math.log %broadcast_in_dim3A_53 : vector<1250x1xf32>
    %add3A_55 = arith.addf %log3A_54, %broadcast_in_dim3A_47 : vector<1250x1xf32>
    %swap3A_56 = arith.constant 0 : index
    %swap3A_57 = arith.constant 64 : index
    %swap3A_58 = vector.load %arg5[%swap3A_56, %swap3A_57] : memref<1250x512xf32, #tpu.memory_space<vmem>>, vector<1250x64xf32>
    tpu.vector_store %arg5[%swap3A_56, %swap3A_57], %slice3A_44 {strides = array<i32>} : memref<1250x512xf32, #tpu.memory_space<vmem>>, vector<1250x64xf32>,
    %sub3A_59 = vector.broadcast %add3A_55 : vector<1250x1xf32> to vector<1250x64xf32>
    %sub3A_60 = arith.subf %slice3A_44, %sub3A_59 : vector<1250x64xf32>
    %swap3A_61 = arith.constant 0 : index
    %swap3A_62 = arith.constant 64 : index
    %swap3A_63 = vector.load %arg4[%swap3A_61, %swap3A_62] : memref<1250x512xf32, #tpu.memory_space<vmem>>, vector<1250x64xf32>
    tpu.vector_store %arg4[%swap3A_61, %swap3A_62], %sub3A_60 {strides = array<i32>} : memref<1250x512xf32, #tpu.memory_space<vmem>>, vector<1250x64xf32>,
    %slice3A_64 = vector.extract_strided_slice %add3A_31 {offsets = [0, 128], sizes = [1250, 64], strides = [1, 1]} : vector<1250x512xf32> to vector<1250x64xf32>
    %reduce_max3A_65 = arith.constant dense<0xFF800000> : vector<1250xf32>
    %reduce_max3A_66 = vector.multi_reduction <maximumf>, %slice3A_64, %reduce_max3A_65 [1] : vector<1250x64xf32> to vector<1250xf32>
    %broadcast_in_dim3A_67 = vector.shape_cast %reduce_max3A_66 : vector<1250xf32> to vector<1250x1xf32>
    %sub3A_68 = vector.broadcast %broadcast_in_dim3A_67 : vector<1250x1xf32> to vector<1250x64xf32>
    %sub3A_69 = arith.subf %slice3A_64, %sub3A_68 : vector<1250x64xf32>
    %exp3A_70 = math.exp %sub3A_69 : vector<1250x64xf32>
    %reduce_sum3A_71 = arith.constant dense<0.000000e+00> : vector<1250xf32>
    %reduce_sum3A_72 = vector.multi_reduction <add>, %exp3A_70, %reduce_sum3A_71 [1] : vector<1250x64xf32> to vector<1250xf32>
    %broadcast_in_dim3A_73 = vector.shape_cast %reduce_sum3A_72 : vector<1250xf32> to vector<1250x1xf32>
    %log3A_74 = math.log %broadcast_in_dim3A_73 : vector<1250x1xf32>
    %add3A_75 = arith.addf %log3A_74, %broadcast_in_dim3A_67 : vector<1250x1xf32>
    %swap3A_76 = arith.constant 0 : index
    %swap3A_77 = arith.constant 128 : index
    %swap3A_78 = vector.load %arg5[%swap3A_76, %swap3A_77] : memref<1250x512xf32, #tpu.memory_space<vmem>>, vector<1250x64xf32>
    tpu.vector_store %arg5[%swap3A_76, %swap3A_77], %slice3A_64 {strides = array<i32>} : memref<1250x512xf32, #tpu.memory_space<vmem>>, vector<1250x64xf32>,
    %sub3A_79 = vector.broadcast %add3A_75 : vector<1250x1xf32> to vector<1250x64xf32>
    %sub3A_80 = arith.subf %slice3A_64, %sub3A_79 : vector<1250x64xf32>
    %swap3A_81 = arith.constant 0 : index
    %swap3A_82 = arith.constant 128 : index
    %swap3A_83 = vector.load %arg4[%swap3A_81, %swap3A_82] : memref<1250x512xf32, #tpu.memory_space<vmem>>, vector<1250x64xf32>
    tpu.vector_store %arg4[%swap3A_81, %swap3A_82], %sub3A_80 {strides = array<i32>} : memref<1250x512xf32, #tpu.memory_space<vmem>>, vector<1250x64xf32>,
    %slice3A_84 = vector.extract_strided_slice %add3A_31 {offsets = [0, 192], sizes = [1250, 64], strides = [1, 1]} : vector<1250x512xf32> to vector<1250x64xf32>
    %reduce_max3A_85 = arith.constant dense<0xFF800000> : vector<1250xf32>
    %reduce_max3A_86 = vector.multi_reduction <maximumf>, %slice3A_84, %reduce_max3A_85 [1] : vector<1250x64xf32> to vector<1250xf32>
    %broadcast_in_dim3A_87 = vector.shape_cast %reduce_max3A_86 : vector<1250xf32> to vector<1250x1xf32>
    %sub3A_88 = vector.broadcast %broadcast_in_dim3A_87 : vector<1250x1xf32> to vector<1250x64xf32>
    %sub3A_89 = arith.subf %slice3A_84, %sub3A_88 : vector<1250x64xf32>
    %exp3A_90 = math.exp %sub3A_89 : vector<1250x64xf32>
    %reduce_sum3A_91 = arith.constant dense<0.000000e+00> : vector<1250xf32>
    %reduce_sum3A_92 = vector.multi_reduction <add>, %exp3A_90, %reduce_sum3A_91 [1] : vector<1250x64xf32> to vector<1250xf32>
    %broadcast_in_dim3A_93 = vector.shape_cast %reduce_sum3A_92 : vector<1250xf32> to vector<1250x1xf32>
    %log3A_94 = math.log %broadcast_in_dim3A_93 : vector<1250x1xf32>
    %add3A_95 = arith.addf %log3A_94, %broadcast_in_dim3A_87 : vector<1250x1xf32>
    %swap3A_96 = arith.constant 0 : index
    %swap3A_97 = arith.constant 192 : index
    %swap3A_98 = vector.load %arg5[%swap3A_96, %swap3A_97] : memref<1250x512xf32, #tpu.memory_space<vmem>>, vector<1250x64xf32>
    tpu.vector_store %arg5[%swap3A_96, %swap3A_97], %slice3A_84 {strides = array<i32>} : memref<1250x512xf32, #tpu.memory_space<vmem>>, vector<1250x64xf32>,
    %sub3A_99 = vector.broadcast %add3A_95 : vector<1250x1xf32> to vector<1250x64xf32>
    %sub3A_100 = arith.subf %slice3A_84, %sub3A_99 : vector<1250x64xf32>
    %swap3A_101 = arith.constant 0 : index
    %swap3A_102 = arith.constant 192 : index
    %swap3A_103 = vector.load %arg4[%swap3A_101, %swap3A_102] : memref<1250x512xf32, #tpu.memory_space<vmem>>, vector<1250x64xf32>
    tpu.vector_store %arg4[%swap3A_101, %swap3A_102], %sub3A_100 {strides = array<i32>} : memref<1250x512xf32, #tpu.memory_space<vmem>>, vector<1250x64xf32>,
    %slice3A_104 = vector.extract_strided_slice %add3A_31 {offsets = [0, 256], sizes = [1250, 64], strides = [1, 1]} : vector<1250x512xf32> to vector<1250x64xf32>
    %reduce_max3A_105 = arith.constant dense<0xFF800000> : vector<1250xf32>
    %reduce_max3A_106 = vector.multi_reduction <maximumf>, %slice3A_104, %reduce_max3A_105 [1] : vector<1250x64xf32> to vector<1250xf32>
    %broadcast_in_dim3A_107 = vector.shape_cast %reduce_max3A_106 : vector<1250xf32> to vector<1250x1xf32>
    %sub3A_108 = vector.broadcast %broadcast_in_dim3A_107 : vector<1250x1xf32> to vector<1250x64xf32>
    %sub3A_109 = arith.subf %slice3A_104, %sub3A_108 : vector<1250x64xf32>
    %exp3A_110 = math.exp %sub3A_109 : vector<1250x64xf32>
    %reduce_sum3A_111 = arith.constant dense<0.000000e+00> : vector<1250xf32>
    %reduce_sum3A_112 = vector.multi_reduction <add>, %exp3A_110, %reduce_sum3A_111 [1] : vector<1250x64xf32> to vector<1250xf32>
    %broadcast_in_dim3A_113 = vector.shape_cast %reduce_sum3A_112 : vector<1250xf32> to vector<1250x1xf32>
    %log3A_114 = math.log %broadcast_in_dim3A_113 : vector<1250x1xf32>
    %add3A_115 = arith.addf %log3A_114, %broadcast_in_dim3A_107 : vector<1250x1xf32>
    %swap3A_116 = arith.constant 0 : index
    %swap3A_117 = arith.constant 256 : index
    %swap3A_118 = vector.load %arg5[%swap3A_116, %swap3A_117] : memref<1250x512xf32, #tpu.memory_space<vmem>>, vector<1250x64xf32>
    tpu.vector_store %arg5[%swap3A_116, %swap3A_117], %slice3A_104 {strides = array<i32>} : memref<1250x512xf32, #tpu.memory_space<vmem>>, vector<1250x64xf32>,
    %sub3A_119 = vector.broadcast %add3A_115 : vector<1250x1xf32> to vector<1250x64xf32>
    %sub3A_120 = arith.subf %slice3A_104, %sub3A_119 : vector<1250x64xf32>
    %swap3A_121 = arith.constant 0 : index
    %swap3A_122 = arith.constant 256 : index
    %swap3A_123 = vector.load %arg4[%swap3A_121, %swap3A_122] : memref<1250x512xf32, #tpu.memory_space<vmem>>, vector<1250x64xf32>
    tpu.vector_store %arg4[%swap3A_121, %swap3A_122], %sub3A_120 {strides = array<i32>} : memref<1250x512xf32, #tpu.memory_space<vmem>>, vector<1250x64xf32>,
    %slice3A_124 = vector.extract_strided_slice %add3A_31 {offsets = [0, 320], sizes = [1250, 64], strides = [1, 1]} : vector<1250x512xf32> to vector<1250x64xf32>
    %reduce_max3A_125 = arith.constant dense<0xFF800000> : vector<1250xf32>
    %reduce_max3A_126 = vector.multi_reduction <maximumf>, %slice3A_124, %reduce_max3A_125 [1] : vector<1250x64xf32> to vector<1250xf32>
    %broadcast_in_dim3A_127 = vector.shape_cast %reduce_max3A_126 : vector<1250xf32> to vector<1250x1xf32>
    %sub3A_128 = vector.broadcast %broadcast_in_dim3A_127 : vector<1250x1xf32> to vector<1250x64xf32>
    %sub3A_129 = arith.subf %slice3A_124, %sub3A_128 : vector<1250x64xf32>
    %exp3A_130 = math.exp %sub3A_129 : vector<1250x64xf32>
    %reduce_sum3A_131 = arith.constant dense<0.000000e+00> : vector<1250xf32>
    %reduce_sum3A_132 = vector.multi_reduction <add>, %exp3A_130, %reduce_sum3A_131 [1] : vector<1250x64xf32> to vector<1250xf32>
    %broadcast_in_dim3A_133 = vector.shape_cast %reduce_sum3A_132 : vector<1250xf32> to vector<1250x1xf32>
    %log3A_134 = math.log %broadcast_in_dim3A_133 : vector<1250x1xf32>
    %add3A_135 = arith.addf %log3A_134, %broadcast_in_dim3A_127 : vector<1250x1xf32>
    %swap3A_136 = arith.constant 0 : index
    %swap3A_137 = arith.constant 320 : index
    %swap3A_138 = vector.load %arg5[%swap3A_136, %swap3A_137] : memref<1250x512xf32, #tpu.memory_space<vmem>>, vector<1250x64xf32>
    tpu.vector_store %arg5[%swap3A_136, %swap3A_137], %slice3A_124 {strides = array<i32>} : memref<1250x512xf32, #tpu.memory_space<vmem>>, vector<1250x64xf32>,
    %sub3A_139 = vector.broadcast %add3A_135 : vector<1250x1xf32> to vector<1250x64xf32>
    %sub3A_140 = arith.subf %slice3A_124, %sub3A_139 : vector<1250x64xf32>
    %swap3A_141 = arith.constant 0 : index
    %swap3A_142 = arith.constant 320 : index
    %swap3A_143 = vector.load %arg4[%swap3A_141, %swap3A_142] : memref<1250x512xf32, #tpu.memory_space<vmem>>, vector<1250x64xf32>
    tpu.vector_store %arg4[%swap3A_141, %swap3A_142], %sub3A_140 {strides = array<i32>} : memref<1250x512xf32, #tpu.memory_space<vmem>>, vector<1250x64xf32>,
    %slice3A_144 = vector.extract_strided_slice %add3A_31 {offsets = [0, 384], sizes = [1250, 64], strides = [1, 1]} : vector<1250x512xf32> to vector<1250x64xf32>
    %reduce_max3A_145 = arith.constant dense<0xFF800000> : vector<1250xf32>
    %reduce_max3A_146 = vector.multi_reduction <maximumf>, %slice3A_144, %reduce_max3A_145 [1] : vector<1250x64xf32> to vector<1250xf32>
    %broadcast_in_dim3A_147 = vector.shape_cast %reduce_max3A_146 : vector<1250xf32> to vector<1250x1xf32>
    %sub3A_148 = vector.broadcast %broadcast_in_dim3A_147 : vector<1250x1xf32> to vector<1250x64xf32>
    %sub3A_149 = arith.subf %slice3A_144, %sub3A_148 : vector<1250x64xf32>
    %exp3A_150 = math.exp %sub3A_149 : vector<1250x64xf32>
    %reduce_sum3A_151 = arith.constant dense<0.000000e+00> : vector<1250xf32>
    %reduce_sum3A_152 = vector.multi_reduction <add>, %exp3A_150, %reduce_sum3A_151 [1] : vector<1250x64xf32> to vector<1250xf32>
    %broadcast_in_dim3A_153 = vector.shape_cast %reduce_sum3A_152 : vector<1250xf32> to vector<1250x1xf32>
    %log3A_154 = math.log %broadcast_in_dim3A_153 : vector<1250x1xf32>
    %add3A_155 = arith.addf %log3A_154, %broadcast_in_dim3A_147 : vector<1250x1xf32>
    %swap3A_156 = arith.constant 0 : index
    %swap3A_157 = arith.constant 384 : index
    %swap3A_158 = vector.load %arg5[%swap3A_156, %swap3A_157] : memref<1250x512xf32, #tpu.memory_space<vmem>>, vector<1250x64xf32>
    tpu.vector_store %arg5[%swap3A_156, %swap3A_157], %slice3A_144 {strides = array<i32>} : memref<1250x512xf32, #tpu.memory_space<vmem>>, vector<1250x64xf32>,
    %sub3A_159 = vector.broadcast %add3A_155 : vector<1250x1xf32> to vector<1250x64xf32>
    %sub3A_160 = arith.subf %slice3A_144, %sub3A_159 : vector<1250x64xf32>
    %swap3A_161 = arith.constant 0 : index
    %swap3A_162 = arith.constant 384 : index
    %swap3A_163 = vector.load %arg4[%swap3A_161, %swap3A_162] : memref<1250x512xf32, #tpu.memory_space<vmem>>, vector<1250x64xf32>
    tpu.vector_store %arg4[%swap3A_161, %swap3A_162], %sub3A_160 {strides = array<i32>} : memref<1250x512xf32, #tpu.memory_space<vmem>>, vector<1250x64xf32>,
    %slice3A_164 = vector.extract_strided_slice %add3A_31 {offsets = [0, 448], sizes = [1250, 64], strides = [1, 1]} : vector<1250x512xf32> to vector<1250x64xf32>
    %reduce_max3A_165 = arith.constant dense<0xFF800000> : vector<1250xf32>
    %reduce_max3A_166 = vector.multi_reduction <maximumf>, %slice3A_164, %reduce_max3A_165 [1] : vector<1250x64xf32> to vector<1250xf32>
    %broadcast_in_dim3A_167 = vector.shape_cast %reduce_max3A_166 : vector<1250xf32> to vector<1250x1xf32>
    %sub3A_168 = vector.broadcast %broadcast_in_dim3A_167 : vector<1250x1xf32> to vector<1250x64xf32>
    %sub3A_169 = arith.subf %slice3A_164, %sub3A_168 : vector<1250x64xf32>
    %exp3A_170 = math.exp %sub3A_169 : vector<1250x64xf32>
    %reduce_sum3A_171 = arith.constant dense<0.000000e+00> : vector<1250xf32>
    %reduce_sum3A_172 = vector.multi_reduction <add>, %exp3A_170, %reduce_sum3A_171 [1] : vector<1250x64xf32> to vector<1250xf32>
    %broadcast_in_dim3A_173 = vector.shape_cast %reduce_sum3A_172 : vector<1250xf32> to vector<1250x1xf32>
    %log3A_174 = math.log %broadcast_in_dim3A_173 : vector<1250x1xf32>
    %add3A_175 = arith.addf %log3A_174, %broadcast_in_dim3A_167 : vector<1250x1xf32>
    %swap3A_176 = arith.constant 0 : index
    %swap3A_177 = arith.constant 448 : index
    %swap3A_178 = vector.load %arg5[%swap3A_176, %swap3A_177] : memref<1250x512xf32, #tpu.memory_space<vmem>>, vector<1250x64xf32>
    tpu.vector_store %arg5[%swap3A_176, %swap3A_177], %slice3A_164 {strides = array<i32>} : memref<1250x512xf32, #tpu.memory_space<vmem>>, vector<1250x64xf32>,
    %sub3A_179 = vector.broadcast %add3A_175 : vector<1250x1xf32> to vector<1250x64xf32>
    %sub3A_180 = arith.subf %slice3A_164, %sub3A_179 : vector<1250x64xf32>
    %swap3A_181 = arith.constant 0 : index
    %swap3A_182 = arith.constant 448 : index
    %swap3A_183 = vector.load %arg4[%swap3A_181, %swap3A_182] : memref<1250x512xf32, #tpu.memory_space<vmem>>, vector<1250x64xf32>
    tpu.vector_store %arg4[%swap3A_181, %swap3A_182], %sub3A_180 {strides = array<i32>} : memref<1250x512xf32, #tpu.memory_space<vmem>>, vector<1250x64xf32>,
    return
  }
}

</mosaic_0001>

<sc_bundles>
// kernel: _run.12.cloned.1.call-start
scs
__scs_entry_jumppad:
0x0: {  	(pc) =	sbr.rel $0x88, $3  }
0x1: {  	(tag) =	ssettag $0x0;
	lr =	simm.s32 $0x1  }
0x2: {  	[smem:$0x3F9B] =	sst lr;
	_ =	strace $0xD0000000  }
0x3: {  	_ = 	snop  }
0x4: {  	_ = 	snop  }
0x5: {  	_ = 	snop  }
0x6: {  	_ = 	snop  }
0x7: {  	_ = 	snop  }
__scs_overlays_trampoline_lowered:
0x8: {  	[smem:$0x3FAA] =	sst s0  }
0x9: {  	[smem:$0x3FAB] =	sst s1  }
0xa: {  	[smem:$0x3FAC] =	sst s2  }
0xb: {  	[smem:$0x3FAD] =	sst s3  }
0xc: {  	[smem:$0x3FAE] =	sst s4  }
0xd: {  	[smem:$0x3FAF] =	sst s5  }
0xe: {  	[smem:$0x3FB0] =	sst s6  }
0xf: {  	[smem:$0x3FB1] =	sst s7  }
0x10: {  	[smem:$0x3FB2] =	sst s8  }
0x11: {  	[smem:$0x3FB3] =	sst s9;
	s0 =	simm.s32 @!p0 $0x0  }
0x12: {  	s1 =	sld [smem:$0x3F99];
	s0 =	simm.s32 @p0 $0x1  }
0x13: {  	[smem:$0x3FB4] =	sst s0;
	s0 =	simm.s32 @!p1 $0x0  }
0x14: {  	s2 =	sld [smem:$0x3F98];
	s0 =	simm.s32 @p1 $0x1  }
0x15: {  	[smem:$0x3FB5] =	sst s0;
	s0 =	simm.s32 @!p2 $0x0  }
0x16: {  	s3 =	sld [smem:$0x3FDB];
	s0 =	simm.s32 @p2 $0x1  }
0x17: {  	s4 =	simm.s32 $0x1BF5;
	[smem:$0x3FB7] =	sst s0  }
0x18: {  	s0 =	sld [smem:$0x3F9A];
	_ =	swait.ge [sflag:s4], $0x0  }
0x19: {  	s7 =	sld [smem:$0x3F9B]  }
0x1a: {  	s8 =	sadd.s32 $0xFFFFE003, lr  }
0x1b: {  	s9 =	sadd.s32 $0xFFFFFEF7, lr;
	s5 =	simm.s32 $0xFFFFFFFF;
	p2 =	slt.u32 s8, $0xFFFFF086  }
0x1c: {  	p1 =	slt.u32 s9, $0xF7A;
	s5 =	simm.s32 @!p2 $0x0  }
0x1d: {  	s5 =	simm.s32 @p1 $0x1;
	p0 =	seq.s32 s7, s2  }
0x1e: {  	s7 =	smul.u32 @!p0 $0xF7A, s2;
	p2 =	seq.s32 @!p0 s5, $0x0  }
0x1f: {  	s9 =	smul.u32 $0xF7A, s1;
	s8 =	simm.s32 @!p0 $0x1BF5;
	p2 =	por !p2, p0  }
0x20: {  	[sflag:s8] =	ssyncset.s32 @!p0 $0xFFFFF086;
	s6 =	sadd.s32 @!p0 s3, s7;
	s7 =	simm.s32 @!p0 $0x108  }
0x21: {  	s3 =	sadd.s32 s3, s9;
	s6 =	sadd.s32 @!p0 $0x88, s6;
	s7 =	simm.s32 @p2 $0x1082  }
0x22: {  	[simem:s7], [sflag:s8] =	dma.local @!p0 [hbm:s6], $0xF7A  }
0x23: {  	s9 =	sor.u32 $0xD0000000, s2;
	s6 =	simm.s32 $0x108;
	_ =	swait.ge @!p0 [sflag:s8], $0x0  }
0x24: {  	s3 =	sadd.s32 $0x88, s3;
	s6 =	simm.s32 @!p1 $0x1082;
	[sflag:s4] =	ssyncset.s32 $0xFFFFF086  }
0x25: {  	[simem:s6], [sflag:s4] =	dma.local [hbm:s3], $0xF7A  }
0x26: {  	[smem:$0x3F9B] =	sst s1;
	(tag) =	ssettag s2;
	_ =	strace s9  }
0x27: {  	s1 =	sld [smem:$0x3FAB]  }
0x28: {  	s2 =	sld [smem:$0x3FAC]  }
0x29: {  	s4 =	sld [smem:$0x3FAE]  }
0x2a: {  	p0 =	seq.s32 s5, $0x0;
	s5 =	sld [smem:$0x3FAF]  }
0x2b: {  	s6 =	sld [smem:$0x3FB0]  }
0x2c: {  	s7 =	sld [smem:$0x3FB1]  }
0x2d: {  	s3 =	simm.s32 $0x108;
	s8 =	sld [smem:$0x3FB2]  }
0x2e: {  	s3 =	simm.s32 @!p0 $0x1082;
	s9 =	sld [smem:$0x3FB3]  }
0x2f: {  	lr =	sadd.s32 s0, s3;
	s0 =	sld [smem:$0x3FAA]  }
0x30: {  	s3 =	sld [smem:$0x3FAD]  }
0x31: {  	[smem:$0x3FB6] =	sst s10  }
0x32: {  	s10 =	sld [smem:$0x3FB4];
	_ =	sdelay $0x3  }
0x33: {  	p0 =	seq.s32 s10, $0x1;
	s10 =	sld [smem:$0x3FB6];
	_ =	sdelay $0x3  }
0x34: {  	[smem:$0x3FB6] =	sst s10  }
0x35: {  	s10 =	sld [smem:$0x3FB5];
	_ =	sdelay $0x3  }
0x36: {  	p1 =	seq.s32 s10, $0x1;
	s10 =	sld [smem:$0x3FB6];
	_ =	sdelay $0x3  }
0x37: {  	[smem:$0x3FB6] =	sst s10  }
0x38: {  	s10 =	sld [smem:$0x3FB7]  }
0x39: {  	_ = 	snop;
	(pc) =	sbr.ind lr, $3  }
0x3a: {  	_ = 	snop  }
0x3b: {  	_ = 	snop  }
0x3c: {  	p2 =	seq.s32 s10, $0x1;
	s10 =	sld [smem:$0x3FB6]  }
0x3d: {  	_ =	shalt  }
0x3e: {  	_ =	shalt  }
0x3f: {  	_ =	shalt  }
0x40: {  	_ =	shalt  }
0x41: {  	_ =	shalt  }
0x42: {  	_ =	shalt  }
0x43: {  	_ =	shalt  }
0x44: {  	_ =	shalt  }
0x45: {  	_ =	shalt  }
0x46: {  	_ =	shalt  }
0x47: {  	_ =	shalt  }
0x48: {  	_ =	shalt  }
0x49: {  	_ =	shalt  }
0x4a: {  	_ =	shalt  }
0x4b: {  	_ =	shalt  }
0x4c: {  	_ =	shalt  }
0x4d: {  	_ =	shalt  }
0x4e: {  	_ =	shalt  }
0x4f: {  	_ =	shalt  }
0x50: {  	_ =	shalt  }
0x51: {  	_ =	shalt  }
0x52: {  	_ =	shalt  }
0x53: {  	_ =	shalt  }
0x54: {  	_ =	shalt  }
0x55: {  	_ =	shalt  }
0x56: {  	_ =	shalt  }
0x57: {  	_ =	shalt  }
0x58: {  	_ =	shalt  }
0x59: {  	_ =	shalt  }
0x5a: {  	_ =	shalt  }
0x5b: {  	_ =	shalt  }
0x5c: {  	_ =	shalt  }
0x5d: {  	_ =	shalt  }
0x5e: {  	_ =	shalt  }
0x5f: {  	_ =	shalt  }
0x60: {  	_ =	shalt  }
0x61: {  	_ =	shalt  }
0x62: {  	_ =	shalt  }
0x63: {  	_ =	shalt  }
0x64: {  	_ =	shalt  }
0x65: {  	_ =	shalt  }
0x66: {  	_ =	shalt  }
0x67: {  	_ =	shalt  }
0x68: {  	_ =	shalt  }
0x69: {  	_ =	shalt  }
0x6a: {  	_ =	shalt  }
0x6b: {  	_ =	shalt  }
0x6c: {  	_ =	shalt  }
0x6d: {  	_ =	shalt  }
0x6e: {  	_ =	shalt  }
0x6f: {  	_ =	shalt  }
0x70: {  	_ =	shalt  }
0x71: {  	_ =	shalt  }
0x72: {  	_ =	shalt  }
0x73: {  	_ =	shalt  }
0x74: {  	_ =	shalt  }
0x75: {  	_ =	shalt  }
0x76: {  	_ =	shalt  }
0x77: {  	_ =	shalt  }
0x78: {  	_ =	shalt  }
0x79: {  	_ =	shalt  }
0x7a: {  	_ =	shalt  }
0x7b: {  	_ =	shalt  }
0x7c: {  	_ =	shalt  }
0x7d: {  	_ =	shalt  }
0x7e: {  	_ =	shalt  }
0x7f: {  	_ =	shalt  }
0x80: {  	_ =	shalt  }
0x81: {  	_ =	shalt  }
0x82: {  	_ =	shalt  }
0x83: {  	_ =	shalt  }
0x84: {  	_ =	shalt  }
0x85: {  	_ =	shalt  }
0x86: {  	_ =	shalt  }
0x87: {  	_ =	shalt  }
.Lfunc_end0:
.L_simem_size_0:
called_computation.1_lowered:
.L_overlay_start_0:
0x88: {  	s2 =	sld [smem:$0x3FD9]  }
0x89: {  	s3 =	sld [smem:$0x3FFE];
	_ =	sdelay $0x1  }
0x8a: {  	s1 =	srdreg.scid  }
0x8b: {  	s0 =	sand.u32 $0x1, s1  }
0x8c: {  	s14 =	sshll.u32 s0, $0xA;
	s2 =	sadd.s32 s3, s2  }
0x8d: {  	s2 =	sadd.s32 s2, s14  }
0x8e: {  	[smem:$0x3FC2] =	sst s2  }
0x8f: {  	_ = 	snop  }
0x90: {  	s2 =	sld [smem:$0x3FD0];
	_ =	sdelay $0x2  }
0x91: {  	s15 =	simm.s32 $0xA;
	s4 =	simm.s32 $0x10  }
0x92: {  	[smem:s4], [sflag:s15] =	dma.local [hbm:s2], $0x1  }
0x93: {  	_ =	swait.eq [sflag:s15], $0x1  }
0x94: {  	[sflag:s15] =	ssyncset.done $0x0  }
0x95: {  	s16 =	sld [smem:$0x10];
	[sflag:s15] =	ssyncadd.s32 $0xFFFFFFFF  }
0x96: {  	s17 =	sld [smem:$0x11];
	(tm) =	ssettm $0x1  }
0x97: {  	s18 =	sld [smem:$0x3FFB];
	_ =	sdelay $0x3  }
0x98: {  	_ =	strace s18  }
0x99: {  	s4 =	sld [smem:$0x3FFC];
	_ =	sdelay $0x3  }
0x9a: {  	_ =	strace s4  }
0x9b: {  	s4 =	sld [smem:$0x3FFD];
	_ =	sdelay $0x3  }
0x9c: {  	_ =	strace s4  }
0x9d: {  	_ =	strace $0x8FFFFFFF  }
0x9e: {  	s19 =	sld [smem:$0x3FDB];
	_ =	sdelay $0x1  }
0x9f: {  	s5 =	simm.s32 $_scs_section_size  }
0xa0: {  	s6 =	simm.s32 $_size__tile_overlayer_lowered;
	s7 =	simm.s32 $_tile_overlayer_lowered  }
0xa1: {  	s22 =	simm.s32 $0x1BFF;
	s21 =	sshll.u32 s7, $0x1;
	s4 =	sadd.s32 s5, s19  }
0xa2: {  	s8 =	simm.s32 $0x0;
	s20 =	sshll.u32 s6, $0x1;
	s6 =	sadd.s32 s21, s4  }
0xa3: {  	[timem:s8], [sflag:s22] =	dma.local [hbm:s6], s20  }
0xa4: {  	_ =	swait.ge [sflag:s22], s20  }
0xa5: {  	s5 =	ssub.s32 $0x0, s20;
	[sflag:s22] =	ssyncset.done $0x0  }
0xa6: {  	[sflag:s22] =	ssyncadd.s32 s5;
	_ =	sdelay $0x1  }
0xa7: {  	s23 =	simm.s32 $0x1B8B  }
0xa8: {  	_ =	swait.ge [sflag:s23], $0x1  }
0xa9: {  	[sflag:s23] =	ssyncset.done $0x0  }
0xaa: {  	s25 =	simm.s32 $0x1B8E;
	s24 =	sld [smem:$0x3FFE];
	[sflag:s23] =	ssyncadd.s32 $0xFFFFFFFF  }
0xab: {  	s26 =	simm.s32 $execute0_lowered;
	[smem:$0x3FD2] =	sst s25  }
0xac: {  	s6 =	sshll.u32 s26, $0x1;
	_ =	strace $0x80000049;
	[dreg:$0x1] =	wrdreg $0xFFFFFFFF  }
0xad: {  	s28 =	simm.s32 $_size_execute0_lowered;
	s4 =	sadd.s32 s4, s6;
	[dreg:$0x0] =	wrdreg $0x0  }
0xae: {  	s6 =	sshll.u32 s28, $0x1;
	[dreg:$0x2] =	wrdreg s4  }
0xaf: {  	[dreg:$0x3] =	wrdreg s6  }
0xb0: {  	[dreg:$0x4] =	wrdreg $0xC0  }
0xb1: {  	_ =	task [dreg:s8], $0x5FFFF  }
0xb2: {  	[dreg:$0x1] =	wrdreg $0xFFFFFFFF  }
0xb3: {  	[dreg:$0x0] =	wrdreg $0x60  }
0xb4: {  	[dreg:$0x2] =	wrdreg s17  }
0xb5: {  	[dreg:$0x3] =	wrdreg s24  }
0xb6: {  	[dreg:$0x4] =	wrdreg s16  }
0xb7: {  	[dreg:$0x5] =	wrdreg $0x8F000  }
0xb8: {  	[dreg:$0x6] =	wrdreg $0x9  }
0xb9: {  	_ =	task.clear_ibuf [dreg:s8], $0x7FFFF;
	_ =	strace $0x90000049  }
0xba: {  	s29 =	simm.s32 $0x9;
	_ =	strace $0x8000004B  }
0xbb: {  	_ =	swait.ge [sflag:s29], $0x1  }
0xbc: {  	[sflag:s29] =	ssyncadd.s32 $0xFFFFFFFF  }
0xbd: {  	_ =	strace $0x9000004B  }
0xbe: {  	_ =	sfence  }
0xbf: {  	s30 =	sld [smem:$0x0];
	_ =	sdelay $0x2  }
0xc0: {  	s31 =	sshll.u32 s1, $0xD;
	s1 =	sshrl.u32 s1, $0x2  }
0xc1: {  	s3 =	sand.u32 $0x4000, s31;
	s1 =	sadd.s32 s1, s30  }
0xc2: {  	s0 =	sor.u32 s3, s0;
	s1 =	sshll.u32 s1, $0x11  }
0xc3: {  	s0 =	sor.u32 s1, s0  }
0xc4: {  	s0 =	sadd.s32 $0x8F2B, s0  }
0xc5: {  	[sflag:s0] =	ssyncadd.remote.s32 $0x1  }
0xc6: {  	_ =	sfence.sel $0xFFFF  }
0xc7: {  	[dreg:$0x0] =	wrdreg $0xFFFFFFFF;
	(pc) =	sbr.abs _section_cstart, $3  }
0xc8: {  	[dreg:$0x1] =	wrdreg $0xFFFFFFFF  }
0xc9: {  	_ =	task.clear_ibuf [dreg:s8], $0x2FFFF;
	_ =	strace $0x9FFFFFFF  }
0xca: {  	(tm) =	ssettm $0x7FFFFFFF  }
0xcb: {  	_ =	shalt  }
tec
execute0_lowered:
.L_overlay_start_1:
0x0: {  	(tag) =	ssettag $0x1  }
0x1: {  	s0 =	rddreg [dreg:$0x0]  }
0x2: {  	s1 =	rddreg [dreg:$0x1]  }
0x3: {  	s9 =	rddreg [dreg:$0x2]  }
0x4: {  	s2 =	rddreg [dreg:$0x3]  }
0x5: {  	s4 =	srdreg.scid;
	s12 =	stileid.u32;
	s3 =	simm.s32 $0x0  }
0x6: {  	s16 =	simm.s32 $0x4F00;
	s17 =	simm.s32 $0x3;
	s18 =	simm.s32 $0x2780  }
0x7: {  	s19 =	simm.s32 $0x80;
	s20 =	simm.s32 $0x8700;
	s21 =	simm.s32 $0x1  }
0x8: {  	s22 =	simm.s32 $0x2;
	s5 =	sand.u32 $0x1, s4;
	s24 =	sshll.u32 s12, $0x1  }
0x9: {  	[smem:$0x7FF] =	sst s3;
	s4 =	sadd.s32 $0x2AE00, s1;
	s8 =	smul.u32 $0xA000, s12  }
0xa: {  	s28 =	smul.u32 $0x2800, s12;
	p0 =	sgt.u32 s12, $0xD;
	s6 =	sor.u32 s5, s24  }
0xb: {  	_ =	strace $0x8000004A;
	s25 =	ssub.s32 $0x2, s5;
	s11 =	smul.u32 $0x28000, s5  }
0xc: {  	s5 =	simm.s32 $0x4F;
	s7 =	smul.u32 $0x4E, s6;
	s10 =	sshrl.u32 s25, $0x1  }
0xd: {  	s6 =	smax.u32 s6, $0x1C;
	s5 =	simm.s32 @!p0 $0x4E;
	s29 =	sshrl.u32 s8, $0x2  }
0xe: {  	s31 =	sadd.s32 s28, s2;
	s1 =	ssub.s32 s25, s10;
	s30 =	sadd.s32 s28, s11  }
0xf: {  	s15 =	sadd.s32 $0xFFFFFFFF, s5;
	s25 =	sshrl.u32 s31, $0x3;
	s26 =	sadd.s32 s7, s6  }
0x10: {  	s6 =	sadd.s32 s29, s2;
	s11 =	sshrl.u32 s30, $0x3;
	s10 =	smax.u32 s1, $0x1  }
0x11: {  	s7 =	sshll.u32 s26, $0x4;
	s9 =	sadd.s32 s9, s11;
	s11 =	sadd.s32 $0x800, s6  }
0x12: {  	s12 =	sadd.s32 $0x1000, s6;
	s13 =	sadd.s32 $0x1800, s6;
	s0 =	sadd.s32 s0, s7  }
0x13: {  	v0 =	vimm.f32 $0.0e+00;
	s14 =	sadd.s32 $0x2000, s6;
	s7 =	sadd.s32 $0xFFFFFE40, s0;
	s8 =	sadd.s32 $0x9A80, s0  }
.LBB2_1:
0x14: {  	s23 =	simm.s32 $0x40;
	s24 =	simm.s32 $0x0  }
.LBB2_2:
0x15: {  	p0 =	sne.s32 s23, $0x1FC0;
	[tilespmem:s24+$0x4F00] =	vst v0;
	s24 =	smov.u32 s23;
	s23 =	sadd.s32 $0x40, s23  }
.Ltmp0:
0x16: {  	(pc) =	sbr.rel @p0 .LBB2_2-.Ltmp0, $2  }
0x17: {  	_ =	sdelay $0x2  }
0x18: {  	s24 =	sshra.s32 s24, $0x2  }
0x19: {  	[tilespmem:s24+$0x4F00] =	vst v0  }
0x1a: {  	[spmem:s6] =	stream.linear.scatter [tilespmem:s16], [sflag:$0x3], $0x800, $0x38;
	[tilespmem:$0xB700] =	vst v63  }
0x1b: {  	_ =	swait.ge [sflag:s17], $0x800  }
0x1c: {  	[sflag:s17] =	ssyncset.done $0x0  }
0x1d: {  	[sflag:s17] =	ssyncadd.s32 $0xFFFFF800  }
0x1e: {  	[spmem:s11] =	stream.linear.scatter [tilespmem:s16], [sflag:$0x3], $0x800, $0x38;
	[tilespmem:$0xB700] =	vst v63  }
0x1f: {  	_ =	swait.ge [sflag:s17], $0x800  }
0x20: {  	[sflag:s17] =	ssyncset.done $0x0  }
0x21: {  	[sflag:s17] =	ssyncadd.s32 $0xFFFFF800  }
0x22: {  	[spmem:s12] =	stream.linear.scatter [tilespmem:s16], [sflag:$0x3], $0x800, $0x38;
	[tilespmem:$0xB700] =	vst v63  }
0x23: {  	_ =	swait.ge [sflag:s17], $0x800  }
0x24: {  	[sflag:s17] =	ssyncset.done $0x0  }
0x25: {  	[sflag:s17] =	ssyncadd.s32 $0xFFFFF800  }
0x26: {  	[spmem:s13] =	stream.linear.scatter [tilespmem:s16], [sflag:$0x3], $0x800, $0x38;
	[tilespmem:$0xB700] =	vst v63  }
0x27: {  	_ =	swait.ge [sflag:s17], $0x800  }
0x28: {  	[sflag:s17] =	ssyncset.done $0x0  }
0x29: {  	[sflag:s17] =	ssyncadd.s32 $0xFFFFF800  }
0x2a: {  	[spmem:s14] =	stream.linear.scatter [tilespmem:s16], [sflag:$0x3], $0x800, $0x38;
	[tilespmem:$0xB700] =	vst v63  }
0x2b: {  	_ =	swait.ge [sflag:s17], $0x800  }
0x2c: {  	[sflag:s17] =	ssyncset.done $0x0  }
0x2d: {  	s23 =	simm.s32 $0x0;
	[sflag:s17] =	ssyncadd.s32 $0xFFFFF800  }
0x2e: {  	[tilespmem:s23], [sflag:$0x3] =	stream.linear.gather [hbm4b:s7+s23], $0x2780, $0x38;
	[tilespmem:$0xB700] =	vst v63  }
0x2f: {  	_ =	swait.ge [sflag:s17], $0x2780  }
0x30: {  	[sflag:s17] =	ssyncset.done $0x0  }
0x31: {  	[sflag:s17] =	ssyncadd.s32 $0xFFFFD880  }
0x32: {  	[tilespmem:s18], [sflag:$0x3] =	stream.linear.gather [hbm4b:s8+s23], $0x2780, $0x38;
	[tilespmem:$0xB700] =	vst v63  }
0x33: {  	_ =	swait.ge [sflag:s17], $0x2780  }
0x34: {  	[sflag:s17] =	ssyncset.done $0x0  }
0x35: {  	[sflag:s17] =	ssyncadd.s32 $0xFFFFD880  }
0x36: {  	[bflag:$0x0] =	sbarrier.arrive $0xFFFF  }
0x37: {  	[tilespmem:s16], [sflag:$0x1] =	stream.indirect.gather [hbm4b:s4+s19], $0x10, s23, s19, $0xb8;
	[tilespmem:$0xB700] =	vst v63  }
0x38: {  	s0 =	simm.s32 $0x5700  }
0x39: {  	[tilespmem:s0], [sflag:$0x1] =	stream.indirect.gather [hbm4b:s4+s19], $0x10, s19, s19, $0xb8;
	[tilespmem:$0xB700] =	vst v63  }
0x3a: {  	s1 =	simm.s32 $0x5F00;
	s23 =	simm.s32 $0x100  }
0x3b: {  	[tilespmem:s1], [sflag:$0x1] =	stream.indirect.gather [hbm4b:s4+s19], $0x10, s23, s19, $0xb8;
	[tilespmem:$0xB700] =	vst v63  }
0x3c: {  	s24 =	simm.s32 $0x180;
	s26 =	simm.s32 $0x6700  }
0x3d: {  	[tilespmem:s26], [sflag:$0x1] =	stream.indirect.gather [hbm4b:s4+s19], $0x10, s24, s19, $0xb8;
	[tilespmem:$0xB700] =	vst v63  }
0x3e: {  	s1 =	simm.s32 $0x200;
	s23 =	simm.s32 $0x6F00  }
0x3f: {  	[tilespmem:s23], [sflag:$0x1] =	stream.indirect.gather [hbm4b:s4+s19], $0x10, s1, s19, $0xb8;
	[tilespmem:$0xB700] =	vst v63  }
0x40: {  	s24 =	simm.s32 $0x280;
	s26 =	simm.s32 $0x7700  }
0x41: {  	[tilespmem:s26], [sflag:$0x1] =	stream.indirect.gather [hbm4b:s4+s19], $0x10, s24, s19, $0xb8;
	[tilespmem:$0xB700] =	vst v63  }
0x42: {  	s23 =	simm.s32 $0x300;
	s24 =	simm.s32 $0x7F00  }
0x43: {  	[tilespmem:s24], [sflag:$0x1] =	stream.indirect.gather [hbm4b:s4+s19], $0x10, s23, s19, $0xb8;
	[tilespmem:$0xB700] =	vst v63  }
0x44: {  	s26 =	simm.s32 $0x380  }
0x45: {  	[tilespmem:s20], [sflag:$0x1] =	stream.indirect.gather [hbm4b:s4+s19], $0x10, s26, s19, $0xb8;
	[tilespmem:$0xB700] =	vst v63  }
0x46: {  	_ =	swait.ge [sflag:s21], $0x800  }
0x47: {  	s29 =	simm.s32 $0x10000;
	p1 =	sne.s32 s15, $0x1;
	[sflag:s21] =	ssyncset.done $0x0  }
0x48: {  	p0 =	sle.u32 s5, $0x8;
	s26 =	simm.s32 $0x2000;
	[sflag:s21] =	ssyncadd.s32 $0xFFFFF800  }
0x49: {  	[spmem:s2] =	stream.indirect.scatter.add.f32 [tilespmem:s16], [sflag:$0x2], $0x10, s18, s19, $0xb8;
	[tilespmem:$0xB700] =	vst v63  }
0x4a: {  	s29 =	sand.u32 @!p0 $0xE000, s29;
	s28 =	sand.u32 $0xE000, s26;
	_ =	swait.ge [sflag:s21], $0x800  }
0x4b: {  	s23 =	simm.s32 $0x2800;
	s28 =	sshrl.u32 s28, $0x2;
	[sflag:s21] =	ssyncset.done $0x0  }
.Ltmp1:
0x4c: {  	s28 =	sadd.s32 $0x4F00, s28;
	[sflag:s21] =	ssyncadd.s32 $0xFFFFF800;
	(pc) =	sbr.rel @!p1 .LBB2_5-.Ltmp1, $4  }
0x4d: {  	[spmem:s2] =	stream.indirect.scatter.add.f32 [tilespmem:s28], [sflag:$0x2], $0x10, s23, s19, $0xb8;
	[tilespmem:$0xB700] =	vst v63  }
0x4e: {  	s30 =	simm.s32 @!p0 $0x80;
	s31 =	sshrl.u32 @!p0 s29, $0x2;
	_ =	swait.ge [sflag:s22], $0x800  }
0x4f: {  	s29 =	simm.s32 $0x480;
	s24 =	simm.s32 $0x400;
	[sflag:s22] =	ssyncset.done $0x0  }
0x50: {  	s26 =	simm.s32 $0x1;
	s28 =	simm.s32 $0x12000;
	[sflag:s22] =	ssyncadd.s32 $0xFFFFF800  }
.LBB2_4:
0x51: {  	s31 =	sadd.s32 @!p0 $0x4F00, s31;
	s23 =	sadd.s32 $0x80, s23  }
0x52: {  	s0 =	smov.u32 s26;
	s26 =	sadd.s32 $0x1, s26;
	s1 =	smov.u32 s28  }
0x53: {  	[tilespmem:s31], [sflag:$0x1] =	stream.indirect.gather @!p0 [hbm4b:s4+s30], $0x10, s24, s30, $0xb8;
	[tilespmem:$0xB700] =	vst v63  }
0x54: {  	p1 =	sne.s32 s15, s26;
	s24 =	smov.u32 s29  }
0x55: {  	s30 =	sadd.s32 $0xFFFF2000, s28  }
0x56: {  	s30 =	sand.u32 $0xE000, s30;
	_ =	swait.ge [sflag:s21], $0x800  }
0x57: {  	s0 =	sadd.s32 $0x8, s0;
	s30 =	sshrl.u32 s30, $0x2;
	[sflag:s21] =	ssyncset.done $0x0  }
.Ltmp2:
0x58: {  	s30 =	sadd.s32 $0x4F00, s30;
	[sflag:s21] =	ssyncadd.s32 $0xFFFFF800;
	(pc) =	sbr.rel @p1 .LBB2_4-.Ltmp2, $4  }
0x59: {  	[spmem:s2] =	stream.indirect.scatter.add.f32 [tilespmem:s30], [sflag:$0x2], $0x10, s23, s19, $0xb8;
	[tilespmem:$0xB700] =	vst v63  }
0x5a: {  	s28 =	sadd.s32 $0x2000, s28;
	p0 =	sge.u32 s0, s5;
	_ =	swait.ge [sflag:s22], $0x800  }
0x5b: {  	s0 =	sand.u32 @!p0 $0xE000, s1;
	s30 =	simm.s32 @!p0 $0x80;
	[sflag:s22] =	ssyncset.done $0x0  }
0x5c: {  	s29 =	sadd.s32 $0x80, s29;
	s31 =	sshrl.u32 @!p0 s0, $0x2;
	[sflag:s22] =	ssyncadd.s32 $0xFFFFF800  }
.LBB2_5:
0x5d: {  	s0 =	sadd.s32 @!p0 $0x4F00, s31  }
0x5e: {  	[tilespmem:s0], [sflag:$0x1] =	stream.indirect.gather @!p0 [hbm4b:s4+s30], $0x10, s24, s30, $0xb8;
	[tilespmem:$0xB700] =	vst v63  }
0x5f: {  	_ =	swait.ge [sflag:s22], $0x800  }
0x60: {  	s31 =	stileid.u32;
	s3 =	sadd.s32 $0x1, s3;
	[sflag:s22] =	ssyncset.done $0x0  }
0x61: {  	s0 =	sshll.u32 s31, $0x6;
	p0 =	sne.s32 s3, s10;
	[sflag:s22] =	ssyncadd.s32 $0xFFFFF800  }
.Ltmp3:
0x62: {  	s0 =	sor.u32 $0x1C03, s0;
	[bflag:$0x0] =	sbarrier.arrive $0xFFFF;
	(pc) =	sbr.rel @p0 .LBB2_1-.Ltmp3, $4  }
0x63: {  	[hbm:s9], [sflag:s0] =	dma.local [spmem:s25], $0x500  }
0x64: {  	_ =	swait.ge [sflag:s17], $0x500  }
0x65: {  	[sflag:s17] =	ssyncset.done $0x0  }
0x66: {  	[sflag:s17] =	ssyncadd.s32 $0xFFFFFB00  }
0x67: {  	_ =	sfence.sel $0x180000  }
0x68: {  	[bflag:$0x0] =	sbarrier.arrive $0xFFFF  }
0x69: {  	_ =	strace $0x9000004A  }
0x6a: {  	s0 =	stileid.u32;
	[bflag:$0x2] =	sbarrier.arrive $0xFFFF  }
0x6b: {  	p0 =	sne.s32 s0, $0x0;
	s0 =	rddreg [dreg:$0x4]  }
0x6c: {  	s0 =	sadd.s32 @!p0 $0x100000, s0  }
0x6d: {  	[sflag:s0] =	ssyncadd.tile.s32 @!p0 $0x1;
	_ =	shalt  }
.Lfunc_end2:
_tile_overlayer_lowered:
.L_overlay_start_2:
0x6e: {  	(tag) =	ssettag $0x2  }
0x6f: {  	s0 =	rddreg [dreg:$0x0];
	s2 =	stileid.u32  }
0x70: {  	s1 =	rddreg [dreg:$0x1];
	p0 =	sne.s32 s2, $0x0  }
0x71: {  	s3 =	rddreg [dreg:$0x2];
	[bflag:$0x3] =	sbarrier.arrive $0xFFFF;
	s2 =	simm.s32 @!p0 $0x1C03  }
0x72: {  	[timem:s3], [sflag:s2] =	dma.local @!p0 [hbm:s0], s1  }
0x73: {  	s0 =	simm.s32 @!p0 $0x3  }
0x74: {  	_ =	swait.ge @!p0 [sflag:s0], s1  }
0x75: {  	s1 =	ssub.s32 @!p0 $0x0, s1;
	[sflag:s0] =	ssyncset.done @!p0 $0x0  }
0x76: {  	[sflag:s0] =	ssyncadd.s32 @!p0 s1  }
0x77: {  	[bflag:$0x3] =	sbarrier.arrive $0xFFFF  }
0x78: {  	_ =	shalt  }

// kernel: _run.15.cloned.1.call-start
scs
__scs_entry_jumppad:
0x0: {  	(pc) =	sbr.rel $0x88, $3  }
0x1: {  	(tag) =	ssettag $0x0;
	lr =	simm.s32 $0x1  }
0x2: {  	[smem:$0x3F9B] =	sst lr;
	_ =	strace $0xD0000000  }
0x3: {  	_ = 	snop  }
0x4: {  	_ = 	snop  }
0x5: {  	_ = 	snop  }
0x6: {  	_ = 	snop  }
0x7: {  	_ = 	snop  }
__scs_overlays_trampoline_lowered:
0x8: {  	[smem:$0x3FAA] =	sst s0  }
0x9: {  	[smem:$0x3FAB] =	sst s1  }
0xa: {  	[smem:$0x3FAC] =	sst s2  }
0xb: {  	[smem:$0x3FAD] =	sst s3  }
0xc: {  	[smem:$0x3FAE] =	sst s4  }
0xd: {  	[smem:$0x3FAF] =	sst s5  }
0xe: {  	[smem:$0x3FB0] =	sst s6  }
0xf: {  	[smem:$0x3FB1] =	sst s7  }
0x10: {  	[smem:$0x3FB2] =	sst s8  }
0x11: {  	[smem:$0x3FB3] =	sst s9;
	s0 =	simm.s32 @!p0 $0x0  }
0x12: {  	s1 =	sld [smem:$0x3F99];
	s0 =	simm.s32 @p0 $0x1  }
0x13: {  	[smem:$0x3FB4] =	sst s0;
	s0 =	simm.s32 @!p1 $0x0  }
0x14: {  	s2 =	sld [smem:$0x3F98];
	s0 =	simm.s32 @p1 $0x1  }
0x15: {  	[smem:$0x3FB5] =	sst s0;
	s0 =	simm.s32 @!p2 $0x0  }
0x16: {  	s3 =	sld [smem:$0x3FDB];
	s0 =	simm.s32 @p2 $0x1  }
0x17: {  	s4 =	simm.s32 $0x1BF5;
	[smem:$0x3FB7] =	sst s0  }
0x18: {  	s0 =	sld [smem:$0x3F9A];
	_ =	swait.ge [sflag:s4], $0x0  }
0x19: {  	s7 =	sld [smem:$0x3F9B]  }
0x1a: {  	s8 =	sadd.s32 $0xFFFFE003, lr  }
0x1b: {  	s9 =	sadd.s32 $0xFFFFFEF7, lr;
	s5 =	simm.s32 $0xFFFFFFFF;
	p2 =	slt.u32 s8, $0xFFFFF086  }
0x1c: {  	p1 =	slt.u32 s9, $0xF7A;
	s5 =	simm.s32 @!p2 $0x0  }
0x1d: {  	s5 =	simm.s32 @p1 $0x1;
	p0 =	seq.s32 s7, s2  }
0x1e: {  	s7 =	smul.u32 @!p0 $0xF7A, s2;
	p2 =	seq.s32 @!p0 s5, $0x0  }
0x1f: {  	s9 =	smul.u32 $0xF7A, s1;
	s8 =	simm.s32 @!p0 $0x1BF5;
	p2 =	por !p2, p0  }
0x20: {  	[sflag:s8] =	ssyncset.s32 @!p0 $0xFFFFF086;
	s6 =	sadd.s32 @!p0 s3, s7;
	s7 =	simm.s32 @!p0 $0x108  }
0x21: {  	s3 =	sadd.s32 s3, s9;
	s6 =	sadd.s32 @!p0 $0x88, s6;
	s7 =	simm.s32 @p2 $0x1082  }
0x22: {  	[simem:s7], [sflag:s8] =	dma.local @!p0 [hbm:s6], $0xF7A  }
0x23: {  	s9 =	sor.u32 $0xD0000000, s2;
	s6 =	simm.s32 $0x108;
	_ =	swait.ge @!p0 [sflag:s8], $0x0  }
0x24: {  	s3 =	sadd.s32 $0x88, s3;
	s6 =	simm.s32 @!p1 $0x1082;
	[sflag:s4] =	ssyncset.s32 $0xFFFFF086  }
0x25: {  	[simem:s6], [sflag:s4] =	dma.local [hbm:s3], $0xF7A  }
0x26: {  	[smem:$0x3F9B] =	sst s1;
	(tag) =	ssettag s2;
	_ =	strace s9  }
0x27: {  	s1 =	sld [smem:$0x3FAB]  }
0x28: {  	s2 =	sld [smem:$0x3FAC]  }
0x29: {  	s4 =	sld [smem:$0x3FAE]  }
0x2a: {  	p0 =	seq.s32 s5, $0x0;
	s5 =	sld [smem:$0x3FAF]  }
0x2b: {  	s6 =	sld [smem:$0x3FB0]  }
0x2c: {  	s7 =	sld [smem:$0x3FB1]  }
0x2d: {  	s3 =	simm.s32 $0x108;
	s8 =	sld [smem:$0x3FB2]  }
0x2e: {  	s3 =	simm.s32 @!p0 $0x1082;
	s9 =	sld [smem:$0x3FB3]  }
0x2f: {  	lr =	sadd.s32 s0, s3;
	s0 =	sld [smem:$0x3FAA]  }
0x30: {  	s3 =	sld [smem:$0x3FAD]  }
0x31: {  	[smem:$0x3FB6] =	sst s10  }
0x32: {  	s10 =	sld [smem:$0x3FB4];
	_ =	sdelay $0x3  }
0x33: {  	p0 =	seq.s32 s10, $0x1;
	s10 =	sld [smem:$0x3FB6];
	_ =	sdelay $0x3  }
0x34: {  	[smem:$0x3FB6] =	sst s10  }
0x35: {  	s10 =	sld [smem:$0x3FB5];
	_ =	sdelay $0x3  }
0x36: {  	p1 =	seq.s32 s10, $0x1;
	s10 =	sld [smem:$0x3FB6];
	_ =	sdelay $0x3  }
0x37: {  	[smem:$0x3FB6] =	sst s10  }
0x38: {  	s10 =	sld [smem:$0x3FB7]  }
0x39: {  	_ = 	snop;
	(pc) =	sbr.ind lr, $3  }
0x3a: {  	_ = 	snop  }
0x3b: {  	_ = 	snop  }
0x3c: {  	p2 =	seq.s32 s10, $0x1;
	s10 =	sld [smem:$0x3FB6]  }
0x3d: {  	_ =	shalt  }
0x3e: {  	_ =	shalt  }
0x3f: {  	_ =	shalt  }
0x40: {  	_ =	shalt  }
0x41: {  	_ =	shalt  }
0x42: {  	_ =	shalt  }
0x43: {  	_ =	shalt  }
0x44: {  	_ =	shalt  }
0x45: {  	_ =	shalt  }
0x46: {  	_ =	shalt  }
0x47: {  	_ =	shalt  }
0x48: {  	_ =	shalt  }
0x49: {  	_ =	shalt  }
0x4a: {  	_ =	shalt  }
0x4b: {  	_ =	shalt  }
0x4c: {  	_ =	shalt  }
0x4d: {  	_ =	shalt  }
0x4e: {  	_ =	shalt  }
0x4f: {  	_ =	shalt  }
0x50: {  	_ =	shalt  }
0x51: {  	_ =	shalt  }
0x52: {  	_ =	shalt  }
0x53: {  	_ =	shalt  }
0x54: {  	_ =	shalt  }
0x55: {  	_ =	shalt  }
0x56: {  	_ =	shalt  }
0x57: {  	_ =	shalt  }
0x58: {  	_ =	shalt  }
0x59: {  	_ =	shalt  }
0x5a: {  	_ =	shalt  }
0x5b: {  	_ =	shalt  }
0x5c: {  	_ =	shalt  }
0x5d: {  	_ =	shalt  }
0x5e: {  	_ =	shalt  }
0x5f: {  	_ =	shalt  }
0x60: {  	_ =	shalt  }
0x61: {  	_ =	shalt  }
0x62: {  	_ =	shalt  }
0x63: {  	_ =	shalt  }
0x64: {  	_ =	shalt  }
0x65: {  	_ =	shalt  }
0x66: {  	_ =	shalt  }
0x67: {  	_ =	shalt  }
0x68: {  	_ =	shalt  }
0x69: {  	_ =	shalt  }
0x6a: {  	_ =	shalt  }
0x6b: {  	_ =	shalt  }
0x6c: {  	_ =	shalt  }
0x6d: {  	_ =	shalt  }
0x6e: {  	_ =	shalt  }
0x6f: {  	_ =	shalt  }
0x70: {  	_ =	shalt  }
0x71: {  	_ =	shalt  }
0x72: {  	_ =	shalt  }
0x73: {  	_ =	shalt  }
0x74: {  	_ =	shalt  }
0x75: {  	_ =	shalt  }
0x76: {  	_ =	shalt  }
0x77: {  	_ =	shalt  }
0x78: {  	_ =	shalt  }
0x79: {  	_ =	shalt  }
0x7a: {  	_ =	shalt  }
0x7b: {  	_ =	shalt  }
0x7c: {  	_ =	shalt  }
0x7d: {  	_ =	shalt  }
0x7e: {  	_ =	shalt  }
0x7f: {  	_ =	shalt  }
0x80: {  	_ =	shalt  }
0x81: {  	_ =	shalt  }
0x82: {  	_ =	shalt  }
0x83: {  	_ =	shalt  }
0x84: {  	_ =	shalt  }
0x85: {  	_ =	shalt  }
0x86: {  	_ =	shalt  }
0x87: {  	_ =	shalt  }
.Lfunc_end0:
.L_simem_size_0:
called_computation.2_lowered:
.L_overlay_start_0:
0x88: {  	s2 =	sld [smem:$0x3FD9]  }
0x89: {  	s3 =	sld [smem:$0x3FFE];
	_ =	sdelay $0x1  }
0x8a: {  	s1 =	srdreg.scid  }
0x8b: {  	s0 =	sand.u32 $0x1, s1  }
0x8c: {  	s14 =	sshll.u32 s0, $0xA;
	s2 =	sadd.s32 s3, s2  }
0x8d: {  	s2 =	sadd.s32 s2, s14  }
0x8e: {  	[smem:$0x3FC2] =	sst s2  }
0x8f: {  	_ = 	snop  }
0x90: {  	s2 =	sld [smem:$0x3FD0];
	_ =	sdelay $0x2  }
0x91: {  	s15 =	simm.s32 $0xA;
	s4 =	simm.s32 $0x10  }
0x92: {  	[smem:s4], [sflag:s15] =	dma.local [hbm:s2], $0x1  }
0x93: {  	_ =	swait.eq [sflag:s15], $0x1  }
0x94: {  	[sflag:s15] =	ssyncset.done $0x0  }
0x95: {  	s16 =	sld [smem:$0x10];
	[sflag:s15] =	ssyncadd.s32 $0xFFFFFFFF  }
0x96: {  	s17 =	sld [smem:$0x11];
	(tm) =	ssettm $0x1  }
0x97: {  	s18 =	sld [smem:$0x3FFB];
	_ =	sdelay $0x3  }
0x98: {  	_ =	strace s18  }
0x99: {  	s4 =	sld [smem:$0x3FFC];
	_ =	sdelay $0x3  }
0x9a: {  	_ =	strace s4  }
0x9b: {  	s4 =	sld [smem:$0x3FFD];
	_ =	sdelay $0x3  }
0x9c: {  	_ =	strace s4  }
0x9d: {  	_ =	strace $0x8FFFFFFF  }
0x9e: {  	s19 =	sld [smem:$0x3FDB];
	_ =	sdelay $0x1  }
0x9f: {  	s5 =	simm.s32 $_scs_section_size  }
0xa0: {  	s6 =	simm.s32 $_size__tile_overlayer_lowered;
	s7 =	simm.s32 $_tile_overlayer_lowered  }
0xa1: {  	s22 =	simm.s32 $0x1BFF;
	s21 =	sshll.u32 s7, $0x1;
	s4 =	sadd.s32 s5, s19  }
0xa2: {  	s8 =	simm.s32 $0x0;
	s20 =	sshll.u32 s6, $0x1;
	s6 =	sadd.s32 s21, s4  }
0xa3: {  	[timem:s8], [sflag:s22] =	dma.local [hbm:s6], s20  }
0xa4: {  	_ =	swait.ge [sflag:s22], s20  }
0xa5: {  	s5 =	ssub.s32 $0x0, s20;
	[sflag:s22] =	ssyncset.done $0x0  }
0xa6: {  	[sflag:s22] =	ssyncadd.s32 s5;
	_ =	sdelay $0x1  }
0xa7: {  	s23 =	simm.s32 $0x1B8B  }
0xa8: {  	_ =	swait.ge [sflag:s23], $0x1  }
0xa9: {  	[sflag:s23] =	ssyncset.done $0x0  }
0xaa: {  	s25 =	simm.s32 $0x1B8E;
	s24 =	sld [smem:$0x3FFE];
	[sflag:s23] =	ssyncadd.s32 $0xFFFFFFFF  }
0xab: {  	s26 =	simm.s32 $execute0_lowered;
	[smem:$0x3FD2] =	sst s25  }
0xac: {  	s6 =	sshll.u32 s26, $0x1;
	_ =	strace $0x8000004C;
	[dreg:$0x1] =	wrdreg $0xFFFFFFFF  }
0xad: {  	s28 =	simm.s32 $_size_execute0_lowered;
	s4 =	sadd.s32 s4, s6;
	[dreg:$0x0] =	wrdreg $0x0  }
0xae: {  	s6 =	sshll.u32 s28, $0x1;
	[dreg:$0x2] =	wrdreg s4  }
0xaf: {  	[dreg:$0x3] =	wrdreg s6  }
0xb0: {  	[dreg:$0x4] =	wrdreg $0xC0  }
0xb1: {  	_ =	task [dreg:s8], $0x5FFFF  }
0xb2: {  	[dreg:$0x1] =	wrdreg $0xFFFFFFFF  }
0xb3: {  	[dreg:$0x0] =	wrdreg $0x60  }
0xb4: {  	[dreg:$0x2] =	wrdreg s17  }
0xb5: {  	[dreg:$0x3] =	wrdreg s16  }
0xb6: {  	[dreg:$0x4] =	wrdreg s24  }
0xb7: {  	[dreg:$0x5] =	wrdreg $0x10F000  }
0xb8: {  	[dreg:$0x6] =	wrdreg $0x9  }
0xb9: {  	_ =	task.clear_ibuf [dreg:s8], $0x7FFFF;
	_ =	strace $0x9000004C  }
0xba: {  	s29 =	simm.s32 $0x9;
	_ =	strace $0x8000004E  }
0xbb: {  	_ =	swait.ge [sflag:s29], $0x1  }
0xbc: {  	[sflag:s29] =	ssyncadd.s32 $0xFFFFFFFF  }
0xbd: {  	_ =	strace $0x9000004E  }
0xbe: {  	_ =	sfence  }
0xbf: {  	s30 =	sld [smem:$0x0];
	_ =	sdelay $0x2  }
0xc0: {  	s31 =	sshll.u32 s1, $0xD;
	s1 =	sshrl.u32 s1, $0x2  }
0xc1: {  	s3 =	sand.u32 $0x4000, s31;
	s1 =	sadd.s32 s1, s30  }
0xc2: {  	s0 =	sor.u32 s3, s0;
	s1 =	sshll.u32 s1, $0x11  }
0xc3: {  	s0 =	sor.u32 s1, s0  }
0xc4: {  	s0 =	sadd.s32 $0x8F2B, s0  }
0xc5: {  	[sflag:s0] =	ssyncadd.remote.s32 $0x1  }
0xc6: {  	_ =	sfence.sel $0xFFFF  }
0xc7: {  	[dreg:$0x0] =	wrdreg $0xFFFFFFFF;
	(pc) =	sbr.abs _section_cstart, $3  }
0xc8: {  	[dreg:$0x1] =	wrdreg $0xFFFFFFFF  }
0xc9: {  	_ =	task.clear_ibuf [dreg:s8], $0x2FFFF;
	_ =	strace $0x9FFFFFFF  }
0xca: {  	(tm) =	ssettm $0x7FFFFFFF  }
0xcb: {  	_ =	shalt  }
tec
execute0_lowered:
.L_overlay_start_1:
0x0: {  	(tag) =	ssettag $0x1  }
0x1: {  	s0 =	rddreg [dreg:$0x0]  }
0x2: {  	s1 =	rddreg [dreg:$0x1]  }
0x3: {  	s2 =	srdreg.scid;
	s5 =	rddreg [dreg:$0x2]  }
0x4: {  	s11 =	stileid.u32;
	s3 =	rddreg [dreg:$0x3]  }
0x5: {  	s4 =	simm.s32 $0x0;
	s15 =	simm.s32 $0x3;
	s16 =	simm.s32 $0x80  }
0x6: {  	s28 =	simm.s32 $0x2;
	s2 =	sand.u32 $0x1, s2;
	s10 =	smul.u32 $0xA000, s11  }
0x7: {  	s7 =	sshll.u32 s11, $0x1;
	[smem:$0x7FF] =	sst s4;
	s29 =	smul.u32 $0x28000, s11  }
0x8: {  	p0 =	sgt.u32 s11, $0xD;
	s6 =	smul.u32 $0xA0000, s2;
	s7 =	sor.u32 s2, s7  }
0x9: {  	_ =	strace $0x8000004D;
	s2 =	ssub.s32 $0x2, s2;
	s8 =	smul.u32 $0x4E, s7  }
0xa: {  	s25 =	smax.u32 s7, $0x1C;
	s26 =	sshrl.u32 s2, $0x1;
	s7 =	sshrl.u32 s29, $0x2  }
0xb: {  	s31 =	sadd.s32 s10, s3;
	s6 =	sadd.s32 s10, s6;
	s2 =	ssub.s32 s2, s26  }
0xc: {  	s26 =	simm.s32 $0x1;
	s6 =	sshrl.u32 s6, $0x3;
	s10 =	smax.u32 s2, $0x1  }
0xd: {  	s9 =	sadd.s32 s6, s5;
	s5 =	sadd.s32 s8, s25;
	s6 =	sadd.s32 s7, s3  }
0xe: {  	s25 =	sshrl.u32 s31, $0x3;
	s30 =	sshll.u32 s5, $0x4;
	s5 =	simm.s32 $0x4F  }
0xf: {  	s9 =	sadd.s32 $0x2AE00, s9;
	s11 =	sadd.s32 $0x2000, s6;
	s12 =	sadd.s32 $0x4000, s6  }
0x10: {  	s13 =	sadd.s32 $0x6000, s6;
	s14 =	sadd.s32 $0x8000, s6;
	s0 =	sadd.s32 s0, s30  }
0x11: {  	v0 =	vimm.f32 $0.0e+00;
	s5 =	simm.s32 @!p0 $0x4E;
	s7 =	sadd.s32 $0xFFFFFE40, s0;
	s8 =	sadd.s32 $0x9A80, s0  }
.LBB2_1:
0x12: {  	s2 =	simm.s32 $0x100;
	s0 =	simm.s32 $0x0  }
.LBB2_2:
0x13: {  	p0 =	sne.s32 s2, $0x7F00;
	[tilespmem:s0+$0x4F30] =	vst v0;
	s17 =	smov.u32 s2;
	s2 =	sadd.s32 $0x100, s2  }
.Ltmp0:
0x14: {  	[tilespmem:s0+$0x4F20] =	vst v0;
	(pc) =	sbr.rel @p0 .LBB2_2-.Ltmp0, $3  }
0x15: {  	[tilespmem:s0+$0x4F00] =	vst v0  }
0x16: {  	[tilespmem:s0+$0x4F10] =	vst v0;
	_ =	sdelay $0x1  }
0x17: {  	s0 =	sshra.s32 s17, $0x2  }
0x18: {  	[tilespmem:s0+$0x4F30] =	vst v0  }
0x19: {  	[tilespmem:s0+$0x4F20] =	vst v0  }
0x1a: {  	[tilespmem:s0+$0x4F00] =	vst v0  }
0x1b: {  	[tilespmem:s0+$0x4F10] =	vst v0;
	s22 =	simm.s32 $0x4F00  }
0x1c: {  	[spmem:s6] =	stream.linear.scatter [tilespmem:s22], [sflag:$0x3], $0x2000, $0x38;
	[tilespmem:$0x1AF00] =	vst v63  }
0x1d: {  	_ =	swait.ge [sflag:s15], $0x2000  }
0x1e: {  	[sflag:s15] =	ssyncset.done $0x0  }
0x1f: {  	[sflag:s15] =	ssyncadd.s32 $0xFFFFE000  }
0x20: {  	[spmem:s11] =	stream.linear.scatter [tilespmem:s22], [sflag:$0x3], $0x2000, $0x38;
	[tilespmem:$0x1AF00] =	vst v63  }
0x21: {  	_ =	swait.ge [sflag:s15], $0x2000  }
0x22: {  	[sflag:s15] =	ssyncset.done $0x0  }
0x23: {  	[sflag:s15] =	ssyncadd.s32 $0xFFFFE000  }
0x24: {  	[spmem:s12] =	stream.linear.scatter [tilespmem:s22], [sflag:$0x3], $0x2000, $0x38;
	[tilespmem:$0x1AF00] =	vst v63  }
0x25: {  	_ =	swait.ge [sflag:s15], $0x2000  }
0x26: {  	[sflag:s15] =	ssyncset.done $0x0  }
0x27: {  	[sflag:s15] =	ssyncadd.s32 $0xFFFFE000  }
0x28: {  	[spmem:s13] =	stream.linear.scatter [tilespmem:s22], [sflag:$0x3], $0x2000, $0x38;
	[tilespmem:$0x1AF00] =	vst v63  }
0x29: {  	_ =	swait.ge [sflag:s15], $0x2000  }
0x2a: {  	[sflag:s15] =	ssyncset.done $0x0  }
0x2b: {  	[sflag:s15] =	ssyncadd.s32 $0xFFFFE000  }
0x2c: {  	[spmem:s14] =	stream.linear.scatter [tilespmem:s22], [sflag:$0x3], $0x2000, $0x38;
	[tilespmem:$0x1AF00] =	vst v63  }
0x2d: {  	_ =	swait.ge [sflag:s15], $0x2000  }
0x2e: {  	[sflag:s15] =	ssyncset.done $0x0  }
0x2f: {  	s2 =	simm.s32 $0x0;
	[sflag:s15] =	ssyncadd.s32 $0xFFFFE000  }
0x30: {  	[tilespmem:s2], [sflag:$0x3] =	stream.linear.gather [hbm4b:s7+s2], $0x2780, $0x38;
	[tilespmem:$0x1AF00] =	vst v63  }
0x31: {  	_ =	swait.ge [sflag:s15], $0x2780  }
0x32: {  	[sflag:s15] =	ssyncset.done $0x0  }
0x33: {  	s18 =	simm.s32 $0x2780;
	[sflag:s15] =	ssyncadd.s32 $0xFFFFD880  }
0x34: {  	[tilespmem:s18], [sflag:$0x3] =	stream.linear.gather [hbm4b:s8+s2], $0x2780, $0x38;
	[tilespmem:$0x1AF00] =	vst v63  }
0x35: {  	_ =	swait.ge [sflag:s15], $0x2780  }
0x36: {  	[sflag:s15] =	ssyncset.done $0x0  }
0x37: {  	[sflag:s15] =	ssyncadd.s32 $0xFFFFD880  }
0x38: {  	s23 =	simm.s32 $0x6F00;
	[bflag:$0x0] =	sbarrier.arrive $0xFFFF  }
0x39: {  	[tilespmem:s22], [sflag:$0x1] =	stream.indirect.gather [hbm4b:s1+s16], $0x40, s2, s16, $0xb8;
	[tilespmem:$0x1AF00] =	vst v63  }
0x3a: {  	s24 =	simm.s32 $0x100;
	s17 =	simm.s32 $0x8F00;
	s19 =	simm.s32 $0x180  }
0x3b: {  	[tilespmem:s23], [sflag:$0x1] =	stream.indirect.gather [hbm4b:s1+s16], $0x40, s16, s16, $0xb8;
	[tilespmem:$0x1AF00] =	vst v63  }
0x3c: {  	s20 =	simm.s32 $0xAF00;
	s21 =	simm.s32 $0x200;
	s29 =	simm.s32 $0x280  }
0x3d: {  	[tilespmem:s17], [sflag:$0x1] =	stream.indirect.gather [hbm4b:s1+s16], $0x40, s24, s16, $0xb8;
	[tilespmem:$0x1AF00] =	vst v63  }
0x3e: {  	s30 =	simm.s32 $0x1;
	p1 =	sne.s32 s5, $0x1;
	s24 =	smulhi.u32 $0xAAAAAAAB, s2  }
0x3f: {  	[tilespmem:s20], [sflag:$0x1] =	stream.indirect.gather [hbm4b:s1+s16], $0x40, s19, s16, $0xb8;
	[tilespmem:$0x1AF00] =	vst v63  }
0x40: {  	s31 =	simm.s32 $0x6F00;
	p0 =	por $0x1, $0x1;
	s0 =	sshrl.u32 s24, $0x2  }
0x41: {  	s22 =	simm.s32 $0xCF00;
	s19 =	simm.s32 $0xFFFFFFFF;
	s20 =	smul.u32 $0xFFFD0000, s0  }
0x42: {  	[tilespmem:s22], [sflag:$0x1] =	stream.indirect.gather [hbm4b:s1+s16], $0x40, s21, s16, $0xb8;
	[tilespmem:$0x1AF00] =	vst v63  }
0x43: {  	p2 =	sle.u32 @!p0 s5, $0x5;
	s23 =	simm.s32 $0xEF00;
	s19 =	smulhi.u32 $0xAAAAAAAB, s19  }
0x44: {  	[tilespmem:s23], [sflag:$0x1] =	stream.indirect.gather [hbm4b:s1+s16], $0x40, s29, s16, $0xb8;
	[tilespmem:$0x1AF00] =	vst v63  }
0x45: {  	p2 =	por p2, p0;
	s17 =	simm.s32 $0x2F00;
	_ =	swait.ge [sflag:s26], $0x2000  }
0x46: {  	s20 =	sshra.s32 s20, $0x2;
	s19 =	sshrl.u32 s19, $0x2;
	[sflag:s26] =	ssyncset.done $0x0  }
.Ltmp1:
0x47: {  	s20 =	sadd.s32 $0x4F00, s20;
	[sflag:s26] =	ssyncadd.s32 $0xFFFFE000;
	(pc) =	sbr.rel @!p1 .LBB2_5-.Ltmp1, $4  }
0x48: {  	[spmem:s3] =	stream.indirect.scatter.add.f32 [tilespmem:s20], [sflag:$0x2], $0x40, s18, s16, $0xb8;
	[tilespmem:$0x1AF00] =	vst v63  }
0x49: {  	s2 =	simm.s32 $0x0;
	s21 =	smul.u32 $0xFFFD0000, s19;
	s20 =	simm.s32 @!p0 $0x2  }
0x4a: {  	s0 =	simm.s32 $0x2800;
	s19 =	simm.s32 $0x300;
	_ =	swait.ge @!p0 [sflag:s20], $0x2000  }
0x4b: {  	s21 =	sshra.s32 s21, $0x2;
	s18 =	simm.s32 $0x4F00;
	[sflag:s20] =	ssyncset.done @!p0 $0x0  }
.LBB2_4:
0x4c: {  	s17 =	sadd.s32 s21, s17;
	[sflag:s20] =	ssyncadd.s32 @!p0 $0xFFFFE000;
	s20 =	simm.s32 @!p2 $0x80  }
0x4d: {  	s21 =	smov.u32 s30;
	s22 =	smov.u32 s31;
	s23 =	smov.u32 s2  }
0x4e: {  	[tilespmem:s17], [sflag:$0x1] =	stream.indirect.gather @!p2 [hbm4b:s1+s20], $0x40, s29, s20, $0xb8;
	[tilespmem:$0x1AF00] =	vst v63  }
0x4f: {  	s30 =	sadd.s32 $0x1, s30;
	s24 =	smov.u32 s0;
	s20 =	smulhi.u32 $0xAAAAAAAB, s21  }
0x50: {  	p1 =	sne.s32 s5, s30;
	s17 =	smov.u32 s18;
	s29 =	smov.u32 s19  }
0x51: {  	s31 =	sadd.s32 $0x2000, s31;
	s23 =	smulhi.u32 $0xAAAAAAAB, s23;
	s20 =	sshrl.u32 s20, $0x2  }
0x52: {  	s2 =	sadd.s32 $0x1, s2;
	s0 =	sadd.s32 $0x80, s0;
	s20 =	smul.u32 $0xFFFD0000, s20  }
0x53: {  	s18 =	sadd.s32 $0x2000, s18;
	p0 =	seq.s32 s21, $0x0;
	_ =	swait.ge [sflag:s26], $0x2000  }
0x54: {  	s23 =	sshrl.u32 s23, $0x2;
	s20 =	sshra.s32 s20, $0x2;
	[sflag:s26] =	ssyncset.done $0x0  }
.Ltmp2:
0x55: {  	s22 =	sadd.s32 s20, s22;
	[sflag:s26] =	ssyncadd.s32 $0xFFFFE000;
	(pc) =	sbr.rel @p1 .LBB2_4-.Ltmp2, $4  }
0x56: {  	s21 =	sadd.s32 @!p0 $0x5, s21;
	s23 =	smul.u32 $0xFFFD0000, s23;
	s20 =	simm.s32 @!p0 $0x2  }
0x57: {  	[spmem:s3] =	stream.indirect.scatter.add.f32 [tilespmem:s22], [sflag:$0x2], $0x40, s24, s16, $0xb8;
	[tilespmem:$0x1AF00] =	vst v63  }
0x58: {  	s19 =	sadd.s32 $0x80, s19;
	p2 =	sge.u32 @!p0 s21, s5;
	_ =	swait.ge @!p0 [sflag:s20], $0x2000  }
0x59: {  	p2 =	por p2, p0;
	s21 =	sshra.s32 s23, $0x2;
	[sflag:s20] =	ssyncset.done @!p0 $0x0  }
.LBB2_5:
0x5a: {  	s0 =	sadd.s32 s21, s17;
	[sflag:s20] =	ssyncadd.s32 @!p0 $0xFFFFE000;
	s2 =	simm.s32 @!p2 $0x80  }
0x5b: {  	[tilespmem:s0], [sflag:$0x1] =	stream.indirect.gather @!p2 [hbm4b:s1+s2], $0x40, s29, s2, $0xb8;
	[tilespmem:$0x1AF00] =	vst v63  }
0x5c: {  	_ =	swait.ge [sflag:s28], $0x2000  }
0x5d: {  	s31 =	stileid.u32;
	s4 =	sadd.s32 $0x1, s4;
	[sflag:s28] =	ssyncset.done $0x0  }
0x5e: {  	s0 =	sshll.u32 s31, $0x6;
	p0 =	sne.s32 s4, s10;
	[sflag:s28] =	ssyncadd.s32 $0xFFFFE000  }
.Ltmp3:
0x5f: {  	s0 =	sor.u32 $0x1C03, s0;
	[bflag:$0x0] =	sbarrier.arrive $0xFFFF;
	(pc) =	sbr.rel @p0 .LBB2_1-.Ltmp3, $4  }
0x60: {  	[hbm:s9], [sflag:s0] =	dma.local [spmem:s25], $0x1400  }
0x61: {  	_ =	swait.ge [sflag:s15], $0x1400  }
0x62: {  	[sflag:s15] =	ssyncset.done $0x0  }
0x63: {  	[sflag:s15] =	ssyncadd.s32 $0xFFFFEC00  }
0x64: {  	_ =	sfence.sel $0x180000  }
0x65: {  	[bflag:$0x0] =	sbarrier.arrive $0xFFFF  }
0x66: {  	_ =	strace $0x9000004D  }
0x67: {  	s0 =	stileid.u32;
	[bflag:$0x2] =	sbarrier.arrive $0xFFFF  }
0x68: {  	p0 =	sne.s32 s0, $0x0;
	s0 =	rddreg [dreg:$0x4]  }
0x69: {  	s0 =	sadd.s32 @!p0 $0x100000, s0  }
0x6a: {  	[sflag:s0] =	ssyncadd.tile.s32 @!p0 $0x1;
	_ =	shalt  }
.Lfunc_end2:
_tile_overlayer_lowered:
.L_overlay_start_2:
0x6b: {  	(tag) =	ssettag $0x2  }
0x6c: {  	s0 =	rddreg [dreg:$0x0];
	s2 =	stileid.u32  }
0x6d: {  	s1 =	rddreg [dreg:$0x1];
	p0 =	sne.s32 s2, $0x0  }
0x6e: {  	s3 =	rddreg [dreg:$0x2];
	[bflag:$0x3] =	sbarrier.arrive $0xFFFF;
	s2 =	simm.s32 @!p0 $0x1C03  }
0x6f: {  	[timem:s3], [sflag:s2] =	dma.local @!p0 [hbm:s0], s1  }
0x70: {  	s0 =	simm.s32 @!p0 $0x3  }
0x71: {  	_ =	swait.ge @!p0 [sflag:s0], s1  }
0x72: {  	s1 =	ssub.s32 @!p0 $0x0, s1;
	[sflag:s0] =	ssyncset.done @!p0 $0x0  }
0x73: {  	[sflag:s0] =	ssyncadd.s32 @!p0 s1  }
0x74: {  	[bflag:$0x3] =	sbarrier.arrive $0xFFFF  }
0x75: {  	_ =	shalt  }

// kernel: _run.9.cloned.1.call-start
scs
__scs_entry_jumppad:
0x0: {  	(pc) =	sbr.rel $0x88, $3  }
0x1: {  	(tag) =	ssettag $0x0;
	lr =	simm.s32 $0x1  }
0x2: {  	[smem:$0x3F9B] =	sst lr;
	_ =	strace $0xD0000000  }
0x3: {  	_ = 	snop  }
0x4: {  	_ = 	snop  }
0x5: {  	_ = 	snop  }
0x6: {  	_ = 	snop  }
0x7: {  	_ = 	snop  }
__scs_overlays_trampoline_lowered:
0x8: {  	[smem:$0x3FAA] =	sst s0  }
0x9: {  	[smem:$0x3FAB] =	sst s1  }
0xa: {  	[smem:$0x3FAC] =	sst s2  }
0xb: {  	[smem:$0x3FAD] =	sst s3  }
0xc: {  	[smem:$0x3FAE] =	sst s4  }
0xd: {  	[smem:$0x3FAF] =	sst s5  }
0xe: {  	[smem:$0x3FB0] =	sst s6  }
0xf: {  	[smem:$0x3FB1] =	sst s7  }
0x10: {  	[smem:$0x3FB2] =	sst s8  }
0x11: {  	[smem:$0x3FB3] =	sst s9;
	s0 =	simm.s32 @!p0 $0x0  }
0x12: {  	s1 =	sld [smem:$0x3F99];
	s0 =	simm.s32 @p0 $0x1  }
0x13: {  	[smem:$0x3FB4] =	sst s0;
	s0 =	simm.s32 @!p1 $0x0  }
0x14: {  	s2 =	sld [smem:$0x3F98];
	s0 =	simm.s32 @p1 $0x1  }
0x15: {  	[smem:$0x3FB5] =	sst s0;
	s0 =	simm.s32 @!p2 $0x0  }
0x16: {  	s3 =	sld [smem:$0x3FDB];
	s0 =	simm.s32 @p2 $0x1  }
0x17: {  	s4 =	simm.s32 $0x1BF5;
	[smem:$0x3FB7] =	sst s0  }
0x18: {  	s0 =	sld [smem:$0x3F9A];
	_ =	swait.ge [sflag:s4], $0x0  }
0x19: {  	s7 =	sld [smem:$0x3F9B]  }
0x1a: {  	s8 =	sadd.s32 $0xFFFFE003, lr  }
0x1b: {  	s9 =	sadd.s32 $0xFFFFFEF7, lr;
	s5 =	simm.s32 $0xFFFFFFFF;
	p2 =	slt.u32 s8, $0xFFFFF086  }
0x1c: {  	p1 =	slt.u32 s9, $0xF7A;
	s5 =	simm.s32 @!p2 $0x0  }
0x1d: {  	s5 =	simm.s32 @p1 $0x1;
	p0 =	seq.s32 s7, s2  }
0x1e: {  	s7 =	smul.u32 @!p0 $0xF7A, s2;
	p2 =	seq.s32 @!p0 s5, $0x0  }
0x1f: {  	s9 =	smul.u32 $0xF7A, s1;
	s8 =	simm.s32 @!p0 $0x1BF5;
	p2 =	por !p2, p0  }
0x20: {  	[sflag:s8] =	ssyncset.s32 @!p0 $0xFFFFF086;
	s6 =	sadd.s32 @!p0 s3, s7;
	s7 =	simm.s32 @!p0 $0x108  }
0x21: {  	s3 =	sadd.s32 s3, s9;
	s6 =	sadd.s32 @!p0 $0x88, s6;
	s7 =	simm.s32 @p2 $0x1082  }
0x22: {  	[simem:s7], [sflag:s8] =	dma.local @!p0 [hbm:s6], $0xF7A  }
0x23: {  	s9 =	sor.u32 $0xD0000000, s2;
	s6 =	simm.s32 $0x108;
	_ =	swait.ge @!p0 [sflag:s8], $0x0  }
0x24: {  	s3 =	sadd.s32 $0x88, s3;
	s6 =	simm.s32 @!p1 $0x1082;
	[sflag:s4] =	ssyncset.s32 $0xFFFFF086  }
0x25: {  	[simem:s6], [sflag:s4] =	dma.local [hbm:s3], $0xF7A  }
0x26: {  	[smem:$0x3F9B] =	sst s1;
	(tag) =	ssettag s2;
	_ =	strace s9  }
0x27: {  	s1 =	sld [smem:$0x3FAB]  }
0x28: {  	s2 =	sld [smem:$0x3FAC]  }
0x29: {  	s4 =	sld [smem:$0x3FAE]  }
0x2a: {  	p0 =	seq.s32 s5, $0x0;
	s5 =	sld [smem:$0x3FAF]  }
0x2b: {  	s6 =	sld [smem:$0x3FB0]  }
0x2c: {  	s7 =	sld [smem:$0x3FB1]  }
0x2d: {  	s3 =	simm.s32 $0x108;
	s8 =	sld [smem:$0x3FB2]  }
0x2e: {  	s3 =	simm.s32 @!p0 $0x1082;
	s9 =	sld [smem:$0x3FB3]  }
0x2f: {  	lr =	sadd.s32 s0, s3;
	s0 =	sld [smem:$0x3FAA]  }
0x30: {  	s3 =	sld [smem:$0x3FAD]  }
0x31: {  	[smem:$0x3FB6] =	sst s10  }
0x32: {  	s10 =	sld [smem:$0x3FB4];
	_ =	sdelay $0x3  }
0x33: {  	p0 =	seq.s32 s10, $0x1;
	s10 =	sld [smem:$0x3FB6];
	_ =	sdelay $0x3  }
0x34: {  	[smem:$0x3FB6] =	sst s10  }
0x35: {  	s10 =	sld [smem:$0x3FB5];
	_ =	sdelay $0x3  }
0x36: {  	p1 =	seq.s32 s10, $0x1;
	s10 =	sld [smem:$0x3FB6];
	_ =	sdelay $0x3  }
0x37: {  	[smem:$0x3FB6] =	sst s10  }
0x38: {  	s10 =	sld [smem:$0x3FB7]  }
0x39: {  	_ = 	snop;
	(pc) =	sbr.ind lr, $3  }
0x3a: {  	_ = 	snop  }
0x3b: {  	_ = 	snop  }
0x3c: {  	p2 =	seq.s32 s10, $0x1;
	s10 =	sld [smem:$0x3FB6]  }
0x3d: {  	_ =	shalt  }
0x3e: {  	_ =	shalt  }
0x3f: {  	_ =	shalt  }
0x40: {  	_ =	shalt  }
0x41: {  	_ =	shalt  }
0x42: {  	_ =	shalt  }
0x43: {  	_ =	shalt  }
0x44: {  	_ =	shalt  }
0x45: {  	_ =	shalt  }
0x46: {  	_ =	shalt  }
0x47: {  	_ =	shalt  }
0x48: {  	_ =	shalt  }
0x49: {  	_ =	shalt  }
0x4a: {  	_ =	shalt  }
0x4b: {  	_ =	shalt  }
0x4c: {  	_ =	shalt  }
0x4d: {  	_ =	shalt  }
0x4e: {  	_ =	shalt  }
0x4f: {  	_ =	shalt  }
0x50: {  	_ =	shalt  }
0x51: {  	_ =	shalt  }
0x52: {  	_ =	shalt  }
0x53: {  	_ =	shalt  }
0x54: {  	_ =	shalt  }
0x55: {  	_ =	shalt  }
0x56: {  	_ =	shalt  }
0x57: {  	_ =	shalt  }
0x58: {  	_ =	shalt  }
0x59: {  	_ =	shalt  }
0x5a: {  	_ =	shalt  }
0x5b: {  	_ =	shalt  }
0x5c: {  	_ =	shalt  }
0x5d: {  	_ =	shalt  }
0x5e: {  	_ =	shalt  }
0x5f: {  	_ =	shalt  }
0x60: {  	_ =	shalt  }
0x61: {  	_ =	shalt  }
0x62: {  	_ =	shalt  }
0x63: {  	_ =	shalt  }
0x64: {  	_ =	shalt  }
0x65: {  	_ =	shalt  }
0x66: {  	_ =	shalt  }
0x67: {  	_ =	shalt  }
0x68: {  	_ =	shalt  }
0x69: {  	_ =	shalt  }
0x6a: {  	_ =	shalt  }
0x6b: {  	_ =	shalt  }
0x6c: {  	_ =	shalt  }
0x6d: {  	_ =	shalt  }
0x6e: {  	_ =	shalt  }
0x6f: {  	_ =	shalt  }
0x70: {  	_ =	shalt  }
0x71: {  	_ =	shalt  }
0x72: {  	_ =	shalt  }
0x73: {  	_ =	shalt  }
0x74: {  	_ =	shalt  }
0x75: {  	_ =	shalt  }
0x76: {  	_ =	shalt  }
0x77: {  	_ =	shalt  }
0x78: {  	_ =	shalt  }
0x79: {  	_ =	shalt  }
0x7a: {  	_ =	shalt  }
0x7b: {  	_ =	shalt  }
0x7c: {  	_ =	shalt  }
0x7d: {  	_ =	shalt  }
0x7e: {  	_ =	shalt  }
0x7f: {  	_ =	shalt  }
0x80: {  	_ =	shalt  }
0x81: {  	_ =	shalt  }
0x82: {  	_ =	shalt  }
0x83: {  	_ =	shalt  }
0x84: {  	_ =	shalt  }
0x85: {  	_ =	shalt  }
0x86: {  	_ =	shalt  }
0x87: {  	_ =	shalt  }
.Lfunc_end0:
.L_simem_size_0:
called_computation_lowered:
.L_overlay_start_0:
0x88: {  	s2 =	sld [smem:$0x3FD9]  }
0x89: {  	s3 =	sld [smem:$0x3FFE];
	_ =	sdelay $0x1  }
0x8a: {  	s1 =	srdreg.scid  }
0x8b: {  	s0 =	sand.u32 $0x1, s1  }
0x8c: {  	s14 =	sshll.u32 s0, $0xA;
	s2 =	sadd.s32 s3, s2  }
0x8d: {  	s2 =	sadd.s32 s2, s14  }
0x8e: {  	[smem:$0x3FC2] =	sst s2  }
0x8f: {  	_ = 	snop  }
0x90: {  	s2 =	sld [smem:$0x3FD0];
	_ =	sdelay $0x2  }
0x91: {  	s15 =	simm.s32 $0xA;
	s4 =	simm.s32 $0x10  }
0x92: {  	[smem:s4], [sflag:s15] =	dma.local [hbm:s2], $0x1  }
0x93: {  	_ =	swait.eq [sflag:s15], $0x1  }
0x94: {  	[sflag:s15] =	ssyncset.done $0x0  }
0x95: {  	s16 =	sld [smem:$0x10];
	[sflag:s15] =	ssyncadd.s32 $0xFFFFFFFF  }
0x96: {  	s17 =	sld [smem:$0x11];
	(tm) =	ssettm $0x1  }
0x97: {  	s18 =	sld [smem:$0x3FFB];
	_ =	sdelay $0x3  }
0x98: {  	_ =	strace s18  }
0x99: {  	s4 =	sld [smem:$0x3FFC];
	_ =	sdelay $0x3  }
0x9a: {  	_ =	strace s4  }
0x9b: {  	s4 =	sld [smem:$0x3FFD];
	_ =	sdelay $0x3  }
0x9c: {  	_ =	strace s4  }
0x9d: {  	_ =	strace $0x8FFFFFFF  }
0x9e: {  	s19 =	sld [smem:$0x3FDB];
	_ =	sdelay $0x1  }
0x9f: {  	s5 =	simm.s32 $_scs_section_size  }
0xa0: {  	s6 =	simm.s32 $_size__tile_overlayer_lowered;
	s7 =	simm.s32 $_tile_overlayer_lowered  }
0xa1: {  	s22 =	simm.s32 $0x1BFF;
	s21 =	sshll.u32 s7, $0x1;
	s4 =	sadd.s32 s5, s19  }
0xa2: {  	s8 =	simm.s32 $0x0;
	s20 =	sshll.u32 s6, $0x1;
	s6 =	sadd.s32 s21, s4  }
0xa3: {  	[timem:s8], [sflag:s22] =	dma.local [hbm:s6], s20  }
0xa4: {  	_ =	swait.ge [sflag:s22], s20  }
0xa5: {  	s5 =	ssub.s32 $0x0, s20;
	[sflag:s22] =	ssyncset.done $0x0  }
0xa6: {  	[sflag:s22] =	ssyncadd.s32 s5;
	_ =	sdelay $0x1  }
0xa7: {  	s23 =	simm.s32 $0x1B8B  }
0xa8: {  	_ =	swait.ge [sflag:s23], $0x1  }
0xa9: {  	[sflag:s23] =	ssyncset.done $0x0  }
0xaa: {  	s25 =	simm.s32 $0x1B8E;
	s24 =	sld [smem:$0x3FFE];
	[sflag:s23] =	ssyncadd.s32 $0xFFFFFFFF  }
0xab: {  	s26 =	simm.s32 $execute0_lowered;
	[smem:$0x3FD2] =	sst s25  }
0xac: {  	s6 =	sshll.u32 s26, $0x1;
	_ =	strace $0x80000046;
	[dreg:$0x1] =	wrdreg $0xFFFFFFFF  }
0xad: {  	s28 =	simm.s32 $_size_execute0_lowered;
	s4 =	sadd.s32 s4, s6;
	[dreg:$0x0] =	wrdreg $0x0  }
0xae: {  	s6 =	sshll.u32 s28, $0x1;
	[dreg:$0x2] =	wrdreg s4  }
0xaf: {  	[dreg:$0x3] =	wrdreg s6  }
0xb0: {  	[dreg:$0x4] =	wrdreg $0xC0  }
0xb1: {  	_ =	task [dreg:s8], $0x5FFFF  }
0xb2: {  	[dreg:$0x1] =	wrdreg $0xFFFFFFFF  }
0xb3: {  	[dreg:$0x0] =	wrdreg $0x60  }
0xb4: {  	[dreg:$0x2] =	wrdreg s17  }
0xb5: {  	[dreg:$0x3] =	wrdreg s16  }
0xb6: {  	[dreg:$0x4] =	wrdreg s24  }
0xb7: {  	[dreg:$0x5] =	wrdreg $0x9F100  }
0xb8: {  	[dreg:$0x6] =	wrdreg $0x9  }
0xb9: {  	_ =	task.clear_ibuf [dreg:s8], $0x7FFFF;
	_ =	strace $0x90000046  }
0xba: {  	s29 =	simm.s32 $0x9;
	_ =	strace $0x80000048  }
0xbb: {  	_ =	swait.ge [sflag:s29], $0x1  }
0xbc: {  	[sflag:s29] =	ssyncadd.s32 $0xFFFFFFFF  }
0xbd: {  	_ =	strace $0x90000048  }
0xbe: {  	_ =	sfence  }
0xbf: {  	s30 =	sld [smem:$0x0];
	_ =	sdelay $0x2  }
0xc0: {  	s31 =	sshll.u32 s1, $0xD;
	s1 =	sshrl.u32 s1, $0x2  }
0xc1: {  	s3 =	sand.u32 $0x4000, s31;
	s1 =	sadd.s32 s1, s30  }
0xc2: {  	s0 =	sor.u32 s3, s0;
	s1 =	sshll.u32 s1, $0x11  }
0xc3: {  	s0 =	sor.u32 s1, s0  }
0xc4: {  	s0 =	sadd.s32 $0x8F2B, s0  }
0xc5: {  	[sflag:s0] =	ssyncadd.remote.s32 $0x1  }
0xc6: {  	_ =	sfence.sel $0xFFFF  }
0xc7: {  	[dreg:$0x0] =	wrdreg $0xFFFFFFFF;
	(pc) =	sbr.abs _section_cstart, $3  }
0xc8: {  	[dreg:$0x1] =	wrdreg $0xFFFFFFFF  }
0xc9: {  	_ =	task.clear_ibuf [dreg:s8], $0x2FFFF;
	_ =	strace $0x9FFFFFFF  }
0xca: {  	(tm) =	ssettm $0x7FFFFFFF  }
0xcb: {  	_ =	shalt  }
tec
execute0_lowered:
.L_overlay_start_1:
0x0: {  	(tag) =	ssettag $0x1  }
0x1: {  	s3 =	rddreg [dreg:$0x0]  }
0x2: {  	s6 =	rddreg [dreg:$0x1]  }
0x3: {  	s1 =	srdreg.scid;
	s4 =	rddreg [dreg:$0x2]  }
0x4: {  	s0 =	stileid.u32;
	s8 =	rddreg [dreg:$0x3];
	s2 =	simm.s32 $0x0  }
0x5: {  	s15 =	simm.s32 $0x2800;
	s16 =	simm.s32 $0x4F10;
	s17 =	simm.s32 $0x7710  }
0x6: {  	s18 =	simm.s32 $0x10;
	s19 =	simm.s32 $0x40;
	s7 =	smul.u32 $0xA000, s0  }
0x7: {  	s20 =	simm.s32 $0x0;
	s5 =	sand.u32 $0x1, s1;
	s11 =	smul.u32 $0xA00, s0  }
0x8: {  	s10 =	sshll.u32 s0, $0x1;
	s1 =	rddreg [dreg:$0x4];
	s26 =	smul.u32 $0x2800, s0  }
0x9: {  	[smem:$0x7FF] =	sst s2;
	s9 =	smul.u32 $0xA0000, s5;
	s10 =	sor.u32 s5, s10  }
0xa: {  	_ =	strace $0x80000047;
	s12 =	ssub.s32 $0x2, s5;
	s5 =	smul.u32 $0x28000, s5  }
0xb: {  	s10 =	smul.u32 $0x2710, s10;
	s13 =	sshrl.u32 s12, $0x1;
	s28 =	sshrl.u32 s7, $0x2  }
0xc: {  	s29 =	sshrl.u32 s11, $0x2;
	s9 =	sadd.s32 s7, s9;
	s12 =	ssub.s32 s12, s13  }
0xd: {  	s30 =	sadd.s32 s26, s5;
	s5 =	sadd.s32 s29, s8;
	s13 =	simm.s32 $0x2710  }
0xe: {  	s9 =	sshrl.u32 s9, $0x3;
	s10 =	sshrl.u32 s10, $0x3;
	s31 =	sshrl.u32 s30, $0x3  }
0xf: {  	s11 =	smax.u32 s12, $0x1;
	s12 =	simm.s32 $0x1;
	s3 =	sadd.s32 s3, s10  }
0x10: {  	s14 =	sadd.s32 s9, s4;
	s4 =	sadd.s32 s28, s8;
	s6 =	sadd.s32 s6, s31  }
0x11: {  	v2 =	vlaneseq.u32;
	s3 =	sadd.s32 $0x9C40, s3;
	s7 =	sadd.s32 $0x2E00, s14;
	s8 =	sadd.s32 $0x2E02, s14  }
0x12: {  	v0 =	vimm.f32 $0.0e+00;
	v1 =	vimm.f32 $1.000000000e+00;
	v2 =	vmul.u32 $0x10, v2;
	s9 =	sadd.s32 $0x2E04, s14;
	s10 =	sadd.s32 $0x2E06, s14;
	s14 =	simm.s32 $0x280  }
.LBB2_1:
0x13: {  	s21 =	simm.s32 $0x40;
	s22 =	simm.s32 $0x0  }
.LBB2_2:
0x14: {  	p0 =	sne.s32 s21, $0x9FC0;
	[tilespmem:s22+$0x2710] =	vst v0;
	s22 =	smov.u32 s21;
	s21 =	sadd.s32 $0x40, s21  }
.Ltmp0:
0x15: {  	(pc) =	sbr.rel @p0 .LBB2_2-.Ltmp0, $2  }
0x16: {  	_ =	sdelay $0x2  }
0x17: {  	s22 =	sshra.s32 s22, $0x2  }
0x18: {  	[tilespmem:s22+$0x2710] =	vst v0;
	s21 =	simm.s32 $0x0  }
0x19: {  	[tilespmem:s21], [sflag:$0x1] =	stream.linear.gather [hbm4b:s3+s21], $0x2710, $0x38;
	[tilespmem:$0xC710] =	vst v63  }
0x1a: {  	_ =	swait.ge [sflag:s12], $0x2710  }
0x1b: {  	[sflag:s12] =	ssyncset.done $0x0  }
0x1c: {  	s22 =	simm.s32 $0x0;
	s21 =	simm.s32 $0x40;
	[sflag:s12] =	ssyncadd.s32 $0xFFFFD8F0  }
.LBB2_4:
0x1d: {  	p0 =	sne.s32 s21, $0x9C00;
	v3 =	vld [tilespmem:s22+$0x0];
	_ =	sdelay $0x3  }
.Ltmp1:
0x1e: {  	(pc) =	sbr.rel @p0 .LBB2_4-.Ltmp1, $2  }
0x1f: {  	_ =	sdelay $0x2  }
0x20: {  	s22 =	sshra.s32 s21, $0x2;
	s21 =	sadd.s32 $0x40, s21;
	[tilespmem:v3+s13+$0x0] =	vst.idx.add.f32.msk $0xffff, v1  }
0x21: {  	v3 =	vld [tilespmem:s22+$0x0];
	_ =	sdelay $0x7  }
0x22: {  	[tilespmem:v3+s13+$0x0] =	vst.idx.add.f32.msk $0xffff, v1  }
0x23: {  	[spmem:s4] =	stream.linear.scatter [tilespmem:s13], [sflag:$0x1], $0x2800, $0x38;
	[tilespmem:$0xC710] =	vst v63  }
0x24: {  	_ =	swait.ge [sflag:s12], $0x2800  }
0x25: {  	[sflag:s12] =	ssyncset.done $0x0  }
0x26: {  	[sflag:s12] =	ssyncadd.s32 $0xFFFFD800  }
0x27: {  	[bflag:$0x0] =	sbarrier.arrive $0xFFFF  }
0x28: {  	[tilespmem:s16], [sflag:$0x1] =	stream.strided.gather [spmem:s5], $0x2800, s15, s14, $0x38;
	[tilespmem:$0xC710] =	vst v63  }
0x29: {  	_ =	swait.ge [sflag:s12], $0x2800  }
0x2a: {  	[sflag:s12] =	ssyncset.done $0x0  }
0x2b: {  	s21 =	simm.s32 $0xFFFFFD80;
	[sflag:s12] =	ssyncadd.s32 $0xFFFFD800  }
0x2c: {  	s22 =	simm.s32 $0xFFFFF640;
	v3 =	vld [tilespmem:s21+$0x5410]  }
.LBB2_6:
0x2d: {  	p0 =	sne.s32 s22, $0xFFFFFFC0;
	v4 =	vld [tilespmem:s21+$0x5190];
	_ =	sdelay $0x1  }
0x2e: {  	v5 =	vld [tilespmem:s21+$0x5690];
	_ =	sdelay $0x1  }
0x2f: {  	v6 =	vld [tilespmem:s21+$0x5910]  }
0x30: {  	v3 =	vadd.f32 v3, v4  }
0x31: {  	v4 =	vld [tilespmem:s21+$0x5B90]  }
0x32: {  	v3 =	vadd.f32 v5, v3  }
0x33: {  	v5 =	vld [tilespmem:s21+$0x5E10]  }
0x34: {  	v3 =	vadd.f32 v6, v3  }
0x35: {  	v6 =	vld [tilespmem:s21+$0x6090]  }
0x36: {  	v3 =	vadd.f32 v4, v3  }
0x37: {  	v4 =	vld [tilespmem:s21+$0x6310]  }
0x38: {  	v3 =	vadd.f32 v5, v3  }
0x39: {  	v5 =	vld [tilespmem:s21+$0x6590]  }
0x3a: {  	v3 =	vadd.f32 v6, v3  }
0x3b: {  	v6 =	vld [tilespmem:s21+$0x6810]  }
0x3c: {  	v3 =	vadd.f32 v4, v3  }
0x3d: {  	v4 =	vld [tilespmem:s21+$0x6A90]  }
0x3e: {  	v3 =	vadd.f32 v5, v3  }
0x3f: {  	v5 =	vld [tilespmem:s21+$0x6D10]  }
0x40: {  	v3 =	vadd.f32 v6, v3  }
0x41: {  	v6 =	vld [tilespmem:s21+$0x6F90]  }
0x42: {  	v3 =	vadd.f32 v4, v3  }
0x43: {  	v4 =	vld [tilespmem:s21+$0x7210]  }
0x44: {  	v3 =	vadd.f32 v5, v3  }
0x45: {  	v5 =	vld [tilespmem:s21+$0x7490]  }
0x46: {  	v3 =	vadd.f32 v6, v3  }
0x47: {  	v6 =	vld [tilespmem:s21+$0x7710]  }
0x48: {  	v3 =	vadd.f32 v4, v3;
	_ =	sdelay $0x1  }
.Ltmp2:
0x49: {  	v3 =	vadd.f32 v5, v3;
	(pc) =	sbr.rel @p0 .LBB2_6-.Ltmp2, $4  }
0x4a: {  	_ = 	snop  }
0x4b: {  	v4 =	vadd.f32 v6, v3  }
0x4c: {  	s23 =	sshra.s32 s22, $0x2  }
0x4d: {  	s22 =	sadd.s32 $0x40, s22;
	v3 =	vld [tilespmem:s23+$0x5410];
	[tilespmem:s21+$0x5190] =	vst v4;
	s21 =	smov.u32 s23  }
0x4e: {  	v4 =	vld [tilespmem:s21+$0x5190];
	_ =	sdelay $0x1  }
0x4f: {  	v5 =	vld [tilespmem:s21+$0x5690];
	_ =	sdelay $0x1  }
0x50: {  	v6 =	vld [tilespmem:s21+$0x5910]  }
0x51: {  	v3 =	vadd.f32 v3, v4  }
0x52: {  	v4 =	vld [tilespmem:s21+$0x5B90]  }
0x53: {  	v3 =	vadd.f32 v5, v3  }
0x54: {  	v5 =	vld [tilespmem:s21+$0x5E10]  }
0x55: {  	v3 =	vadd.f32 v6, v3  }
0x56: {  	v6 =	vld [tilespmem:s21+$0x6090]  }
0x57: {  	v3 =	vadd.f32 v4, v3  }
0x58: {  	v4 =	vld [tilespmem:s21+$0x6310]  }
0x59: {  	v3 =	vadd.f32 v5, v3  }
0x5a: {  	v5 =	vld [tilespmem:s21+$0x6590]  }
0x5b: {  	v3 =	vadd.f32 v6, v3  }
0x5c: {  	v6 =	vld [tilespmem:s21+$0x6810]  }
0x5d: {  	v3 =	vadd.f32 v4, v3  }
0x5e: {  	v4 =	vld [tilespmem:s21+$0x6A90]  }
0x5f: {  	v3 =	vadd.f32 v5, v3  }
0x60: {  	v5 =	vld [tilespmem:s21+$0x6D10]  }
0x61: {  	v3 =	vadd.f32 v6, v3  }
0x62: {  	v6 =	vld [tilespmem:s21+$0x6F90]  }
0x63: {  	v3 =	vadd.f32 v4, v3  }
0x64: {  	v4 =	vld [tilespmem:s21+$0x7210]  }
0x65: {  	v3 =	vadd.f32 v5, v3  }
0x66: {  	v5 =	vld [tilespmem:s21+$0x7490]  }
0x67: {  	v3 =	vadd.f32 v6, v3  }
0x68: {  	v6 =	vld [tilespmem:s21+$0x7710]  }
0x69: {  	v3 =	vadd.f32 v4, v3;
	_ =	sdelay $0x1  }
0x6a: {  	v3 =	vadd.f32 v5, v3;
	_ =	sdelay $0x1  }
0x6b: {  	s22 =	simm.s32 $0x0;
	v3 =	vadd.f32 v6, v3  }
0x6c: {  	v4 =	vmov s22  }
0x6d: {  	v4 =	vshll.u32 v4, $0x4;
	[tilespmem:s21+$0x5190] =	vst v3;
	s21 =	simm.s32 $0x4F10  }
0x6e: {  	v4 =	vor.u32 v2, v4;
	v3 =	vld [tilespmem:s21+$0x0]  }
0x6f: {  	v5 =	vor.u32 $0x1, v4  }
0x70: {  	v6 =	vor.u32 $0x2, v4  }
0x71: {  	v7 =	vor.u32 $0x3, v4  }
0x72: {  	v8 =	vor.u32 $0x4, v4  }
0x73: {  	v9 =	vor.u32 $0x5, v4;
	[tilespmem:v4+s17+$0x0] =	vst.idx.msk $0xffff, v3  }
0x74: {  	[tilespmem:v5+s17+$0x0] =	vst.idx.msk $0xffff, v3;
	v5 =	vor.u32 $0x6, v4  }
0x75: {  	[tilespmem:v6+s17+$0x0] =	vst.idx.msk $0xffff, v3;
	v6 =	vor.u32 $0x7, v4  }
0x76: {  	[tilespmem:v7+s17+$0x0] =	vst.idx.msk $0xffff, v3;
	v7 =	vor.u32 $0x8, v4  }
0x77: {  	v61 =	vor.u32 $0x9, v4;
	[tilespmem:v8+s17+$0x0] =	vst.idx.msk $0xffff, v3  }
0x78: {  	v62 =	vor.u32 $0xA, v4;
	[tilespmem:v9+s17+$0x0] =	vst.idx.msk $0xffff, v3  }
0x79: {  	[tilespmem:v5+s17+$0x0] =	vst.idx.msk $0xffff, v3;
	v5 =	vor.u32 $0xB, v4  }
0x7a: {  	[tilespmem:v6+s17+$0x0] =	vst.idx.msk $0xffff, v3;
	v6 =	vor.u32 $0xC, v4  }
0x7b: {  	[tilespmem:v7+s17+$0x0] =	vst.idx.msk $0xffff, v3;
	v7 =	vor.u32 $0xD, v4  }
0x7c: {  	v63 =	vor.u32 $0xE, v4;
	[tilespmem:v61+s17+$0x0] =	vst.idx.msk $0xffff, v3  }
0x7d: {  	[tilespmem:v62+s17+$0x0] =	vst.idx.msk $0xffff, v3  }
0x7e: {  	v4 =	vor.u32 $0xF, v4;
	[tilespmem:v5+s17+$0x0] =	vst.idx.msk $0xffff, v3  }
0x7f: {  	[tilespmem:v6+s17+$0x0] =	vst.idx.msk $0xffff, v3  }
0x80: {  	s23 =	simm.s32 $0x10;
	[tilespmem:v7+s17+$0x0] =	vst.idx.msk $0xffff, v3  }
0x81: {  	s22 =	simm.s32 $0x20;
	v5 =	vmov s23;
	[tilespmem:v63+s17+$0x0] =	vst.idx.msk $0xffff, v3  }
.LBB2_8:
0x82: {  	p0 =	sne.s32 s22, $0x270  }
0x83: {  	v5 =	vshll.u32 v5, $0x4;
	[tilespmem:v4+s17+$0x0] =	vst.idx.msk $0xffff, v3;
	s21 =	sadd.s32 $0x10, s21;
	s23 =	smov.u32 s22;
	s22 =	sadd.s32 $0x10, s22  }
0x84: {  	v3 =	vld [tilespmem:s21+$0x0];
	v4 =	vor.u32 v2, v5  }
0x85: {  	v5 =	vor.u32 $0x1, v4  }
0x86: {  	v6 =	vor.u32 $0x2, v4  }
0x87: {  	v7 =	vor.u32 $0x3, v4  }
0x88: {  	v8 =	vor.u32 $0x4, v4  }
0x89: {  	v9 =	vor.u32 $0x5, v4;
	[tilespmem:v4+s17+$0x0] =	vst.idx.msk $0xffff, v3  }
0x8a: {  	[tilespmem:v5+s17+$0x0] =	vst.idx.msk $0xffff, v3;
	v5 =	vor.u32 $0x6, v4  }
0x8b: {  	[tilespmem:v6+s17+$0x0] =	vst.idx.msk $0xffff, v3;
	v6 =	vor.u32 $0x7, v4  }
0x8c: {  	[tilespmem:v7+s17+$0x0] =	vst.idx.msk $0xffff, v3;
	v7 =	vor.u32 $0x8, v4  }
0x8d: {  	[tilespmem:v8+s17+$0x0] =	vst.idx.msk $0xffff, v3;
	v8 =	vor.u32 $0x9, v4  }
0x8e: {  	[tilespmem:v9+s17+$0x0] =	vst.idx.msk $0xffff, v3;
	v9 =	vor.u32 $0xA, v4  }
0x8f: {  	[tilespmem:v5+s17+$0x0] =	vst.idx.msk $0xffff, v3;
	v5 =	vor.u32 $0xB, v4  }
0x90: {  	[tilespmem:v6+s17+$0x0] =	vst.idx.msk $0xffff, v3;
	v6 =	vor.u32 $0xC, v4  }
0x91: {  	[tilespmem:v7+s17+$0x0] =	vst.idx.msk $0xffff, v3;
	v7 =	vor.u32 $0xD, v4  }
0x92: {  	[tilespmem:v8+s17+$0x0] =	vst.idx.msk $0xffff, v3;
	v8 =	vor.u32 $0xE, v4  }
.Ltmp3:
0x93: {  	v4 =	vor.u32 $0xF, v4;
	[tilespmem:v9+s17+$0x0] =	vst.idx.msk $0xffff, v3;
	(pc) =	sbr.rel @p0 .LBB2_8-.Ltmp3, $4  }
0x94: {  	[tilespmem:v5+s17+$0x0] =	vst.idx.msk $0xffff, v3  }
0x95: {  	[tilespmem:v6+s17+$0x0] =	vst.idx.msk $0xffff, v3  }
0x96: {  	[tilespmem:v7+s17+$0x0] =	vst.idx.msk $0xffff, v3  }
0x97: {  	v5 =	vmov s23;
	[tilespmem:v8+s17+$0x0] =	vst.idx.msk $0xffff, v3  }
0x98: {  	_ =	sdelay $0x3  }
0x99: {  	v5 =	vshll.u32 v5, $0x4;
	[tilespmem:v4+s17+$0x0] =	vst.idx.msk $0xffff, v3;
	s21 =	sadd.s32 $0x10, s21  }
0x9a: {  	v3 =	vld [tilespmem:s21+$0x0];
	v54 =	vor.u32 v2, v5  }
0x9b: {  	v5 =	vor.u32 $0x1, v54  }
0x9c: {  	v6 =	vor.u32 $0x2, v54  }
0x9d: {  	v7 =	vor.u32 $0x3, v54  }
0x9e: {  	v8 =	vor.u32 $0x4, v54  }
0x9f: {  	v9 =	vor.u32 $0x5, v54;
	[tilespmem:v54+s17+$0x0] =	vst.idx.msk $0xffff, v3  }
0xa0: {  	v55 =	vor.u32 $0x6, v54;
	[tilespmem:v5+s17+$0x0] =	vst.idx.msk $0xffff, v3  }
0xa1: {  	v56 =	vor.u32 $0x7, v54;
	[tilespmem:v6+s17+$0x0] =	vst.idx.msk $0xffff, v3  }
0xa2: {  	v57 =	vor.u32 $0x8, v54;
	[tilespmem:v7+s17+$0x0] =	vst.idx.msk $0xffff, v3  }
0xa3: {  	v58 =	vor.u32 $0x9, v54;
	[tilespmem:v8+s17+$0x0] =	vst.idx.msk $0xffff, v3  }
0xa4: {  	v59 =	vor.u32 $0xA, v54;
	[tilespmem:v9+s17+$0x0] =	vst.idx.msk $0xffff, v3  }
0xa5: {  	v60 =	vor.u32 $0xB, v54;
	[tilespmem:v55+s17+$0x0] =	vst.idx.msk $0xffff, v3  }
0xa6: {  	v61 =	vor.u32 $0xC, v54;
	[tilespmem:v56+s17+$0x0] =	vst.idx.msk $0xffff, v3  }
0xa7: {  	v62 =	vor.u32 $0xD, v54;
	[tilespmem:v57+s17+$0x0] =	vst.idx.msk $0xffff, v3  }
0xa8: {  	v63 =	vor.u32 $0xE, v54;
	[tilespmem:v58+s17+$0x0] =	vst.idx.msk $0xffff, v3  }
0xa9: {  	v4 =	vor.u32 $0xF, v54;
	[tilespmem:v59+s17+$0x0] =	vst.idx.msk $0xffff, v3  }
0xaa: {  	[tilespmem:v60+s17+$0x0] =	vst.idx.msk $0xffff, v3  }
0xab: {  	[tilespmem:v61+s17+$0x0] =	vst.idx.msk $0xffff, v3  }
0xac: {  	[tilespmem:v62+s17+$0x0] =	vst.idx.msk $0xffff, v3  }
0xad: {  	[tilespmem:v63+s17+$0x0] =	vst.idx.msk $0xffff, v3  }
0xae: {  	[tilespmem:v4+s17+$0x0] =	vst.idx.msk $0xffff, v3  }
0xaf: {  	[hbm4b:s6+s2] =	stream.linear.scatter [tilespmem:s17], [sflag:$0x1], $0x2800, $0x38;
	[tilespmem:$0xC710] =	vst v63  }
0xb0: {  	_ =	swait.ge [sflag:s12], $0x2800  }
0xb1: {  	[sflag:s12] =	ssyncset.done $0x0  }
0xb2: {  	[sflag:s12] =	ssyncadd.s32 $0xFFFFD800  }
0xb3: {  	[hbm4b:s7+s18] =	stream.strided.scatter [tilespmem:s17], [sflag:$0x1], $0x2800, s19, s18, $0x38;
	[tilespmem:$0xC710] =	vst v63  }
0xb4: {  	_ =	swait.ge [sflag:s12], $0x2800  }
0xb5: {  	[sflag:s12] =	ssyncset.done $0x0  }
0xb6: {  	[sflag:s12] =	ssyncadd.s32 $0xFFFFD800  }
0xb7: {  	[hbm4b:s8+s18] =	stream.strided.scatter [tilespmem:s17], [sflag:$0x1], $0x2800, s19, s18, $0x38;
	[tilespmem:$0xC710] =	vst v63  }
0xb8: {  	_ =	swait.ge [sflag:s12], $0x2800  }
0xb9: {  	[sflag:s12] =	ssyncset.done $0x0  }
0xba: {  	[sflag:s12] =	ssyncadd.s32 $0xFFFFD800  }
0xbb: {  	[hbm4b:s9+s18] =	stream.strided.scatter [tilespmem:s17], [sflag:$0x1], $0x2800, s19, s18, $0x38;
	[tilespmem:$0xC710] =	vst v63  }
0xbc: {  	s20 =	sadd.s32 $0x1, s20;
	_ =	swait.ge [sflag:s12], $0x2800  }
0xbd: {  	p0 =	sne.s32 s20, s11;
	[sflag:s12] =	ssyncset.done $0x0  }
.Ltmp4:
0xbe: {  	[sflag:s12] =	ssyncadd.s32 $0xFFFFD800;
	(pc) =	sbr.rel @p0 .LBB2_1-.Ltmp4, $4  }
0xbf: {  	[hbm4b:s10+s18] =	stream.strided.scatter [tilespmem:s17], [sflag:$0x1], $0x2800, s19, s18, $0x38;
	[tilespmem:$0xC710] =	vst v63  }
0xc0: {  	_ =	swait.ge [sflag:s12], $0x2800  }
0xc1: {  	[sflag:s12] =	ssyncset.done $0x0  }
0xc2: {  	[sflag:s12] =	ssyncadd.s32 $0xFFFFD800  }
0xc3: {  	_ =	sfence.sel $0x180000  }
0xc4: {  	[bflag:$0x0] =	sbarrier.arrive $0xFFFF  }
0xc5: {  	p0 =	sne.s32 s0, $0x0;
	_ =	strace $0x90000047  }
0xc6: {  	s0 =	sadd.s32 @!p0 $0x100000, s1;
	[bflag:$0x2] =	sbarrier.arrive $0xFFFF  }
0xc7: {  	[sflag:s0] =	ssyncadd.tile.s32 @!p0 $0x1;
	_ =	shalt  }
.Lfunc_end2:
_tile_overlayer_lowered:
.L_overlay_start_2:
0xc8: {  	(tag) =	ssettag $0x2  }
0xc9: {  	s0 =	rddreg [dreg:$0x0];
	s2 =	stileid.u32  }
0xca: {  	s1 =	rddreg [dreg:$0x1];
	p0 =	sne.s32 s2, $0x0  }
0xcb: {  	s3 =	rddreg [dreg:$0x2];
	[bflag:$0x3] =	sbarrier.arrive $0xFFFF;
	s2 =	simm.s32 @!p0 $0x1C01  }
0xcc: {  	[timem:s3], [sflag:s2] =	dma.local @!p0 [hbm:s0], s1  }
0xcd: {  	s0 =	simm.s32 @!p0 $0x1  }
0xce: {  	_ =	swait.ge @!p0 [sflag:s0], s1  }
0xcf: {  	s1 =	ssub.s32 @!p0 $0x0, s1;
	[sflag:s0] =	ssyncset.done @!p0 $0x0  }
0xd0: {  	[sflag:s0] =	ssyncadd.s32 @!p0 s1  }
0xd1: {  	[bflag:$0x3] =	sbarrier.arrive $0xFFFF  }
0xd2: {  	_ =	shalt  }

</sc_bundles>
